<compile_context>
chip_gen: v7x
topology: tpu7x:2x2x1
jax: 0.10.2.dev20260603
libtpu: 0.0.44.dev20260713+nightly
codegen_flags: <defaults>
</compile_context>

<pallas_src>
import functools
import jax
import jax.numpy as jnp
from jax import lax
from jax.experimental import pallas as pl
from jax.experimental.pallas import tpu as pltpu
from jax.experimental.pallas import tpu_sc as plsc

N2 = 4096
NH_ = 2048
D = 128
SEQ = 20
EE = 131072
NHEADS = 4
DH = 32
DELTA = 0.1
PRES = 0.1
RB = 512
CB = 256
F32 = jnp.float32


def _qsum_body(dl_ref, sl_ref, out_ref, acc_ref):
    b = pl.program_id(0)
    a0 = jnp.sum(dl_ref[...], axis=0, keepdims=True)
    a1 = jnp.sum(sl_ref[...], axis=0, keepdims=True)
    cur = jnp.concatenate([a0, a1], axis=0)

    @pl.when(b == 0)
    def _():
        acc_ref[...] = jnp.zeros((2, D), F32)

    acc_ref[...] += cur

    @pl.when(b == pl.num_programs(0) - 1)
    def _():
        out_ref[...] = acc_ref[...]


def _qsum_call(dlast, slast):
    return pl.pallas_call(
        _qsum_body,
        grid=(NH_ // RB,),
        in_specs=[
            pl.BlockSpec((RB, D), lambda b: (b, 0)),
            pl.BlockSpec((RB, D), lambda b: (b, 0)),
        ],
        out_specs=pl.BlockSpec((2, D), lambda b: (0, 0)),
        out_shape=jax.ShapeDtypeStruct((2, D), F32),
        scratch_shapes=[pltpu.VMEM((2, D), F32)],
    )(dlast, slast)


def _mha_body(skill_ref, seq_ref, qrow_ref, wq_ref, wkv_ref,
              bq_ref, bkv_ref, wo_ref, bo_ref, fw1_ref, fw2_ref,
              fb_ref, hm_ref, ex_ref, snd_ref, rcv_ref,
              ug_ref, s1_ref, s2_ref):
    skill = skill_ref[...]
    q = skill + qrow_ref[...]
    scale = 1.0 / (DH ** 0.5)
    Q = (jnp.dot(q, wq_ref[...], preferred_element_type=F32) + bq_ref[...]) * scale
    hm = hm_ref[...]
    ex = ex_ref[...]
    lsum = jnp.zeros((RB, NHEADS), F32)
    o = jnp.zeros((RB, D), F32)
    for t in range(SEQ):
        st = seq_ref[:, t * D:(t + 1) * D]
        kv = jnp.dot(st, wkv_ref[...], preferred_element_type=F32) + bkv_ref[...]
        kt = kv[:, :D]
        vt = kv[:, D:]
        s4 = jnp.dot(Q * kt, hm, preferred_element_type=F32)
        p = jnp.exp(s4)
        lsum = lsum + p
        o = o + jnp.dot(p, ex, preferred_element_type=F32) * vt
    o = o / jnp.dot(lsum, ex, preferred_element_type=F32)
    att = jnp.dot(o, wo_ref[...], preferred_element_type=F32) + bo_ref[...]
    ug = (jnp.dot(skill, fw1_ref[...], preferred_element_type=F32)
          + jnp.dot(att, fw2_ref[...], preferred_element_type=F32) + fb_ref[...])
    ug_ref[...] = ug
    s1_ref[...] = jnp.tanh(snd_ref[...] * ug)
    s2_ref[...] = jnp.tanh(rcv_ref[...] * ug)


def _mha_half(seq2, skill, qrow, wq, wkv, bq, bkv, wo, bo,
              fw1, fw2, fb, hm, ex, snd, rcv):
    nblk = NH_ // RB
    full = lambda shape: pl.BlockSpec(shape, lambda b: tuple(0 for _ in shape))
    return pl.pallas_call(
        _mha_body,
        grid=(nblk,),
        in_specs=[
            pl.BlockSpec((RB, D), lambda b: (b, 0)),
            pl.BlockSpec((RB, SEQ * D), lambda b: (b, 0)),
            full((1, D)),
            full((D, D)), full((D, 2 * D)),
            full((1, D)), full((1, 2 * D)),
            full((D, D)), full((1, D)),
            full((D, D)), full((D, D)), full((1, D)),
            full((D, NHEADS)), full((NHEADS, D)),
            full((1, 1)), full((1, 1)),
        ],
        out_specs=[
            pl.BlockSpec((RB, D), lambda b: (b, 0)),
            pl.BlockSpec((RB, D), lambda b: (b, 0)),
            pl.BlockSpec((RB, D), lambda b: (b, 0)),
        ],
        out_shape=[
            jax.ShapeDtypeStruct((NH_, D), F32),
            jax.ShapeDtypeStruct((NH_, D), F32),
            jax.ShapeDtypeStruct((NH_, D), F32),
        ],
    )(skill, seq2, qrow, wq, wkv, bq, bkv, wo, bo,
      fw1, fw2, fb, hm, ex, snd, rcv)


def _adj_body(s1f_ref, s2f_ref, s1b_ref, s2b_ref, pred_ref, pred16_ref,
              dinv_ref, deg_ref):
    i = pl.program_id(0)
    a = lax.dot_general(s1b_ref[...], s2f_ref[...], (((1,), (1,)), ((), ())),
                        preferred_element_type=F32)
    at = lax.dot_general(s2b_ref[...], s1f_ref[...], (((1,), (1,)), ((), ())),
                         preferred_element_type=F32)
    r = jnp.maximum(a - at, 0.0)
    mx = jnp.max(r, axis=1, keepdims=True)
    e = jnp.exp(r - mx)
    ssum = jnp.sum(e, axis=1, keepdims=True)
    pred = jnp.maximum(e / ssum - DELTA, 0.0)
    pred_ref[...] = pred
    pred16_ref[...] = pred.astype(jnp.bfloat16)

    @pl.when(i == 0)
    def _():
        deg_ref[...] = jnp.ones((1, N2), F32)

    deg_ref[...] += jnp.sum(pred, axis=0, keepdims=True)

    @pl.when(i == pl.num_programs(0) - 1)
    def _():
        dinv_ref[...] = lax.rsqrt(deg_ref[...])


def _adj_call(s1, s2):
    nblk = N2 // 128
    fullspec = pl.BlockSpec((N2, D), lambda i: (0, 0))
    blkspec = pl.BlockSpec((128, D), lambda i: (i, 0))
    return pl.pallas_call(
        _adj_body,
        grid=(nblk,),
        in_specs=[fullspec, fullspec, blkspec, blkspec],
        out_specs=[
            pl.BlockSpec((128, N2), lambda i: (i, 0)),
            pl.BlockSpec((128, N2), lambda i: (i, 0)),
            pl.BlockSpec((1, N2), lambda i: (0, 0)),
        ],
        out_shape=[
            jax.ShapeDtypeStruct((N2, N2), F32),
            jax.ShapeDtypeStruct((N2, N2), jnp.bfloat16),
            jax.ShapeDtypeStruct((1, N2), F32),
        ],
        scratch_shapes=[pltpu.VMEM((1, N2), F32)],
    )(s1, s2, s1, s2)


def _c0_body(temp_ref, w_ref, dinvb_ref, eye_ref, xd_ref):
    h = jnp.dot(temp_ref[...], w_ref[...], preferred_element_type=F32)
    dcol = lax.dot_general(eye_ref[...], dinvb_ref[...], (((1,), (1,)), ((), ())),
                           preferred_element_type=F32)
    xd_ref[...] = (dcol * h).astype(jnp.bfloat16)


def _c0_call(temp, wt, dinv, eye128):
    return pl.pallas_call(
        _c0_body,
        grid=(N2 // 128,),
        in_specs=[
            pl.BlockSpec((128, D), lambda b: (b, 0)),
            pl.BlockSpec((D, D), lambda b: (0, 0)),
            pl.BlockSpec((1, 128), lambda b: (0, b)),
            pl.BlockSpec((128, 128), lambda b: (0, 0)),
        ],
        out_specs=pl.BlockSpec((128, D), lambda b: (b, 0)),
        out_shape=jax.ShapeDtypeStruct((N2, D), jnp.bfloat16),
    )(temp, wt, dinv, eye128)


def _c1_body(pred_ref, xd_ref, xdb_ref, dinvb_ref, tempb_ref, b_ref, eye_ref,
             out_ref):
    y = lax.dot_general(pred_ref[...], xd_ref[...], (((0,), (0,)), ((), ())),
                        preferred_element_type=F32)
    dcol = lax.dot_general(eye_ref[...], dinvb_ref[...], (((1,), (1,)), ((), ())),
                           preferred_element_type=F32)
    out = dcol * (y + xdb_ref[...].astype(F32)) + b_ref[...]
    out_ref[...] = (1.0 - PRES) * out + PRES * tempb_ref[...]


def _c1_call(pred_g, xd, dinv, temp, brow, eye256):
    return pl.pallas_call(
        _c1_body,
        grid=(N2 // CB,),
        in_specs=[
            pl.BlockSpec((N2, CB), lambda j: (0, j)),
            pl.BlockSpec((N2, D), lambda j: (0, 0)),
            pl.BlockSpec((CB, D), lambda j: (j, 0)),
            pl.BlockSpec((1, CB), lambda j: (0, j)),
            pl.BlockSpec((CB, D), lambda j: (j, 0)),
            pl.BlockSpec((1, D), lambda j: (0, 0)),
            pl.BlockSpec((CB, CB), lambda j: (0, 0)),
        ],
        out_specs=pl.BlockSpec((CB, D), lambda j: (j, 0)),
        out_shape=jax.ShapeDtypeStruct((N2, D), F32),
    )(pred_g, xd, xd, dinv, temp, brow, eye256)


def _degc_body(degp_ref, dinvs_ref, dinv2_ref):
    deg = jnp.sum(degp_ref[...], axis=0, keepdims=True) + 1.0
    dinvs_ref[...] = lax.rsqrt(deg)
    dinv2_ref[...] = 1.0 / deg


def _degc_call(degp):
    return pl.pallas_call(
        _degc_body,
        out_shape=[
            jax.ShapeDtypeStruct((1, N2), F32),
            jax.ShapeDtypeStruct((1, N2), F32),
        ],
    )(degp)


def _ht_body(w_ref, temp_ref, out_ref):
    out_ref[...] = lax.dot_general(w_ref[...], temp_ref[...],
                                   (((1,), (1,)), ((), ())),
                                   preferred_element_type=F32)


def _ht_call(w, temp):
    return pl.pallas_call(
        _ht_body,
        out_shape=jax.ShapeDtypeStruct((D, N2), F32),
    )(w, temp)


def _scomb_body(acc0_ref, acc1_ref, hT_ref, dinv2b_ref, tempb_ref, b_ref,
                eye_ref, out_ref):
    comb = acc0_ref[...] + acc1_ref[...] + dinv2b_ref[...] * hT_ref[...]
    combT = lax.dot_general(comb, eye_ref[...], (((0,), (0,)), ((), ())),
                            preferred_element_type=F32)
    out_ref[...] = (1.0 - PRES) * (combT + b_ref[...]) + PRES * tempb_ref[...]


def _scomb_ht_body(acc0_ref, acc1_ref, hT_ref, dinv2b_ref, tempb_ref, b_ref,
                   eye_ref, w2_ref, t1_ref, out_ref, ht2_ref, t1p_ref):
    comb = acc0_ref[...] + acc1_ref[...] + dinv2b_ref[...] * hT_ref[...]
    combT = lax.dot_general(comb, eye_ref[...], (((0,), (0,)), ((), ())),
                            preferred_element_type=F32)
    tnew = (1.0 - PRES) * (combT + b_ref[...]) + PRES * tempb_ref[...]
    out_ref[...] = tnew
    ht2_ref[...] = lax.dot_general(w2_ref[...], tnew, (((1,), (1,)), ((), ())),
                                   preferred_element_type=F32)
    t1p_ref[...] = t1_ref[...]


def _scomb_ht_call(acc0, acc1, hT, dinv2, temp, brow, eye128, w2, t1):
    return pl.pallas_call(
        _scomb_ht_body,
        grid=(N2 // 128,),
        in_specs=[
            pl.BlockSpec((D, 128), lambda j: (0, j)),
            pl.BlockSpec((D, 128), lambda j: (0, j)),
            pl.BlockSpec((D, 128), lambda j: (0, j)),
            pl.BlockSpec((1, 128), lambda j: (0, j)),
            pl.BlockSpec((128, D), lambda j: (j, 0)),
            pl.BlockSpec((1, D), lambda j: (0, 0)),
            pl.BlockSpec((128, 128), lambda j: (0, 0)),
            pl.BlockSpec((D, D), lambda j: (0, 0)),
            pl.BlockSpec((128, D), lambda j: (j, 0)),
        ],
        out_specs=[
            pl.BlockSpec((128, D), lambda j: (j, 0)),
            pl.BlockSpec((D, 128), lambda j: (0, j)),
            pl.BlockSpec((128, D), lambda j: (j, 0)),
        ],
        out_shape=[
            jax.ShapeDtypeStruct((N2, D), F32),
            jax.ShapeDtypeStruct((D, N2), F32),
            jax.ShapeDtypeStruct((N2, D), F32),
        ],
    )(acc0, acc1, hT, dinv2, temp, brow, eye128, w2, t1)


def _scomb_fin_body(acc0_ref, acc1_ref, hT_ref, dinv2b_ref, tempb_ref, b_ref,
                    eye_ref, ada_ref, out_ref):
    comb = acc0_ref[...] + acc1_ref[...] + dinv2b_ref[...] * hT_ref[...]
    combT = lax.dot_general(comb, eye_ref[...], (((0,), (0,)), ((), ())),
                            preferred_element_type=F32)
    out_ref[...] = ((1.0 - PRES) * (combT + b_ref[...]) + PRES * tempb_ref[...]
                    + ada_ref[...])


def _scomb_call(acc0, acc1, hT, dinv2, temp, brow, eye128, ada=None):
    body = _scomb_body if ada is None else _scomb_fin_body
    in_specs = [
        pl.BlockSpec((D, 128), lambda j: (0, j)),
        pl.BlockSpec((D, 128), lambda j: (0, j)),
        pl.BlockSpec((D, 128), lambda j: (0, j)),
        pl.BlockSpec((1, 128), lambda j: (0, j)),
        pl.BlockSpec((128, D), lambda j: (j, 0)),
        pl.BlockSpec((1, D), lambda j: (0, 0)),
        pl.BlockSpec((128, 128), lambda j: (0, 0)),
    ]
    args = [acc0, acc1, hT, dinv2, temp, brow, eye128]
    if ada is not None:
        in_specs.append(pl.BlockSpec((128, D), lambda j: (j, 0)))
        args.append(ada)
    return pl.pallas_call(
        body,
        grid=(N2 // 128,),
        in_specs=in_specs,
        out_specs=pl.BlockSpec((128, D), lambda j: (j, 0)),
        out_shape=jax.ShapeDtypeStruct((N2, D), F32),
    )(*args)


NW = 32
DN = D * N2
EPW = EE // NW
DPW = DN // NW
DROWS = D // NW
ECH = 8192


def _sc_mesh():
    return plsc.VectorSubcoreMesh(core_axis_name="c", subcore_axis_name="s")


def _wid():
    return lax.axis_index("s") * 2 + lax.axis_index("c")


def _sc_deg_body(dst_hbm, ew_hbm, out_hbm, dbuf, wbuf, degbuf):
    w = _wid()
    base = w * EPW
    pltpu.sync_copy(dst_hbm.at[pl.ds(base, EPW)], dbuf)
    pltpu.sync_copy(ew_hbm.at[pl.ds(base, EPW)], wbuf)

    def zero(i, c):
        degbuf[pl.ds(i * 16, 16)] = jnp.zeros((16,), F32)
        return c
    lax.fori_loop(0, N2 // 16, zero, 0)

    def body(g, c):
        d16 = dbuf[pl.ds(g * 16, 16)]
        w16 = wbuf[pl.ds(g * 16, 16)]
        plsc.addupdate_scatter(degbuf, [d16], w16)
        return c
    lax.fori_loop(0, EPW // 16, body, 0)
    pltpu.sync_copy(degbuf, out_hbm.at[w])


def _sc_deg_call(dst, ew):
    f = pl.kernel(
        _sc_deg_body,
        out_type=jax.ShapeDtypeStruct((NW, N2), F32),
        mesh=_sc_mesh(),
        compiler_params=pltpu.CompilerParams(needs_layout_passes=False),
        scratch_types=[
            pltpu.VMEM((EPW,), jnp.int32),
            pltpu.VMEM((EPW,), F32),
            pltpu.VMEM((N2,), F32),
        ],
    )
    return f(dst, ew)


def _sc_norm_body(dinv_hbm, src_hbm, dst_hbm, ew_hbm, out_hbm,
                  vbuf, sbuf, dbuf, wbuf, nbuf):
    w = _wid()
    base = w * EPW
    pltpu.sync_copy(dinv_hbm, vbuf)
    pltpu.sync_copy(src_hbm.at[pl.ds(base, EPW)], sbuf)
    pltpu.sync_copy(dst_hbm.at[pl.ds(base, EPW)], dbuf)
    pltpu.sync_copy(ew_hbm.at[pl.ds(base, EPW)], wbuf)

    def body(g, c):
        sl = pl.ds(g * 16, 16)
        s16 = sbuf[sl]
        d16 = dbuf[sl]
        w16 = wbuf[sl]
        n16 = plsc.load_gather(vbuf, [s16]) * w16 * plsc.load_gather(vbuf, [d16])
        nbuf[sl] = n16
        return c
    lax.fori_loop(0, EPW // 16, body, 0)
    pltpu.sync_copy(nbuf, out_hbm.at[pl.ds(base, EPW)])


def _sc_norm_call(dinvs_flat, src, dst, ew):
    f = pl.kernel(
        _sc_norm_body,
        out_type=jax.ShapeDtypeStruct((EE,), F32),
        mesh=_sc_mesh(),
        compiler_params=pltpu.CompilerParams(needs_layout_passes=False),
        scratch_types=[
            pltpu.VMEM((N2,), F32),
            pltpu.VMEM((EPW,), jnp.int32),
            pltpu.VMEM((EPW,), jnp.int32),
            pltpu.VMEM((EPW,), F32),
            pltpu.VMEM((EPW,), F32),
        ],
    )
    return f(dinvs_flat, src, dst, ew)


SROWS = D // 16
SLEN = SROWS * N2
EPC = EE // 2


def _sc_seg_body(hT_hbm, src_hbm, dst_hbm, norm_hbm, out_hbm,
                 hbuf, accbuf, sbuf, dbuf, nbuf):
    cid = lax.axis_index("c")
    sid = lax.axis_index("s")
    fbase = sid * SLEN
    pltpu.sync_copy(hT_hbm.at[pl.ds(fbase, SLEN)], hbuf)

    @plsc.parallel_loop(0, SLEN // 16, 1, unroll=8)
    def _(i):
        accbuf[pl.ds(i * 16, 16)] = jnp.zeros((16,), F32)

    def chunk(cix, c):
        eb = cid * EPC + cix * ECH
        pltpu.sync_copy(src_hbm.at[pl.ds(eb, ECH)], sbuf)
        pltpu.sync_copy(dst_hbm.at[pl.ds(eb, ECH)], dbuf)
        pltpu.sync_copy(norm_hbm.at[pl.ds(eb, ECH)], nbuf)

        @plsc.parallel_loop(0, ECH // 16, 1, unroll=4)
        def _(g):
            sl = pl.ds(g * 16, 16)
            s16 = sbuf[sl]
            d16 = dbuf[sl]
            n16 = nbuf[sl]
            for dd in range(SROWS):
                off = dd * N2
                v = plsc.load_gather(hbuf, [s16 + off])
                plsc.addupdate_scatter(accbuf, [d16 + off], v * n16)
        return c
    lax.fori_loop(0, EPC // ECH, chunk, 0)
    pltpu.sync_copy(accbuf, out_hbm.at[pl.ds(cid * DN + fbase, SLEN)])


def _sc_seg_call(hT_flat, src, dst, norm):
    f = pl.kernel(
        _sc_seg_body,
        out_type=jax.ShapeDtypeStruct((2 * DN,), F32),
        mesh=_sc_mesh(),
        compiler_params=pltpu.CompilerParams(needs_layout_passes=False),
        scratch_types=[
            pltpu.VMEM((SLEN,), F32),
            pltpu.VMEM((SLEN,), F32),
            pltpu.VMEM((ECH,), jnp.int32),
            pltpu.VMEM((ECH,), jnp.int32),
            pltpu.VMEM((ECH,), F32),
        ],
    )
    return f(hT_flat, src, dst, norm)


def kernel(demand_seq_emb, supply_seq_emb, skill_emb, g_edge_index, g_edge_attr,
           mha_in_w, mha_in_b, mha_out_w, mha_out_b, fuse_w, fuse_b,
           sender, receiver, gnn0_W, gnn0_b, gnn1_W, gnn1_b):
    skill = skill_emb
    wq = mha_in_w[:D].T
    wkv = mha_in_w[D:].T
    bq = mha_in_b[:D].reshape(1, D)
    bkv = mha_in_b[D:].reshape(1, 2 * D)
    wo = mha_out_w.T
    bo = mha_out_b.reshape(1, D)
    fw1 = fuse_w[:, :D].T
    fw2 = fuse_w[:, D:].T
    fb = fuse_b.reshape(1, D)
    hm = (jnp.arange(D)[:, None] // DH == jnp.arange(NHEADS)[None, :]).astype(F32)
    ex = hm.T
    eye128 = jnp.eye(128, dtype=F32)
    eye256 = jnp.eye(CB, dtype=F32)
    snd = jnp.full((1, 1), 1.0, F32) * sender
    rcv = jnp.full((1, 1), 1.0, F32) * receiver

    src = g_edge_index[0].astype(jnp.int32)
    dst = g_edge_index[1].astype(jnp.int32)
    ew = g_edge_attr.astype(F32)
    degp = _sc_deg_call(dst, ew)
    dinvs, dinv2 = _degc_call(degp)
    norm = _sc_norm_call(dinvs.reshape(-1), src, dst, ew)

    dseq2 = demand_seq_emb.reshape(NH_, SEQ * D)
    sseq2 = supply_seq_emb.reshape(NH_, SEQ * D)
    qsums = _qsum_call(dseq2[:, (SEQ - 1) * D:], sseq2[:, (SEQ - 1) * D:])
    ug_d, s1_d, s2_d = _mha_half(dseq2, skill, qsums[0:1], wq, wkv,
                                 bq, bkv, wo, bo, fw1, fw2, fb, hm, ex, snd, rcv)
    ug_s, s1_s, s2_s = _mha_half(sseq2, skill, qsums[1:2], wq, wkv,
                                 bq, bkv, wo, bo, fw1, fw2, fb, hm, ex, snd, rcv)
    ug = jnp.concatenate([ug_d, ug_s], axis=0)
    s1 = jnp.concatenate([s1_d, s1_s], axis=0)
    s2 = jnp.concatenate([s2_d, s2_s], axis=0)

    hT1 = _ht_call(gnn1_W[0], ug)
    accT1_flat = _sc_seg_call(hT1.reshape(-1), src, dst, norm)

    pred_g, pred16, dinv = _adj_call(s1, s2)
    xd1 = _c0_call(ug, gnn0_W[0].T, dinv, eye128)
    temp1 = _c1_call(pred16, xd1, dinv, ug, gnn0_b[0].reshape(1, D), eye256)

    temps1, hT2, temp1p = _scomb_ht_call(accT1_flat[:DN].reshape(D, N2),
                                         accT1_flat[DN:].reshape(D, N2), hT1,
                                         dinv2, ug, gnn1_b[0].reshape(1, D),
                                         eye128, gnn1_W[1], temp1)

    xd2 = _c0_call(temp1p, gnn0_W[1].T, dinv, eye128)
    ada = _c1_call(pred16, xd2, dinv, temp1p, gnn0_b[1].reshape(1, D), eye256)
    accT2_flat = _sc_seg_call(hT2.reshape(-1), src, dst, norm)
    skill_embs = _scomb_call(accT2_flat[:DN].reshape(D, N2),
                             accT2_flat[DN:].reshape(D, N2), hT2, dinv2, temps1,
                             gnn1_b[1].reshape(1, D), eye128, ada=ada)

    cat = jnp.concatenate([skill_emb, skill_emb], axis=0)
    return (cat, skill_embs, pred_g, jnp.float32(0.0))

# --- scband reference (transcript-rebuilt; emitter-appended) ---
"""Pipeline reference for scband-crossview-graph-learning-9259949490767 (READ-ONLY COPY).

The authoritative reference and input builder live on the scoring server;
editing this copy changes nothing except your own understanding.
"""

import jax, jax.numpy as jnp
import numpy as np

SKILL_NUM = 2048
D = 128
SEQ = 20
E = 131072
NH = 4
DELTA = 0.1
PRES = 0.1
GCN_LAYERS = 2


def _mha(q, k, v, in_w, in_b, out_w, out_b, nh):
    d = q.shape[-1]
    dh = d // nh
    Q = q @ in_w[:d].T + in_b[:d]
    K = k @ in_w[d:2 * d].T + in_b[d:2 * d]
    V = v @ in_w[2 * d:].T + in_b[2 * d:]
    B, Lq, _ = Q.shape
    Lk = K.shape[1]
    Qh = Q.reshape(B, Lq, nh, dh).transpose(0, 2, 1, 3)
    Kh = K.reshape(B, Lk, nh, dh).transpose(0, 2, 1, 3)
    Vh = V.reshape(B, Lk, nh, dh).transpose(0, 2, 1, 3)
    s = jnp.einsum('bhqd,bhkd->bhqk', Qh, Kh) / (dh ** 0.5)
    a = jax.nn.softmax(s, axis=-1)
    o = jnp.einsum('bhqk,bhkd->bhqd', a, Vh)
    o = o.transpose(0, 2, 1, 3).reshape(B, Lq, d)
    return o @ out_w.T + out_b


def _gcn_dense(x, A, W, b):
    # GCNConv on edges extracted via dense_to_sparse(A): mathematically equivalent
    # dense form with self-loops and symmetric degree normalization (deg over dst/col).
    n = x.shape[0]
    Ap = A + jnp.eye(n, dtype=x.dtype)
    deg = Ap.sum(axis=0)
    dinv = jnp.where(deg > 0, deg ** -0.5, 0.0)
    Ahat = dinv[:, None] * Ap * dinv[None, :]
    return Ahat.T @ (x @ W.T) + b


def _gcn_sparse(x, src, dst, ew, W, b):
    n = x.shape[0]
    loop = jnp.arange(n)
    s2 = jnp.concatenate([src, loop])
    d2 = jnp.concatenate([dst, loop])
    w2 = jnp.concatenate([ew, jnp.ones((n,), x.dtype)])
    deg = jax.ops.segment_sum(w2, d2, num_segments=n)
    dinv = jnp.where(deg > 0, deg ** -0.5, 0.0)
    norm = dinv[s2] * w2 * dinv[d2]
    h = x @ W.T
    return jax.ops.segment_sum(norm[:, None] * h[s2], d2, num_segments=n) + b


def setup_inputs(seed: int = 0):
    key = jax.random.key(seed)
    ks = jax.random.split(key, 20)
    N = SKILL_NUM
    return {
        'demand_seq_emb': jax.random.normal(ks[0], (N, SEQ, D), jnp.float32) * 0.1,
        'supply_seq_emb': jax.random.normal(ks[1], (N, SEQ, D), jnp.float32) * 0.1,
        'skill_emb': jax.random.normal(ks[2], (N, D), jnp.float32) * 0.1,
        'g_edge_index': jax.random.randint(ks[3], (2, E), 0, 2 * N),
        'g_edge_attr': jax.random.uniform(ks[4], (E,), jnp.float32),
        'mha_in_w': jax.random.normal(ks[5], (3 * D, D), jnp.float32) * 0.05,
        'mha_in_b': jnp.zeros((3 * D,), jnp.float32),
        'mha_out_w': jax.random.normal(ks[6], (D, D), jnp.float32) * 0.05,
        'mha_out_b': jnp.zeros((D,), jnp.float32),
        'fuse_w': jax.random.normal(ks[7], (D, 2 * D), jnp.float32) * 0.05,
        'fuse_b': jnp.zeros((D,), jnp.float32),
        'sender': jnp.float32(1.0),
        'receiver': jnp.float32(1.0),
        'gnn0_W': jax.random.normal(ks[8], (GCN_LAYERS, D, D), jnp.float32) * 0.05,
        'gnn0_b': jnp.zeros((GCN_LAYERS, D), jnp.float32),
        'gnn1_W': jax.random.normal(ks[9], (GCN_LAYERS, D, D), jnp.float32) * 0.05,
        'gnn1_b': jnp.zeros((GCN_LAYERS, D), jnp.float32),
    }


def reference(demand_seq_emb, supply_seq_emb, skill_emb, g_edge_index, g_edge_attr, mha_in_w, mha_in_b, mha_out_w, mha_out_b, fuse_w, fuse_b, sender, receiver, gnn0_W, gnn0_b, gnn1_W, gnn1_b):
    demand_emb = skill_emb
    supply_emb = skill_emb
    cat = jnp.concatenate([demand_emb, supply_emb], axis=0)
    seq_cat = jnp.concatenate([demand_seq_emb, supply_seq_emb], axis=0)
    query = jnp.concatenate([
        demand_emb + demand_seq_emb[:, -1, :].sum(axis=0),
        supply_emb + supply_seq_emb[:, -1, :].sum(axis=0),
    ], axis=0)[:, None, :]
    att = _mha(query, seq_cat, seq_cat, mha_in_w, mha_in_b, mha_out_w, mha_out_b, NH)[:, 0, :]
    ug = jnp.concatenate([cat, att], axis=-1) @ fuse_w.T + fuse_b
    s1 = jnp.tanh(sender * ug)
    s2 = jnp.tanh(receiver * ug)
    A = s1 @ s2.T
    adj = jax.nn.softmax(jax.nn.relu(A - A.T), axis=1)
    pred_g = jax.nn.relu(adj - DELTA)
    temp = ug
    for i in range(GCN_LAYERS):
        out = _gcn_dense(temp, pred_g, gnn0_W[i], gnn0_b[i])
        temp = (1 - PRES) * out + PRES * temp
    ada = temp
    src = g_edge_index[0]
    dst = g_edge_index[1]
    temp = ug
    for i in range(GCN_LAYERS):
        out = _gcn_sparse(temp, src, dst, g_edge_attr, gnn1_W[i], gnn1_b[i])
        temp = (1 - PRES) * out + PRES * temp
    cooc = temp
    skill_embs = ada + cooc
    return (cat, skill_embs, pred_g, jnp.float32(0.0))

if __name__ == "__main__":
    import jax
    _d = setup_inputs()
    print(jax.jit(kernel)(*tuple(_d.values())))

</pallas_src>

<mosaic_0001>
#map = affine_map<(d0, d1) -> (0)>
module attributes {stable_mosaic.version = 14 : i64} {
  func.func @_sc_seg_body(%arg0: i32, %arg1: i32, %arg2: memref<524288xf32, #tpu.memory_space<hbm>>, %arg3: memref<131072xi32, #tpu.memory_space<hbm>>, %arg4: memref<131072xi32, #tpu.memory_space<hbm>>, %arg5: memref<131072xf32, #tpu.memory_space<hbm>>, %arg6: memref<1048576xf32, #tpu.memory_space<hbm>>, %arg7: memref<32768xf32, #tpu.memory_space<vmem>>, %arg8: memref<32768xf32, #tpu.memory_space<vmem>>, %arg9: memref<8192xi32, #tpu.memory_space<vmem>>, %arg10: memref<8192xi32, #tpu.memory_space<vmem>>, %arg11: memref<8192xf32, #tpu.memory_space<vmem>>) attributes {dimension_semantics = [#tpu.dimension_semantics<core_parallel>, #tpu.dimension_semantics<subcore_parallel>], iteration_bounds = array<i64: 2, 16>, scalar_prefetch = 0 : i64, scratch_operands = 5 : i64, tpu.core_type = #tpu.core_type<sc_vector_subcore>, window_params = [{transform_indices = #map}, {transform_indices = #map}, {transform_indices = #map}, {transform_indices = #map}, {transform_indices = #map}]} {
    %mul3A = arith.constant 32768 : i32
    %mul3A_0 = arith.muli %arg1, %mul3A : i32
    "tpu.region"() ({
      %run_scoped3A = tpu.sem_alloc : memref<!tpu.dma_semaphore, #tpu.memory_space<semaphore_mem>>
      %dma_start3A = tpu.memref_slice %arg2[%mul3A_0] : memref<524288xf32, #tpu.memory_space<hbm>> -> memref<32768xf32, #tpu.memory_space<hbm>>
      %dma_start3A_10 = tpu.memref_slice %arg2[%mul3A_0] : memref<524288xf32, #tpu.memory_space<hbm>> -> memref<32768xf32, #tpu.memory_space<hbm>>
      tpu.enqueue_dma source(%dma_start3A_10 : memref<32768xf32, #tpu.memory_space<hbm>>) target(%arg7 : memref<32768xf32, #tpu.memory_space<vmem>>) target_semaphore(%run_scoped3A : memref<!tpu.dma_semaphore, #tpu.memory_space<semaphore_mem>>)
      %dma_wait3A = tpu.memref_slice %arg2[%mul3A_0] : memref<524288xf32, #tpu.memory_space<hbm>> -> memref<32768xf32, #tpu.memory_space<hbm>>
      %dma_wait3A_11 = tpu.memref_slice %arg2[%mul3A_0] : memref<524288xf32, #tpu.memory_space<hbm>> -> memref<32768xf32, #tpu.memory_space<hbm>>
      tpu.wait_dma2 semaphore(%run_scoped3A : memref<!tpu.dma_semaphore, #tpu.memory_space<semaphore_mem>>) src(%dma_wait3A_11 : memref<32768xf32, #tpu.memory_space<hbm>>) dst(%arg7 : memref<32768xf32, #tpu.memory_space<vmem>>)
      tpu.yield
    }) : () -> ()
    %parallel_loop3A = arith.constant 0 : i32
    %parallel_loop3A_1 = arith.constant 2048 : i32
    %parallel_loop3A_2 = arith.constant 1 : i32
    scf.for %parallel_loop3A_10 = %parallel_loop3A to %parallel_loop3A_1 step %parallel_loop3A_2  : i32 {
      %parallel_loop3A_11 = arith.constant 0.000000e+00 : f32
      %parallel_loop3A_12 = vector.broadcast %parallel_loop3A_11 : f32 to vector<16xf32>
      %parallel_loop3A_13 = arith.constant 16 : i32
      %parallel_loop3A_14 = arith.muli %parallel_loop3A_10, %parallel_loop3A_13 : i32
      %parallel_loop3A_15 = arith.index_cast %parallel_loop3A_14 : i32 to index
      %parallel_loop3A_16 = tpu.vector_load %arg8[%parallel_loop3A_15] {strides = array<i32>} : memref<32768xf32, #tpu.memory_space<vmem>>, vector<16xf32>,
      tpu.vector_store %arg8[%parallel_loop3A_15], %parallel_loop3A_12 {strides = array<i32>} : memref<32768xf32, #tpu.memory_space<vmem>>, vector<16xf32>,
    } {sc.loop_unroll_factor = 8 : i64, sc.parallel_access}
    %scan3A = arith.constant 0 : i32
    %scan3A_3 = arith.constant 0 : i32
    %scan3A_4 = arith.constant 8 : i32
    %scan3A_5 = arith.addi %scan3A_3, %scan3A_4 : i32
    %scan3A_6 = arith.constant 1 : i32
    scf.for %scan3A_10 = %scan3A_3 to %scan3A_5 step %scan3A_6  : i32 {
      %mul3A_11 = arith.constant 65536 : i32
      %mul3A_12 = arith.muli %arg0, %mul3A_11 : i32
      %mul3A_13 = arith.constant 8192 : i32
      %mul3A_14 = arith.muli %scan3A_10, %mul3A_13 : i32
      %add3A_15 = arith.addi %mul3A_12, %mul3A_14 : i32
      "tpu.region"() ({
        %run_scoped3A = tpu.sem_alloc : memref<!tpu.dma_semaphore, #tpu.memory_space<semaphore_mem>>
        %dma_start3A = tpu.memref_slice %arg3[%add3A_15] : memref<131072xi32, #tpu.memory_space<hbm>> -> memref<8192xi32, #tpu.memory_space<hbm>>
        %dma_start3A_19 = tpu.memref_slice %arg3[%add3A_15] : memref<131072xi32, #tpu.memory_space<hbm>> -> memref<8192xi32, #tpu.memory_space<hbm>>
        tpu.enqueue_dma source(%dma_start3A_19 : memref<8192xi32, #tpu.memory_space<hbm>>) target(%arg9 : memref<8192xi32, #tpu.memory_space<vmem>>) target_semaphore(%run_scoped3A : memref<!tpu.dma_semaphore, #tpu.memory_space<semaphore_mem>>)
        %dma_wait3A = tpu.memref_slice %arg3[%add3A_15] : memref<131072xi32, #tpu.memory_space<hbm>> -> memref<8192xi32, #tpu.memory_space<hbm>>
        %dma_wait3A_20 = tpu.memref_slice %arg3[%add3A_15] : memref<131072xi32, #tpu.memory_space<hbm>> -> memref<8192xi32, #tpu.memory_space<hbm>>
        tpu.wait_dma2 semaphore(%run_scoped3A : memref<!tpu.dma_semaphore, #tpu.memory_space<semaphore_mem>>) src(%dma_wait3A_20 : memref<8192xi32, #tpu.memory_space<hbm>>) dst(%arg9 : memref<8192xi32, #tpu.memory_space<vmem>>)
        tpu.yield
      }) : () -> ()
      "tpu.region"() ({
        %run_scoped3A = tpu.sem_alloc : memref<!tpu.dma_semaphore, #tpu.memory_space<semaphore_mem>>
        %dma_start3A = tpu.memref_slice %arg4[%add3A_15] : memref<131072xi32, #tpu.memory_space<hbm>> -> memref<8192xi32, #tpu.memory_space<hbm>>
        %dma_start3A_19 = tpu.memref_slice %arg4[%add3A_15] : memref<131072xi32, #tpu.memory_space<hbm>> -> memref<8192xi32, #tpu.memory_space<hbm>>
        tpu.enqueue_dma source(%dma_start3A_19 : memref<8192xi32, #tpu.memory_space<hbm>>) target(%arg10 : memref<8192xi32, #tpu.memory_space<vmem>>) target_semaphore(%run_scoped3A : memref<!tpu.dma_semaphore, #tpu.memory_space<semaphore_mem>>)
        %dma_wait3A = tpu.memref_slice %arg4[%add3A_15] : memref<131072xi32, #tpu.memory_space<hbm>> -> memref<8192xi32, #tpu.memory_space<hbm>>
        %dma_wait3A_20 = tpu.memref_slice %arg4[%add3A_15] : memref<131072xi32, #tpu.memory_space<hbm>> -> memref<8192xi32, #tpu.memory_space<hbm>>
        tpu.wait_dma2 semaphore(%run_scoped3A : memref<!tpu.dma_semaphore, #tpu.memory_space<semaphore_mem>>) src(%dma_wait3A_20 : memref<8192xi32, #tpu.memory_space<hbm>>) dst(%arg10 : memref<8192xi32, #tpu.memory_space<vmem>>)
        tpu.yield
      }) : () -> ()
      "tpu.region"() ({
        %run_scoped3A = tpu.sem_alloc : memref<!tpu.dma_semaphore, #tpu.memory_space<semaphore_mem>>
        %dma_start3A = tpu.memref_slice %arg5[%add3A_15] : memref<131072xf32, #tpu.memory_space<hbm>> -> memref<8192xf32, #tpu.memory_space<hbm>>
        %dma_start3A_19 = tpu.memref_slice %arg5[%add3A_15] : memref<131072xf32, #tpu.memory_space<hbm>> -> memref<8192xf32, #tpu.memory_space<hbm>>
        tpu.enqueue_dma source(%dma_start3A_19 : memref<8192xf32, #tpu.memory_space<hbm>>) target(%arg11 : memref<8192xf32, #tpu.memory_space<vmem>>) target_semaphore(%run_scoped3A : memref<!tpu.dma_semaphore, #tpu.memory_space<semaphore_mem>>)
        %dma_wait3A = tpu.memref_slice %arg5[%add3A_15] : memref<131072xf32, #tpu.memory_space<hbm>> -> memref<8192xf32, #tpu.memory_space<hbm>>
        %dma_wait3A_20 = tpu.memref_slice %arg5[%add3A_15] : memref<131072xf32, #tpu.memory_space<hbm>> -> memref<8192xf32, #tpu.memory_space<hbm>>
        tpu.wait_dma2 semaphore(%run_scoped3A : memref<!tpu.dma_semaphore, #tpu.memory_space<semaphore_mem>>) src(%dma_wait3A_20 : memref<8192xf32, #tpu.memory_space<hbm>>) dst(%arg11 : memref<8192xf32, #tpu.memory_space<vmem>>)
        tpu.yield
      }) : () -> ()
      %parallel_loop3A_16 = arith.constant 0 : i32
      %parallel_loop3A_17 = arith.constant 512 : i32
      %parallel_loop3A_18 = arith.constant 1 : i32
      scf.for %parallel_loop3A_19 = %parallel_loop3A_16 to %parallel_loop3A_17 step %parallel_loop3A_18  : i32 {
        %parallel_loop3A_20 = arith.constant 16 : i32
        %parallel_loop3A_21 = arith.muli %parallel_loop3A_19, %parallel_loop3A_20 : i32
        %parallel_loop3A_22 = arith.index_cast %parallel_loop3A_21 : i32 to index
        %parallel_loop3A_23 = tpu.vector_load %arg9[%parallel_loop3A_22] {strides = array<i32>} : memref<8192xi32, #tpu.memory_space<vmem>>, vector<16xi32>,
        %parallel_loop3A_24 = arith.index_cast %parallel_loop3A_21 : i32 to index
        %parallel_loop3A_25 = tpu.vector_load %arg10[%parallel_loop3A_24] {strides = array<i32>} : memref<8192xi32, #tpu.memory_space<vmem>>, vector<16xi32>,
        %parallel_loop3A_26 = arith.index_cast %parallel_loop3A_21 : i32 to index
        %parallel_loop3A_27 = tpu.vector_load %arg11[%parallel_loop3A_26] {strides = array<i32>} : memref<8192xf32, #tpu.memory_space<vmem>>, vector<16xf32>,
        %parallel_loop3A_28 = arith.constant 0 : i32
        %parallel_loop3A_29 = vector.broadcast %parallel_loop3A_28 : i32 to vector<16xi32>
        %parallel_loop3A_30 = arith.addi %parallel_loop3A_23, %parallel_loop3A_29 : vector<16xi32>
        %parallel_loop3A_31 = tpu.vector_load_idx %arg7[%parallel_loop3A_30] : memref<32768xf32, #tpu.memory_space<vmem>>[vector<16xi32>], vector<16xf32>,
        %parallel_loop3A_32 = arith.constant 0 : i32
        %parallel_loop3A_33 = vector.broadcast %parallel_loop3A_32 : i32 to vector<16xi32>
        %parallel_loop3A_34 = arith.addi %parallel_loop3A_25, %parallel_loop3A_33 : vector<16xi32>
        %parallel_loop3A_35 = arith.mulf %parallel_loop3A_31, %parallel_loop3A_27 : vector<16xf32>
        tpu.vector_store_idx %arg8[%parallel_loop3A_34], %parallel_loop3A_35 {add = true} : memref<32768xf32, #tpu.memory_space<vmem>>[vector<16xi32>], vector<16xf32>,
        %parallel_loop3A_36 = arith.constant 4096 : i32
        %parallel_loop3A_37 = vector.broadcast %parallel_loop3A_36 : i32 to vector<16xi32>
        %parallel_loop3A_38 = arith.addi %parallel_loop3A_23, %parallel_loop3A_37 : vector<16xi32>
        %parallel_loop3A_39 = tpu.vector_load_idx %arg7[%parallel_loop3A_38] : memref<32768xf32, #tpu.memory_space<vmem>>[vector<16xi32>], vector<16xf32>,
        %parallel_loop3A_40 = arith.constant 4096 : i32
        %parallel_loop3A_41 = vector.broadcast %parallel_loop3A_40 : i32 to vector<16xi32>
        %parallel_loop3A_42 = arith.addi %parallel_loop3A_25, %parallel_loop3A_41 : vector<16xi32>
        %parallel_loop3A_43 = arith.mulf %parallel_loop3A_39, %parallel_loop3A_27 : vector<16xf32>
        tpu.vector_store_idx %arg8[%parallel_loop3A_42], %parallel_loop3A_43 {add = true} : memref<32768xf32, #tpu.memory_space<vmem>>[vector<16xi32>], vector<16xf32>,
        %parallel_loop3A_44 = arith.constant 8192 : i32
        %parallel_loop3A_45 = vector.broadcast %parallel_loop3A_44 : i32 to vector<16xi32>
        %parallel_loop3A_46 = arith.addi %parallel_loop3A_23, %parallel_loop3A_45 : vector<16xi32>
        %parallel_loop3A_47 = tpu.vector_load_idx %arg7[%parallel_loop3A_46] : memref<32768xf32, #tpu.memory_space<vmem>>[vector<16xi32>], vector<16xf32>,
        %parallel_loop3A_48 = arith.constant 8192 : i32
        %parallel_loop3A_49 = vector.broadcast %parallel_loop3A_48 : i32 to vector<16xi32>
        %parallel_loop3A_50 = arith.addi %parallel_loop3A_25, %parallel_loop3A_49 : vector<16xi32>
        %parallel_loop3A_51 = arith.mulf %parallel_loop3A_47, %parallel_loop3A_27 : vector<16xf32>
        tpu.vector_store_idx %arg8[%parallel_loop3A_50], %parallel_loop3A_51 {add = true} : memref<32768xf32, #tpu.memory_space<vmem>>[vector<16xi32>], vector<16xf32>,
        %parallel_loop3A_52 = arith.constant 12288 : i32
        %parallel_loop3A_53 = vector.broadcast %parallel_loop3A_52 : i32 to vector<16xi32>
        %parallel_loop3A_54 = arith.addi %parallel_loop3A_23, %parallel_loop3A_53 : vector<16xi32>
        %parallel_loop3A_55 = tpu.vector_load_idx %arg7[%parallel_loop3A_54] : memref<32768xf32, #tpu.memory_space<vmem>>[vector<16xi32>], vector<16xf32>,
        %parallel_loop3A_56 = arith.constant 12288 : i32
        %parallel_loop3A_57 = vector.broadcast %parallel_loop3A_56 : i32 to vector<16xi32>
        %parallel_loop3A_58 = arith.addi %parallel_loop3A_25, %parallel_loop3A_57 : vector<16xi32>
        %parallel_loop3A_59 = arith.mulf %parallel_loop3A_55, %parallel_loop3A_27 : vector<16xf32>
        tpu.vector_store_idx %arg8[%parallel_loop3A_58], %parallel_loop3A_59 {add = true} : memref<32768xf32, #tpu.memory_space<vmem>>[vector<16xi32>], vector<16xf32>,
        %parallel_loop3A_60 = arith.constant 16384 : i32
        %parallel_loop3A_61 = vector.broadcast %parallel_loop3A_60 : i32 to vector<16xi32>
        %parallel_loop3A_62 = arith.addi %parallel_loop3A_23, %parallel_loop3A_61 : vector<16xi32>
        %parallel_loop3A_63 = tpu.vector_load_idx %arg7[%parallel_loop3A_62] : memref<32768xf32, #tpu.memory_space<vmem>>[vector<16xi32>], vector<16xf32>,
        %parallel_loop3A_64 = arith.constant 16384 : i32
        %parallel_loop3A_65 = vector.broadcast %parallel_loop3A_64 : i32 to vector<16xi32>
        %parallel_loop3A_66 = arith.addi %parallel_loop3A_25, %parallel_loop3A_65 : vector<16xi32>
        %parallel_loop3A_67 = arith.mulf %parallel_loop3A_63, %parallel_loop3A_27 : vector<16xf32>
        tpu.vector_store_idx %arg8[%parallel_loop3A_66], %parallel_loop3A_67 {add = true} : memref<32768xf32, #tpu.memory_space<vmem>>[vector<16xi32>], vector<16xf32>,
        %parallel_loop3A_68 = arith.constant 20480 : i32
        %parallel_loop3A_69 = vector.broadcast %parallel_loop3A_68 : i32 to vector<16xi32>
        %parallel_loop3A_70 = arith.addi %parallel_loop3A_23, %parallel_loop3A_69 : vector<16xi32>
        %parallel_loop3A_71 = tpu.vector_load_idx %arg7[%parallel_loop3A_70] : memref<32768xf32, #tpu.memory_space<vmem>>[vector<16xi32>], vector<16xf32>,
        %parallel_loop3A_72 = arith.constant 20480 : i32
        %parallel_loop3A_73 = vector.broadcast %parallel_loop3A_72 : i32 to vector<16xi32>
        %parallel_loop3A_74 = arith.addi %parallel_loop3A_25, %parallel_loop3A_73 : vector<16xi32>
        %parallel_loop3A_75 = arith.mulf %parallel_loop3A_71, %parallel_loop3A_27 : vector<16xf32>
        tpu.vector_store_idx %arg8[%parallel_loop3A_74], %parallel_loop3A_75 {add = true} : memref<32768xf32, #tpu.memory_space<vmem>>[vector<16xi32>], vector<16xf32>,
        %parallel_loop3A_76 = arith.constant 24576 : i32
        %parallel_loop3A_77 = vector.broadcast %parallel_loop3A_76 : i32 to vector<16xi32>
        %parallel_loop3A_78 = arith.addi %parallel_loop3A_23, %parallel_loop3A_77 : vector<16xi32>
        %parallel_loop3A_79 = tpu.vector_load_idx %arg7[%parallel_loop3A_78] : memref<32768xf32, #tpu.memory_space<vmem>>[vector<16xi32>], vector<16xf32>,
        %parallel_loop3A_80 = arith.constant 24576 : i32
        %parallel_loop3A_81 = vector.broadcast %parallel_loop3A_80 : i32 to vector<16xi32>
        %parallel_loop3A_82 = arith.addi %parallel_loop3A_25, %parallel_loop3A_81 : vector<16xi32>
        %parallel_loop3A_83 = arith.mulf %parallel_loop3A_79, %parallel_loop3A_27 : vector<16xf32>
        tpu.vector_store_idx %arg8[%parallel_loop3A_82], %parallel_loop3A_83 {add = true} : memref<32768xf32, #tpu.memory_space<vmem>>[vector<16xi32>], vector<16xf32>,
        %parallel_loop3A_84 = arith.constant 28672 : i32
        %parallel_loop3A_85 = vector.broadcast %parallel_loop3A_84 : i32 to vector<16xi32>
        %parallel_loop3A_86 = arith.addi %parallel_loop3A_23, %parallel_loop3A_85 : vector<16xi32>
        %parallel_loop3A_87 = tpu.vector_load_idx %arg7[%parallel_loop3A_86] : memref<32768xf32, #tpu.memory_space<vmem>>[vector<16xi32>], vector<16xf32>,
        %parallel_loop3A_88 = arith.constant 28672 : i32
        %parallel_loop3A_89 = vector.broadcast %parallel_loop3A_88 : i32 to vector<16xi32>
        %parallel_loop3A_90 = arith.addi %parallel_loop3A_25, %parallel_loop3A_89 : vector<16xi32>
        %parallel_loop3A_91 = arith.mulf %parallel_loop3A_87, %parallel_loop3A_27 : vector<16xf32>
        tpu.vector_store_idx %arg8[%parallel_loop3A_90], %parallel_loop3A_91 {add = true} : memref<32768xf32, #tpu.memory_space<vmem>>[vector<16xi32>], vector<16xf32>,
      } {sc.loop_unroll_factor = 4 : i64, sc.parallel_access}
    }
    %scan3A_7 = arith.constant 8 : i32
    %mul3A_8 = arith.constant 524288 : i32
    %mul3A_9 = arith.muli %arg0, %mul3A_8 : i32
    %add3A = arith.addi %mul3A_9, %mul3A_0 : i32
    "tpu.region"() ({
      %run_scoped3A = tpu.sem_alloc : memref<!tpu.dma_semaphore, #tpu.memory_space<semaphore_mem>>
      %dma_start3A = tpu.memref_slice %arg6[%add3A] : memref<1048576xf32, #tpu.memory_space<hbm>> -> memref<32768xf32, #tpu.memory_space<hbm>>
      %dma_start3A_10 = tpu.memref_slice %arg6[%add3A] : memref<1048576xf32, #tpu.memory_space<hbm>> -> memref<32768xf32, #tpu.memory_space<hbm>>
      tpu.enqueue_dma source(%arg8 : memref<32768xf32, #tpu.memory_space<vmem>>) target(%dma_start3A_10 : memref<32768xf32, #tpu.memory_space<hbm>>) target_semaphore(%run_scoped3A : memref<!tpu.dma_semaphore, #tpu.memory_space<semaphore_mem>>)
      %dma_wait3A = tpu.memref_slice %arg6[%add3A] : memref<1048576xf32, #tpu.memory_space<hbm>> -> memref<32768xf32, #tpu.memory_space<hbm>>
      %dma_wait3A_11 = tpu.memref_slice %arg6[%add3A] : memref<1048576xf32, #tpu.memory_space<hbm>> -> memref<32768xf32, #tpu.memory_space<hbm>>
      tpu.wait_dma2 semaphore(%run_scoped3A : memref<!tpu.dma_semaphore, #tpu.memory_space<semaphore_mem>>) src(%arg8 : memref<32768xf32, #tpu.memory_space<vmem>>) dst(%dma_wait3A_11 : memref<32768xf32, #tpu.memory_space<hbm>>)
      tpu.yield
    }) : () -> ()
    return
  }
}

#map = affine_map<(d0, d1) -> (0)>
module attributes {stable_mosaic.version = 14 : i64} {
  func.func @_sc_seg_body(%arg0: i32, %arg1: i32, %arg2: memref<524288xf32, #tpu.memory_space<hbm>>, %arg3: memref<131072xi32, #tpu.memory_space<hbm>>, %arg4: memref<131072xi32, #tpu.memory_space<hbm>>, %arg5: memref<131072xf32, #tpu.memory_space<hbm>>, %arg6: memref<1048576xf32, #tpu.memory_space<hbm>>, %arg7: memref<32768xf32, #tpu.memory_space<vmem>>, %arg8: memref<32768xf32, #tpu.memory_space<vmem>>, %arg9: memref<8192xi32, #tpu.memory_space<vmem>>, %arg10: memref<8192xi32, #tpu.memory_space<vmem>>, %arg11: memref<8192xf32, #tpu.memory_space<vmem>>) attributes {dimension_semantics = [#tpu.dimension_semantics<core_parallel>, #tpu.dimension_semantics<subcore_parallel>], iteration_bounds = array<i64: 2, 16>, scalar_prefetch = 0 : i64, scratch_operands = 5 : i64, tpu.core_type = #tpu.core_type<sc_vector_subcore>, window_params = [{transform_indices = #map}, {transform_indices = #map}, {transform_indices = #map}, {transform_indices = #map}, {transform_indices = #map}]} {
    %mul3A = arith.constant 32768 : i32
    %mul3A_0 = arith.muli %arg1, %mul3A : i32
    "tpu.region"() ({
      %run_scoped3A = tpu.sem_alloc : memref<!tpu.dma_semaphore, #tpu.memory_space<semaphore_mem>>
      %dma_start3A = tpu.memref_slice %arg2[%mul3A_0] : memref<524288xf32, #tpu.memory_space<hbm>> -> memref<32768xf32, #tpu.memory_space<hbm>>
      %dma_start3A_10 = tpu.memref_slice %arg2[%mul3A_0] : memref<524288xf32, #tpu.memory_space<hbm>> -> memref<32768xf32, #tpu.memory_space<hbm>>
      tpu.enqueue_dma source(%dma_start3A_10 : memref<32768xf32, #tpu.memory_space<hbm>>) target(%arg7 : memref<32768xf32, #tpu.memory_space<vmem>>) target_semaphore(%run_scoped3A : memref<!tpu.dma_semaphore, #tpu.memory_space<semaphore_mem>>)
      %dma_wait3A = tpu.memref_slice %arg2[%mul3A_0] : memref<524288xf32, #tpu.memory_space<hbm>> -> memref<32768xf32, #tpu.memory_space<hbm>>
      %dma_wait3A_11 = tpu.memref_slice %arg2[%mul3A_0] : memref<524288xf32, #tpu.memory_space<hbm>> -> memref<32768xf32, #tpu.memory_space<hbm>>
      tpu.wait_dma2 semaphore(%run_scoped3A : memref<!tpu.dma_semaphore, #tpu.memory_space<semaphore_mem>>) src(%dma_wait3A_11 : memref<32768xf32, #tpu.memory_space<hbm>>) dst(%arg7 : memref<32768xf32, #tpu.memory_space<vmem>>)
      tpu.yield
    }) : () -> ()
    %parallel_loop3A = arith.constant 0 : i32
    %parallel_loop3A_1 = arith.constant 2048 : i32
    %parallel_loop3A_2 = arith.constant 1 : i32
    scf.for %parallel_loop3A_10 = %parallel_loop3A to %parallel_loop3A_1 step %parallel_loop3A_2  : i32 {
      %parallel_loop3A_11 = arith.constant 0.000000e+00 : f32
      %parallel_loop3A_12 = vector.broadcast %parallel_loop3A_11 : f32 to vector<16xf32>
      %parallel_loop3A_13 = arith.constant 16 : i32
      %parallel_loop3A_14 = arith.muli %parallel_loop3A_10, %parallel_loop3A_13 : i32
      %parallel_loop3A_15 = arith.index_cast %parallel_loop3A_14 : i32 to index
      %parallel_loop3A_16 = tpu.vector_load %arg8[%parallel_loop3A_15] {strides = array<i32>} : memref<32768xf32, #tpu.memory_space<vmem>>, vector<16xf32>,
      tpu.vector_store %arg8[%parallel_loop3A_15], %parallel_loop3A_12 {strides = array<i32>} : memref<32768xf32, #tpu.memory_space<vmem>>, vector<16xf32>,
    } {sc.loop_unroll_factor = 8 : i64, sc.parallel_access}
    %scan3A = arith.constant 0 : i32
    %scan3A_3 = arith.constant 0 : i32
    %scan3A_4 = arith.constant 8 : i32
    %scan3A_5 = arith.addi %scan3A_3, %scan3A_4 : i32
    %scan3A_6 = arith.constant 1 : i32
    scf.for %scan3A_10 = %scan3A_3 to %scan3A_5 step %scan3A_6  : i32 {
      %mul3A_11 = arith.constant 65536 : i32
      %mul3A_12 = arith.muli %arg0, %mul3A_11 : i32
      %mul3A_13 = arith.constant 8192 : i32
      %mul3A_14 = arith.muli %scan3A_10, %mul3A_13 : i32
      %add3A_15 = arith.addi %mul3A_12, %mul3A_14 : i32
      "tpu.region"() ({
        %run_scoped3A = tpu.sem_alloc : memref<!tpu.dma_semaphore, #tpu.memory_space<semaphore_mem>>
        %dma_start3A = tpu.memref_slice %arg3[%add3A_15] : memref<131072xi32, #tpu.memory_space<hbm>> -> memref<8192xi32, #tpu.memory_space<hbm>>
        %dma_start3A_19 = tpu.memref_slice %arg3[%add3A_15] : memref<131072xi32, #tpu.memory_space<hbm>> -> memref<8192xi32, #tpu.memory_space<hbm>>
        tpu.enqueue_dma source(%dma_start3A_19 : memref<8192xi32, #tpu.memory_space<hbm>>) target(%arg9 : memref<8192xi32, #tpu.memory_space<vmem>>) target_semaphore(%run_scoped3A : memref<!tpu.dma_semaphore, #tpu.memory_space<semaphore_mem>>)
        %dma_wait3A = tpu.memref_slice %arg3[%add3A_15] : memref<131072xi32, #tpu.memory_space<hbm>> -> memref<8192xi32, #tpu.memory_space<hbm>>
        %dma_wait3A_20 = tpu.memref_slice %arg3[%add3A_15] : memref<131072xi32, #tpu.memory_space<hbm>> -> memref<8192xi32, #tpu.memory_space<hbm>>
        tpu.wait_dma2 semaphore(%run_scoped3A : memref<!tpu.dma_semaphore, #tpu.memory_space<semaphore_mem>>) src(%dma_wait3A_20 : memref<8192xi32, #tpu.memory_space<hbm>>) dst(%arg9 : memref<8192xi32, #tpu.memory_space<vmem>>)
        tpu.yield
      }) : () -> ()
      "tpu.region"() ({
        %run_scoped3A = tpu.sem_alloc : memref<!tpu.dma_semaphore, #tpu.memory_space<semaphore_mem>>
        %dma_start3A = tpu.memref_slice %arg4[%add3A_15] : memref<131072xi32, #tpu.memory_space<hbm>> -> memref<8192xi32, #tpu.memory_space<hbm>>
        %dma_start3A_19 = tpu.memref_slice %arg4[%add3A_15] : memref<131072xi32, #tpu.memory_space<hbm>> -> memref<8192xi32, #tpu.memory_space<hbm>>
        tpu.enqueue_dma source(%dma_start3A_19 : memref<8192xi32, #tpu.memory_space<hbm>>) target(%arg10 : memref<8192xi32, #tpu.memory_space<vmem>>) target_semaphore(%run_scoped3A : memref<!tpu.dma_semaphore, #tpu.memory_space<semaphore_mem>>)
        %dma_wait3A = tpu.memref_slice %arg4[%add3A_15] : memref<131072xi32, #tpu.memory_space<hbm>> -> memref<8192xi32, #tpu.memory_space<hbm>>
        %dma_wait3A_20 = tpu.memref_slice %arg4[%add3A_15] : memref<131072xi32, #tpu.memory_space<hbm>> -> memref<8192xi32, #tpu.memory_space<hbm>>
        tpu.wait_dma2 semaphore(%run_scoped3A : memref<!tpu.dma_semaphore, #tpu.memory_space<semaphore_mem>>) src(%dma_wait3A_20 : memref<8192xi32, #tpu.memory_space<hbm>>) dst(%arg10 : memref<8192xi32, #tpu.memory_space<vmem>>)
        tpu.yield
      }) : () -> ()
      "tpu.region"() ({
        %run_scoped3A = tpu.sem_alloc : memref<!tpu.dma_semaphore, #tpu.memory_space<semaphore_mem>>
        %dma_start3A = tpu.memref_slice %arg5[%add3A_15] : memref<131072xf32, #tpu.memory_space<hbm>> -> memref<8192xf32, #tpu.memory_space<hbm>>
        %dma_start3A_19 = tpu.memref_slice %arg5[%add3A_15] : memref<131072xf32, #tpu.memory_space<hbm>> -> memref<8192xf32, #tpu.memory_space<hbm>>
        tpu.enqueue_dma source(%dma_start3A_19 : memref<8192xf32, #tpu.memory_space<hbm>>) target(%arg11 : memref<8192xf32, #tpu.memory_space<vmem>>) target_semaphore(%run_scoped3A : memref<!tpu.dma_semaphore, #tpu.memory_space<semaphore_mem>>)
        %dma_wait3A = tpu.memref_slice %arg5[%add3A_15] : memref<131072xf32, #tpu.memory_space<hbm>> -> memref<8192xf32, #tpu.memory_space<hbm>>
        %dma_wait3A_20 = tpu.memref_slice %arg5[%add3A_15] : memref<131072xf32, #tpu.memory_space<hbm>> -> memref<8192xf32, #tpu.memory_space<hbm>>
        tpu.wait_dma2 semaphore(%run_scoped3A : memref<!tpu.dma_semaphore, #tpu.memory_space<semaphore_mem>>) src(%dma_wait3A_20 : memref<8192xf32, #tpu.memory_space<hbm>>) dst(%arg11 : memref<8192xf32, #tpu.memory_space<vmem>>)
        tpu.yield
      }) : () -> ()
      %parallel_loop3A_16 = arith.constant 0 : i32
      %parallel_loop3A_17 = arith.constant 512 : i32
      %parallel_loop3A_18 = arith.constant 1 : i32
      scf.for %parallel_loop3A_19 = %parallel_loop3A_16 to %parallel_loop3A_17 step %parallel_loop3A_18  : i32 {
        %parallel_loop3A_20 = arith.constant 16 : i32
        %parallel_loop3A_21 = arith.muli %parallel_loop3A_19, %parallel_loop3A_20 : i32
        %parallel_loop3A_22 = arith.index_cast %parallel_loop3A_21 : i32 to index
        %parallel_loop3A_23 = tpu.vector_load %arg9[%parallel_loop3A_22] {strides = array<i32>} : memref<8192xi32, #tpu.memory_space<vmem>>, vector<16xi32>,
        %parallel_loop3A_24 = arith.index_cast %parallel_loop3A_21 : i32 to index
        %parallel_loop3A_25 = tpu.vector_load %arg10[%parallel_loop3A_24] {strides = array<i32>} : memref<8192xi32, #tpu.memory_space<vmem>>, vector<16xi32>,
        %parallel_loop3A_26 = arith.index_cast %parallel_loop3A_21 : i32 to index
        %parallel_loop3A_27 = tpu.vector_load %arg11[%parallel_loop3A_26] {strides = array<i32>} : memref<8192xf32, #tpu.memory_space<vmem>>, vector<16xf32>,
        %parallel_loop3A_28 = arith.constant 0 : i32
        %parallel_loop3A_29 = vector.broadcast %parallel_loop3A_28 : i32 to vector<16xi32>
        %parallel_loop3A_30 = arith.addi %parallel_loop3A_23, %parallel_loop3A_29 : vector<16xi32>
        %parallel_loop3A_31 = tpu.vector_load_idx %arg7[%parallel_loop3A_30] : memref<32768xf32, #tpu.memory_space<vmem>>[vector<16xi32>], vector<16xf32>,
        %parallel_loop3A_32 = arith.constant 0 : i32
        %parallel_loop3A_33 = vector.broadcast %parallel_loop3A_32 : i32 to vector<16xi32>
        %parallel_loop3A_34 = arith.addi %parallel_loop3A_25, %parallel_loop3A_33 : vector<16xi32>
        %parallel_loop3A_35 = arith.mulf %parallel_loop3A_31, %parallel_loop3A_27 : vector<16xf32>
        tpu.vector_store_idx %arg8[%parallel_loop3A_34], %parallel_loop3A_35 {add = true} : memref<32768xf32, #tpu.memory_space<vmem>>[vector<16xi32>], vector<16xf32>,
        %parallel_loop3A_36 = arith.constant 4096 : i32
        %parallel_loop3A_37 = vector.broadcast %parallel_loop3A_36 : i32 to vector<16xi32>
        %parallel_loop3A_38 = arith.addi %parallel_loop3A_23, %parallel_loop3A_37 : vector<16xi32>
        %parallel_loop3A_39 = tpu.vector_load_idx %arg7[%parallel_loop3A_38] : memref<32768xf32, #tpu.memory_space<vmem>>[vector<16xi32>], vector<16xf32>,
        %parallel_loop3A_40 = arith.constant 4096 : i32
        %parallel_loop3A_41 = vector.broadcast %parallel_loop3A_40 : i32 to vector<16xi32>
        %parallel_loop3A_42 = arith.addi %parallel_loop3A_25, %parallel_loop3A_41 : vector<16xi32>
        %parallel_loop3A_43 = arith.mulf %parallel_loop3A_39, %parallel_loop3A_27 : vector<16xf32>
        tpu.vector_store_idx %arg8[%parallel_loop3A_42], %parallel_loop3A_43 {add = true} : memref<32768xf32, #tpu.memory_space<vmem>>[vector<16xi32>], vector<16xf32>,
        %parallel_loop3A_44 = arith.constant 8192 : i32
        %parallel_loop3A_45 = vector.broadcast %parallel_loop3A_44 : i32 to vector<16xi32>
        %parallel_loop3A_46 = arith.addi %parallel_loop3A_23, %parallel_loop3A_45 : vector<16xi32>
        %parallel_loop3A_47 = tpu.vector_load_idx %arg7[%parallel_loop3A_46] : memref<32768xf32, #tpu.memory_space<vmem>>[vector<16xi32>], vector<16xf32>,
        %parallel_loop3A_48 = arith.constant 8192 : i32
        %parallel_loop3A_49 = vector.broadcast %parallel_loop3A_48 : i32 to vector<16xi32>
        %parallel_loop3A_50 = arith.addi %parallel_loop3A_25, %parallel_loop3A_49 : vector<16xi32>
        %parallel_loop3A_51 = arith.mulf %parallel_loop3A_47, %parallel_loop3A_27 : vector<16xf32>
        tpu.vector_store_idx %arg8[%parallel_loop3A_50], %parallel_loop3A_51 {add = true} : memref<32768xf32, #tpu.memory_space<vmem>>[vector<16xi32>], vector<16xf32>,
        %parallel_loop3A_52 = arith.constant 12288 : i32
        %parallel_loop3A_53 = vector.broadcast %parallel_loop3A_52 : i32 to vector<16xi32>
        %parallel_loop3A_54 = arith.addi %parallel_loop3A_23, %parallel_loop3A_53 : vector<16xi32>
        %parallel_loop3A_55 = tpu.vector_load_idx %arg7[%parallel_loop3A_54] : memref<32768xf32, #tpu.memory_space<vmem>>[vector<16xi32>], vector<16xf32>,
        %parallel_loop3A_56 = arith.constant 12288 : i32
        %parallel_loop3A_57 = vector.broadcast %parallel_loop3A_56 : i32 to vector<16xi32>
        %parallel_loop3A_58 = arith.addi %parallel_loop3A_25, %parallel_loop3A_57 : vector<16xi32>
        %parallel_loop3A_59 = arith.mulf %parallel_loop3A_55, %parallel_loop3A_27 : vector<16xf32>
        tpu.vector_store_idx %arg8[%parallel_loop3A_58], %parallel_loop3A_59 {add = true} : memref<32768xf32, #tpu.memory_space<vmem>>[vector<16xi32>], vector<16xf32>,
        %parallel_loop3A_60 = arith.constant 16384 : i32
        %parallel_loop3A_61 = vector.broadcast %parallel_loop3A_60 : i32 to vector<16xi32>
        %parallel_loop3A_62 = arith.addi %parallel_loop3A_23, %parallel_loop3A_61 : vector<16xi32>
        %parallel_loop3A_63 = tpu.vector_load_idx %arg7[%parallel_loop3A_62] : memref<32768xf32, #tpu.memory_space<vmem>>[vector<16xi32>], vector<16xf32>,
        %parallel_loop3A_64 = arith.constant 16384 : i32
        %parallel_loop3A_65 = vector.broadcast %parallel_loop3A_64 : i32 to vector<16xi32>
        %parallel_loop3A_66 = arith.addi %parallel_loop3A_25, %parallel_loop3A_65 : vector<16xi32>
        %parallel_loop3A_67 = arith.mulf %parallel_loop3A_63, %parallel_loop3A_27 : vector<16xf32>
        tpu.vector_store_idx %arg8[%parallel_loop3A_66], %parallel_loop3A_67 {add = true} : memref<32768xf32, #tpu.memory_space<vmem>>[vector<16xi32>], vector<16xf32>,
        %parallel_loop3A_68 = arith.constant 20480 : i32
        %parallel_loop3A_69 = vector.broadcast %parallel_loop3A_68 : i32 to vector<16xi32>
        %parallel_loop3A_70 = arith.addi %parallel_loop3A_23, %parallel_loop3A_69 : vector<16xi32>
        %parallel_loop3A_71 = tpu.vector_load_idx %arg7[%parallel_loop3A_70] : memref<32768xf32, #tpu.memory_space<vmem>>[vector<16xi32>], vector<16xf32>,
        %parallel_loop3A_72 = arith.constant 20480 : i32
        %parallel_loop3A_73 = vector.broadcast %parallel_loop3A_72 : i32 to vector<16xi32>
        %parallel_loop3A_74 = arith.addi %parallel_loop3A_25, %parallel_loop3A_73 : vector<16xi32>
        %parallel_loop3A_75 = arith.mulf %parallel_loop3A_71, %parallel_loop3A_27 : vector<16xf32>
        tpu.vector_store_idx %arg8[%parallel_loop3A_74], %parallel_loop3A_75 {add = true} : memref<32768xf32, #tpu.memory_space<vmem>>[vector<16xi32>], vector<16xf32>,
        %parallel_loop3A_76 = arith.constant 24576 : i32
        %parallel_loop3A_77 = vector.broadcast %parallel_loop3A_76 : i32 to vector<16xi32>
        %parallel_loop3A_78 = arith.addi %parallel_loop3A_23, %parallel_loop3A_77 : vector<16xi32>
        %parallel_loop3A_79 = tpu.vector_load_idx %arg7[%parallel_loop3A_78] : memref<32768xf32, #tpu.memory_space<vmem>>[vector<16xi32>], vector<16xf32>,
        %parallel_loop3A_80 = arith.constant 24576 : i32
        %parallel_loop3A_81 = vector.broadcast %parallel_loop3A_80 : i32 to vector<16xi32>
        %parallel_loop3A_82 = arith.addi %parallel_loop3A_25, %parallel_loop3A_81 : vector<16xi32>
        %parallel_loop3A_83 = arith.mulf %parallel_loop3A_79, %parallel_loop3A_27 : vector<16xf32>
        tpu.vector_store_idx %arg8[%parallel_loop3A_82], %parallel_loop3A_83 {add = true} : memref<32768xf32, #tpu.memory_space<vmem>>[vector<16xi32>], vector<16xf32>,
        %parallel_loop3A_84 = arith.constant 28672 : i32
        %parallel_loop3A_85 = vector.broadcast %parallel_loop3A_84 : i32 to vector<16xi32>
        %parallel_loop3A_86 = arith.addi %parallel_loop3A_23, %parallel_loop3A_85 : vector<16xi32>
        %parallel_loop3A_87 = tpu.vector_load_idx %arg7[%parallel_loop3A_86] : memref<32768xf32, #tpu.memory_space<vmem>>[vector<16xi32>], vector<16xf32>,
        %parallel_loop3A_88 = arith.constant 28672 : i32
        %parallel_loop3A_89 = vector.broadcast %parallel_loop3A_88 : i32 to vector<16xi32>
        %parallel_loop3A_90 = arith.addi %parallel_loop3A_25, %parallel_loop3A_89 : vector<16xi32>
        %parallel_loop3A_91 = arith.mulf %parallel_loop3A_87, %parallel_loop3A_27 : vector<16xf32>
        tpu.vector_store_idx %arg8[%parallel_loop3A_90], %parallel_loop3A_91 {add = true} : memref<32768xf32, #tpu.memory_space<vmem>>[vector<16xi32>], vector<16xf32>,
      } {sc.loop_unroll_factor = 4 : i64, sc.parallel_access}
    }
    %scan3A_7 = arith.constant 8 : i32
    %mul3A_8 = arith.constant 524288 : i32
    %mul3A_9 = arith.muli %arg0, %mul3A_8 : i32
    %add3A = arith.addi %mul3A_9, %mul3A_0 : i32
    "tpu.region"() ({
      %run_scoped3A = tpu.sem_alloc : memref<!tpu.dma_semaphore, #tpu.memory_space<semaphore_mem>>
      %dma_start3A = tpu.memref_slice %arg6[%add3A] : memref<1048576xf32, #tpu.memory_space<hbm>> -> memref<32768xf32, #tpu.memory_space<hbm>>
      %dma_start3A_10 = tpu.memref_slice %arg6[%add3A] : memref<1048576xf32, #tpu.memory_space<hbm>> -> memref<32768xf32, #tpu.memory_space<hbm>>
      tpu.enqueue_dma source(%arg8 : memref<32768xf32, #tpu.memory_space<vmem>>) target(%dma_start3A_10 : memref<32768xf32, #tpu.memory_space<hbm>>) target_semaphore(%run_scoped3A : memref<!tpu.dma_semaphore, #tpu.memory_space<semaphore_mem>>)
      %dma_wait3A = tpu.memref_slice %arg6[%add3A] : memref<1048576xf32, #tpu.memory_space<hbm>> -> memref<32768xf32, #tpu.memory_space<hbm>>
      %dma_wait3A_11 = tpu.memref_slice %arg6[%add3A] : memref<1048576xf32, #tpu.memory_space<hbm>> -> memref<32768xf32, #tpu.memory_space<hbm>>
      tpu.wait_dma2 semaphore(%run_scoped3A : memref<!tpu.dma_semaphore, #tpu.memory_space<semaphore_mem>>) src(%arg8 : memref<32768xf32, #tpu.memory_space<vmem>>) dst(%dma_wait3A_11 : memref<32768xf32, #tpu.memory_space<hbm>>)
      tpu.yield
    }) : () -> ()
    return
  }
}

#map = affine_map<(d0, d1) -> (0)>
module attributes {stable_mosaic.version = 14 : i64} {
  func.func @_sc_norm_body(%arg0: i32, %arg1: i32, %arg2: memref<4096xf32, #tpu.memory_space<hbm>>, %arg3: memref<131072xi32, #tpu.memory_space<hbm>>, %arg4: memref<131072xi32, #tpu.memory_space<hbm>>, %arg5: memref<131072xf32, #tpu.memory_space<hbm>>, %arg6: memref<131072xf32, #tpu.memory_space<hbm>>, %arg7: memref<4096xf32, #tpu.memory_space<vmem>>, %arg8: memref<4096xi32, #tpu.memory_space<vmem>>, %arg9: memref<4096xi32, #tpu.memory_space<vmem>>, %arg10: memref<4096xf32, #tpu.memory_space<vmem>>, %arg11: memref<4096xf32, #tpu.memory_space<vmem>>) attributes {dimension_semantics = [#tpu.dimension_semantics<core_parallel>, #tpu.dimension_semantics<subcore_parallel>], iteration_bounds = array<i64: 2, 16>, scalar_prefetch = 0 : i64, scratch_operands = 5 : i64, tpu.core_type = #tpu.core_type<sc_vector_subcore>, window_params = [{transform_indices = #map}, {transform_indices = #map}, {transform_indices = #map}, {transform_indices = #map}, {transform_indices = #map}]} {
    %mul3A = arith.constant 2 : i32
    %mul3A_0 = arith.muli %arg1, %mul3A : i32
    %add3A = arith.addi %mul3A_0, %arg0 : i32
    %mul3A_1 = arith.constant 4096 : i32
    %mul3A_2 = arith.muli %add3A, %mul3A_1 : i32
    "tpu.region"() ({
      %run_scoped3A = tpu.sem_alloc : memref<!tpu.dma_semaphore, #tpu.memory_space<semaphore_mem>>
      tpu.enqueue_dma source(%arg2 : memref<4096xf32, #tpu.memory_space<hbm>>) target(%arg7 : memref<4096xf32, #tpu.memory_space<vmem>>) target_semaphore(%run_scoped3A : memref<!tpu.dma_semaphore, #tpu.memory_space<semaphore_mem>>)
      tpu.wait_dma2 semaphore(%run_scoped3A : memref<!tpu.dma_semaphore, #tpu.memory_space<semaphore_mem>>) src(%arg2 : memref<4096xf32, #tpu.memory_space<hbm>>) dst(%arg7 : memref<4096xf32, #tpu.memory_space<vmem>>)
      tpu.yield
    }) : () -> ()
    "tpu.region"() ({
      %run_scoped3A = tpu.sem_alloc : memref<!tpu.dma_semaphore, #tpu.memory_space<semaphore_mem>>
      %dma_start3A = tpu.memref_slice %arg3[%mul3A_2] : memref<131072xi32, #tpu.memory_space<hbm>> -> memref<4096xi32, #tpu.memory_space<hbm>>
      %dma_start3A_8 = tpu.memref_slice %arg3[%mul3A_2] : memref<131072xi32, #tpu.memory_space<hbm>> -> memref<4096xi32, #tpu.memory_space<hbm>>
      tpu.enqueue_dma source(%dma_start3A_8 : memref<4096xi32, #tpu.memory_space<hbm>>) target(%arg8 : memref<4096xi32, #tpu.memory_space<vmem>>) target_semaphore(%run_scoped3A : memref<!tpu.dma_semaphore, #tpu.memory_space<semaphore_mem>>)
      %dma_wait3A = tpu.memref_slice %arg3[%mul3A_2] : memref<131072xi32, #tpu.memory_space<hbm>> -> memref<4096xi32, #tpu.memory_space<hbm>>
      %dma_wait3A_9 = tpu.memref_slice %arg3[%mul3A_2] : memref<131072xi32, #tpu.memory_space<hbm>> -> memref<4096xi32, #tpu.memory_space<hbm>>
      tpu.wait_dma2 semaphore(%run_scoped3A : memref<!tpu.dma_semaphore, #tpu.memory_space<semaphore_mem>>) src(%dma_wait3A_9 : memref<4096xi32, #tpu.memory_space<hbm>>) dst(%arg8 : memref<4096xi32, #tpu.memory_space<vmem>>)
      tpu.yield
    }) : () -> ()
    "tpu.region"() ({
      %run_scoped3A = tpu.sem_alloc : memref<!tpu.dma_semaphore, #tpu.memory_space<semaphore_mem>>
      %dma_start3A = tpu.memref_slice %arg4[%mul3A_2] : memref<131072xi32, #tpu.memory_space<hbm>> -> memref<4096xi32, #tpu.memory_space<hbm>>
      %dma_start3A_8 = tpu.memref_slice %arg4[%mul3A_2] : memref<131072xi32, #tpu.memory_space<hbm>> -> memref<4096xi32, #tpu.memory_space<hbm>>
      tpu.enqueue_dma source(%dma_start3A_8 : memref<4096xi32, #tpu.memory_space<hbm>>) target(%arg9 : memref<4096xi32, #tpu.memory_space<vmem>>) target_semaphore(%run_scoped3A : memref<!tpu.dma_semaphore, #tpu.memory_space<semaphore_mem>>)
      %dma_wait3A = tpu.memref_slice %arg4[%mul3A_2] : memref<131072xi32, #tpu.memory_space<hbm>> -> memref<4096xi32, #tpu.memory_space<hbm>>
      %dma_wait3A_9 = tpu.memref_slice %arg4[%mul3A_2] : memref<131072xi32, #tpu.memory_space<hbm>> -> memref<4096xi32, #tpu.memory_space<hbm>>
      tpu.wait_dma2 semaphore(%run_scoped3A : memref<!tpu.dma_semaphore, #tpu.memory_space<semaphore_mem>>) src(%dma_wait3A_9 : memref<4096xi32, #tpu.memory_space<hbm>>) dst(%arg9 : memref<4096xi32, #tpu.memory_space<vmem>>)
      tpu.yield
    }) : () -> ()
    "tpu.region"() ({
      %run_scoped3A = tpu.sem_alloc : memref<!tpu.dma_semaphore, #tpu.memory_space<semaphore_mem>>
      %dma_start3A = tpu.memref_slice %arg5[%mul3A_2] : memref<131072xf32, #tpu.memory_space<hbm>> -> memref<4096xf32, #tpu.memory_space<hbm>>
      %dma_start3A_8 = tpu.memref_slice %arg5[%mul3A_2] : memref<131072xf32, #tpu.memory_space<hbm>> -> memref<4096xf32, #tpu.memory_space<hbm>>
      tpu.enqueue_dma source(%dma_start3A_8 : memref<4096xf32, #tpu.memory_space<hbm>>) target(%arg10 : memref<4096xf32, #tpu.memory_space<vmem>>) target_semaphore(%run_scoped3A : memref<!tpu.dma_semaphore, #tpu.memory_space<semaphore_mem>>)
      %dma_wait3A = tpu.memref_slice %arg5[%mul3A_2] : memref<131072xf32, #tpu.memory_space<hbm>> -> memref<4096xf32, #tpu.memory_space<hbm>>
      %dma_wait3A_9 = tpu.memref_slice %arg5[%mul3A_2] : memref<131072xf32, #tpu.memory_space<hbm>> -> memref<4096xf32, #tpu.memory_space<hbm>>
      tpu.wait_dma2 semaphore(%run_scoped3A : memref<!tpu.dma_semaphore, #tpu.memory_space<semaphore_mem>>) src(%dma_wait3A_9 : memref<4096xf32, #tpu.memory_space<hbm>>) dst(%arg10 : memref<4096xf32, #tpu.memory_space<vmem>>)
      tpu.yield
    }) : () -> ()
    %scan3A = arith.constant 0 : i32
    %scan3A_3 = arith.constant 0 : i32
    %scan3A_4 = arith.constant 256 : i32
    %scan3A_5 = arith.addi %scan3A_3, %scan3A_4 : i32
    %scan3A_6 = arith.constant 1 : i32
    scf.for %scan3A_8 = %scan3A_3 to %scan3A_5 step %scan3A_6  : i32 {
      %mul3A_9 = arith.constant 16 : i32
      %mul3A_10 = arith.muli %scan3A_8, %mul3A_9 : i32
      %get3A = arith.index_cast %mul3A_10 : i32 to index
      %get3A_11 = tpu.vector_load %arg8[%get3A] {strides = array<i32>} : memref<4096xi32, #tpu.memory_space<vmem>>, vector<16xi32>,
      %get3A_12 = arith.index_cast %mul3A_10 : i32 to index
      %get3A_13 = tpu.vector_load %arg9[%get3A_12] {strides = array<i32>} : memref<4096xi32, #tpu.memory_space<vmem>>, vector<16xi32>,
      %get3A_14 = arith.index_cast %mul3A_10 : i32 to index
      %get3A_15 = tpu.vector_load %arg10[%get3A_14] {strides = array<i32>} : memref<4096xf32, #tpu.memory_space<vmem>>, vector<16xf32>,
      %gather3A = tpu.vector_load_idx %arg7[%get3A_11] : memref<4096xf32, #tpu.memory_space<vmem>>[vector<16xi32>], vector<16xf32>,
      %mul3A_16 = arith.mulf %gather3A, %get3A_15 : vector<16xf32>
      %gather3A_17 = tpu.vector_load_idx %arg7[%get3A_13] : memref<4096xf32, #tpu.memory_space<vmem>>[vector<16xi32>], vector<16xf32>,
      %mul3A_18 = arith.mulf %mul3A_16, %gather3A_17 : vector<16xf32>
      %swap3A = arith.index_cast %mul3A_10 : i32 to index
      %swap3A_19 = tpu.vector_load %arg11[%swap3A] {strides = array<i32>} : memref<4096xf32, #tpu.memory_space<vmem>>, vector<16xf32>,
      tpu.vector_store %arg11[%swap3A], %mul3A_18 {strides = array<i32>} : memref<4096xf32, #tpu.memory_space<vmem>>, vector<16xf32>,
    }
    %scan3A_7 = arith.constant 256 : i32
    "tpu.region"() ({
      %run_scoped3A = tpu.sem_alloc : memref<!tpu.dma_semaphore, #tpu.memory_space<semaphore_mem>>
      %dma_start3A = tpu.memref_slice %arg6[%mul3A_2] : memref<131072xf32, #tpu.memory_space<hbm>> -> memref<4096xf32, #tpu.memory_space<hbm>>
      %dma_start3A_8 = tpu.memref_slice %arg6[%mul3A_2] : memref<131072xf32, #tpu.memory_space<hbm>> -> memref<4096xf32, #tpu.memory_space<hbm>>
      tpu.enqueue_dma source(%arg11 : memref<4096xf32, #tpu.memory_space<vmem>>) target(%dma_start3A_8 : memref<4096xf32, #tpu.memory_space<hbm>>) target_semaphore(%run_scoped3A : memref<!tpu.dma_semaphore, #tpu.memory_space<semaphore_mem>>)
      %dma_wait3A = tpu.memref_slice %arg6[%mul3A_2] : memref<131072xf32, #tpu.memory_space<hbm>> -> memref<4096xf32, #tpu.memory_space<hbm>>
      %dma_wait3A_9 = tpu.memref_slice %arg6[%mul3A_2] : memref<131072xf32, #tpu.memory_space<hbm>> -> memref<4096xf32, #tpu.memory_space<hbm>>
      tpu.wait_dma2 semaphore(%run_scoped3A : memref<!tpu.dma_semaphore, #tpu.memory_space<semaphore_mem>>) src(%arg11 : memref<4096xf32, #tpu.memory_space<vmem>>) dst(%dma_wait3A_9 : memref<4096xf32, #tpu.memory_space<hbm>>)
      tpu.yield
    }) : () -> ()
    return
  }
}

#map = affine_map<(d0, d1) -> (0)>
#map1 = affine_map<(d0, d1) -> (0, 0)>
module attributes {stable_mosaic.version = 14 : i64} {
  func.func @_sc_deg_body(%arg0: i32, %arg1: i32, %arg2: memref<131072xi32, #tpu.memory_space<hbm>>, %arg3: memref<131072xf32, #tpu.memory_space<hbm>>, %arg4: memref<32x4096xf32, #tpu.memory_space<hbm>>, %arg5: memref<4096xi32, #tpu.memory_space<vmem>>, %arg6: memref<4096xf32, #tpu.memory_space<vmem>>, %arg7: memref<4096xf32, #tpu.memory_space<vmem>>) attributes {dimension_semantics = [#tpu.dimension_semantics<core_parallel>, #tpu.dimension_semantics<subcore_parallel>], iteration_bounds = array<i64: 2, 16>, scalar_prefetch = 0 : i64, scratch_operands = 3 : i64, tpu.core_type = #tpu.core_type<sc_vector_subcore>, window_params = [{transform_indices = #map}, {transform_indices = #map}, {transform_indices = #map1}]} {
    %mul3A = arith.constant 2 : i32
    %mul3A_0 = arith.muli %arg1, %mul3A : i32
    %add3A = arith.addi %mul3A_0, %arg0 : i32
    %mul3A_1 = arith.constant 4096 : i32
    %mul3A_2 = arith.muli %add3A, %mul3A_1 : i32
    "tpu.region"() ({
      %run_scoped3A = tpu.sem_alloc : memref<!tpu.dma_semaphore, #tpu.memory_space<semaphore_mem>>
      %dma_start3A = tpu.memref_slice %arg2[%mul3A_2] : memref<131072xi32, #tpu.memory_space<hbm>> -> memref<4096xi32, #tpu.memory_space<hbm>>
      %dma_start3A_14 = tpu.memref_slice %arg2[%mul3A_2] : memref<131072xi32, #tpu.memory_space<hbm>> -> memref<4096xi32, #tpu.memory_space<hbm>>
      tpu.enqueue_dma source(%dma_start3A_14 : memref<4096xi32, #tpu.memory_space<hbm>>) target(%arg5 : memref<4096xi32, #tpu.memory_space<vmem>>) target_semaphore(%run_scoped3A : memref<!tpu.dma_semaphore, #tpu.memory_space<semaphore_mem>>)
      %dma_wait3A = tpu.memref_slice %arg2[%mul3A_2] : memref<131072xi32, #tpu.memory_space<hbm>> -> memref<4096xi32, #tpu.memory_space<hbm>>
      %dma_wait3A_15 = tpu.memref_slice %arg2[%mul3A_2] : memref<131072xi32, #tpu.memory_space<hbm>> -> memref<4096xi32, #tpu.memory_space<hbm>>
      tpu.wait_dma2 semaphore(%run_scoped3A : memref<!tpu.dma_semaphore, #tpu.memory_space<semaphore_mem>>) src(%dma_wait3A_15 : memref<4096xi32, #tpu.memory_space<hbm>>) dst(%arg5 : memref<4096xi32, #tpu.memory_space<vmem>>)
      tpu.yield
    }) : () -> ()
    "tpu.region"() ({
      %run_scoped3A = tpu.sem_alloc : memref<!tpu.dma_semaphore, #tpu.memory_space<semaphore_mem>>
      %dma_start3A = tpu.memref_slice %arg3[%mul3A_2] : memref<131072xf32, #tpu.memory_space<hbm>> -> memref<4096xf32, #tpu.memory_space<hbm>>
      %dma_start3A_14 = tpu.memref_slice %arg3[%mul3A_2] : memref<131072xf32, #tpu.memory_space<hbm>> -> memref<4096xf32, #tpu.memory_space<hbm>>
      tpu.enqueue_dma source(%dma_start3A_14 : memref<4096xf32, #tpu.memory_space<hbm>>) target(%arg6 : memref<4096xf32, #tpu.memory_space<vmem>>) target_semaphore(%run_scoped3A : memref<!tpu.dma_semaphore, #tpu.memory_space<semaphore_mem>>)
      %dma_wait3A = tpu.memref_slice %arg3[%mul3A_2] : memref<131072xf32, #tpu.memory_space<hbm>> -> memref<4096xf32, #tpu.memory_space<hbm>>
      %dma_wait3A_15 = tpu.memref_slice %arg3[%mul3A_2] : memref<131072xf32, #tpu.memory_space<hbm>> -> memref<4096xf32, #tpu.memory_space<hbm>>
      tpu.wait_dma2 semaphore(%run_scoped3A : memref<!tpu.dma_semaphore, #tpu.memory_space<semaphore_mem>>) src(%dma_wait3A_15 : memref<4096xf32, #tpu.memory_space<hbm>>) dst(%arg6 : memref<4096xf32, #tpu.memory_space<vmem>>)
      tpu.yield
    }) : () -> ()
    %scan3A = arith.constant 0 : i32
    %scan3A_3 = arith.constant 0 : i32
    %scan3A_4 = arith.constant 256 : i32
    %scan3A_5 = arith.addi %scan3A_3, %scan3A_4 : i32
    %scan3A_6 = arith.constant 1 : i32
    scf.for %scan3A_14 = %scan3A_3 to %scan3A_5 step %scan3A_6  : i32 {
      %broadcast_in_dim3A = arith.constant 0.000000e+00 : f32
      %broadcast_in_dim3A_15 = vector.broadcast %broadcast_in_dim3A : f32 to vector<16xf32>
      %mul3A_16 = arith.constant 16 : i32
      %mul3A_17 = arith.muli %scan3A_14, %mul3A_16 : i32
      %swap3A = arith.index_cast %mul3A_17 : i32 to index
      %swap3A_18 = tpu.vector_load %arg7[%swap3A] {strides = array<i32>} : memref<4096xf32, #tpu.memory_space<vmem>>, vector<16xf32>,
      tpu.vector_store %arg7[%swap3A], %broadcast_in_dim3A_15 {strides = array<i32>} : memref<4096xf32, #tpu.memory_space<vmem>>, vector<16xf32>,
    }
    %scan3A_7 = arith.constant 256 : i32
    %scan3A_8 = arith.constant 0 : i32
    %scan3A_9 = arith.constant 0 : i32
    %scan3A_10 = arith.constant 256 : i32
    %scan3A_11 = arith.addi %scan3A_9, %scan3A_10 : i32
    %scan3A_12 = arith.constant 1 : i32
    scf.for %scan3A_14 = %scan3A_9 to %scan3A_11 step %scan3A_12  : i32 {
      %mul3A_15 = arith.constant 16 : i32
      %mul3A_16 = arith.muli %scan3A_14, %mul3A_15 : i32
      %get3A = arith.index_cast %mul3A_16 : i32 to index
      %get3A_17 = tpu.vector_load %arg5[%get3A] {strides = array<i32>} : memref<4096xi32, #tpu.memory_space<vmem>>, vector<16xi32>,
      %mul3A_18 = arith.constant 16 : i32
      %mul3A_19 = arith.muli %scan3A_14, %mul3A_18 : i32
      %get3A_20 = arith.index_cast %mul3A_19 : i32 to index
      %get3A_21 = tpu.vector_load %arg6[%get3A_20] {strides = array<i32>} : memref<4096xf32, #tpu.memory_space<vmem>>, vector<16xf32>,
      tpu.vector_store_idx %arg7[%get3A_17], %get3A_21 {add = true} : memref<4096xf32, #tpu.memory_space<vmem>>[vector<16xi32>], vector<16xf32>,
    }
    %scan3A_13 = arith.constant 256 : i32
    "tpu.region"() ({
      %run_scoped3A = tpu.sem_alloc : memref<!tpu.dma_semaphore, #tpu.memory_space<semaphore_mem>>
      %dma_start3A = arith.constant 0 : i32
      %dma_start3A_14 = tpu.memref_slice %arg4[%add3A, %dma_start3A] : memref<32x4096xf32, #tpu.memory_space<hbm>> -> memref<1x4096xf32, #tpu.memory_space<hbm>>
      %dma_start3A_15 = tpu.memref_squeeze %dma_start3A_14 : memref<1x4096xf32, #tpu.memory_space<hbm>> -> memref<4096xf32, #tpu.memory_space<hbm>>
      %dma_start3A_16 = arith.constant 0 : i32
      %dma_start3A_17 = tpu.memref_slice %arg4[%add3A, %dma_start3A_16] : memref<32x4096xf32, #tpu.memory_space<hbm>> -> memref<1x4096xf32, #tpu.memory_space<hbm>>
      %dma_start3A_18 = tpu.memref_squeeze %dma_start3A_17 : memref<1x4096xf32, #tpu.memory_space<hbm>> -> memref<4096xf32, #tpu.memory_space<hbm>>
      tpu.enqueue_dma source(%arg7 : memref<4096xf32, #tpu.memory_space<vmem>>) target(%dma_start3A_18 : memref<4096xf32, #tpu.memory_space<hbm>>) target_semaphore(%run_scoped3A : memref<!tpu.dma_semaphore, #tpu.memory_space<semaphore_mem>>)
      %dma_wait3A = arith.constant 0 : i32
      %dma_wait3A_19 = tpu.memref_slice %arg4[%add3A, %dma_wait3A] : memref<32x4096xf32, #tpu.memory_space<hbm>> -> memref<1x4096xf32, #tpu.memory_space<hbm>>
      %dma_wait3A_20 = tpu.memref_squeeze %dma_wait3A_19 : memref<1x4096xf32, #tpu.memory_space<hbm>> -> memref<4096xf32, #tpu.memory_space<hbm>>
      %dma_wait3A_21 = arith.constant 0 : i32
      %dma_wait3A_22 = tpu.memref_slice %arg4[%add3A, %dma_wait3A_21] : memref<32x4096xf32, #tpu.memory_space<hbm>> -> memref<1x4096xf32, #tpu.memory_space<hbm>>
      %dma_wait3A_23 = tpu.memref_squeeze %dma_wait3A_22 : memref<1x4096xf32, #tpu.memory_space<hbm>> -> memref<4096xf32, #tpu.memory_space<hbm>>
      tpu.wait_dma2 semaphore(%run_scoped3A : memref<!tpu.dma_semaphore, #tpu.memory_space<semaphore_mem>>) src(%arg7 : memref<4096xf32, #tpu.memory_space<vmem>>) dst(%dma_wait3A_23 : memref<4096xf32, #tpu.memory_space<hbm>>)
      tpu.yield
    }) : () -> ()
    return
  }
}

module attributes {stable_mosaic.version = 14 : i64} {
  func.func @_degc_body(%arg0: memref<32x4096xf32, #tpu.memory_space<vmem>>, %arg1: memref<1x4096xf32, #tpu.memory_space<vmem>>, %arg2: memref<1x4096xf32, #tpu.memory_space<vmem>>) attributes {dimension_semantics = [], scalar_prefetch = 0 : i64, scratch_operands = 0 : i64, tpu.core_type = #tpu.core_type<tc>} {
    %get3A = arith.constant 0 : index
    %get3A_0 = arith.constant 0 : index
    %get3A_1 = vector.load %arg0[%get3A, %get3A_0] : memref<32x4096xf32, #tpu.memory_space<vmem>>, vector<32x4096xf32>
    %reduce_sum3A = arith.constant dense<0.000000e+00> : vector<4096xf32>
    %reduce_sum3A_2 = vector.multi_reduction <add>, %get3A_1, %reduce_sum3A [0] : vector<32x4096xf32> to vector<4096xf32>
    %broadcast_in_dim3A = vector.shape_cast %reduce_sum3A_2 : vector<4096xf32> to vector<1x4096xf32>
    %add3A = arith.constant 1.000000e+00 : f32
    %add3A_3 = vector.broadcast %add3A : f32 to vector<1x4096xf32>
    %add3A_4 = arith.addf %broadcast_in_dim3A, %add3A_3 : vector<1x4096xf32>
    %rsqrt3A = math.rsqrt %add3A_4 : vector<1x4096xf32>
    %swap3A = arith.constant 0 : index
    %swap3A_5 = arith.constant 0 : index
    %swap3A_6 = vector.load %arg1[%swap3A, %swap3A_5] : memref<1x4096xf32, #tpu.memory_space<vmem>>, vector<1x4096xf32>
    tpu.vector_store %arg1[%swap3A, %swap3A_5], %rsqrt3A {strides = array<i32>} : memref<1x4096xf32, #tpu.memory_space<vmem>>, vector<1x4096xf32>,
    %div3A = arith.constant 1.000000e+00 : f32
    %div3A_7 = vector.broadcast %div3A : f32 to vector<1x4096xf32>
    %div3A_8 = arith.divf %div3A_7, %add3A_4 : vector<1x4096xf32>
    %swap3A_9 = arith.constant 0 : index
    %swap3A_10 = arith.constant 0 : index
    %swap3A_11 = vector.load %arg2[%swap3A_9, %swap3A_10] : memref<1x4096xf32, #tpu.memory_space<vmem>>, vector<1x4096xf32>
    tpu.vector_store %arg2[%swap3A_9, %swap3A_10], %div3A_8 {strides = array<i32>} : memref<1x4096xf32, #tpu.memory_space<vmem>>, vector<1x4096xf32>,
    return
  }
}

module attributes {stable_mosaic.version = 14 : i64} {
  func.func @_qsum_body(%arg0: i32, %arg1: memref<512x128xf32, #tpu.memory_space<vmem>>, %arg2: memref<512x128xf32, #tpu.memory_space<vmem>>, %arg3: memref<2x128xf32, #tpu.memory_space<vmem>>, %arg4: memref<2x128xf32, #tpu.memory_space<vmem>>) attributes {dimension_semantics = [#tpu.dimension_semantics<arbitrary>], iteration_bounds = array<i64: 4>, scalar_prefetch = 0 : i64, scratch_operands = 1 : i64, tpu.core_type = #tpu.core_type<tc>, window_params = [{transform_indices = @transform_0, window_bounds = array<i64: 512, 128>}, {transform_indices = @transform_1, window_bounds = array<i64: 512, 128>}, {pipeline_mode = #tpu.pipeline_mode<synchronous>, transform_indices = @transform_2, window_bounds = array<i64: 2, 128>}]} {
    %get3A = arith.constant 0 : index
    %get3A_0 = arith.constant 0 : index
    %get3A_1 = vector.load %arg1[%get3A, %get3A_0] : memref<512x128xf32, #tpu.memory_space<vmem>>, vector<512x128xf32>
    %reduce_sum3A = arith.constant dense<0.000000e+00> : vector<128xf32>
    %reduce_sum3A_2 = vector.multi_reduction <add>, %get3A_1, %reduce_sum3A [0] : vector<512x128xf32> to vector<128xf32>
    %broadcast_in_dim3A = vector.shape_cast %reduce_sum3A_2 : vector<128xf32> to vector<1x128xf32>
    %get3A_3 = arith.constant 0 : index
    %get3A_4 = arith.constant 0 : index
    %get3A_5 = vector.load %arg2[%get3A_3, %get3A_4] : memref<512x128xf32, #tpu.memory_space<vmem>>, vector<512x128xf32>
    %reduce_sum3A_6 = arith.constant dense<0.000000e+00> : vector<128xf32>
    %reduce_sum3A_7 = vector.multi_reduction <add>, %get3A_5, %reduce_sum3A_6 [0] : vector<512x128xf32> to vector<128xf32>
    %broadcast_in_dim3A_8 = vector.shape_cast %reduce_sum3A_7 : vector<128xf32> to vector<1x128xf32>
    %concatenate3A = tpu.concatenate %broadcast_in_dim3A, %broadcast_in_dim3A_8 in 0 : vector<1x128xf32>, vector<1x128xf32> -> vector<2x128xf32>
    %eq3A = arith.constant 0 : i32
    %eq3A_9 = arith.cmpi eq, %arg0, %eq3A : i32
    %convert_element_type3A = arith.extui %eq3A_9 : i1 to i32
    %cond3A = arith.constant 0 : i32
    %cond3A_10 = arith.cmpi ne, %convert_element_type3A, %cond3A : i32
    scf.if %cond3A_10 {
      %broadcast_in_dim3A_21 = arith.constant 0.000000e+00 : f32
      %broadcast_in_dim3A_22 = vector.broadcast %broadcast_in_dim3A_21 : f32 to vector<2x128xf32>
      %swap3A_23 = arith.constant 0 : index
      %swap3A_24 = arith.constant 0 : index
      %swap3A_25 = vector.load %arg4[%swap3A_23, %swap3A_24] : memref<2x128xf32, #tpu.memory_space<vmem>>, vector<2x128xf32>
      tpu.vector_store %arg4[%swap3A_23, %swap3A_24], %broadcast_in_dim3A_22 {strides = array<i32>} : memref<2x128xf32, #tpu.memory_space<vmem>>, vector<2x128xf32>,
    } else {
    }
    %get3A_11 = arith.constant 0 : index
    %get3A_12 = arith.constant 0 : index
    %get3A_13 = vector.load %arg4[%get3A_11, %get3A_12] : memref<2x128xf32, #tpu.memory_space<vmem>>, vector<2x128xf32>
    %add3A = arith.addf %get3A_13, %concatenate3A : vector<2x128xf32>
    %swap3A = arith.constant 0 : index
    %swap3A_14 = arith.constant 0 : index
    %swap3A_15 = vector.load %arg4[%swap3A, %swap3A_14] : memref<2x128xf32, #tpu.memory_space<vmem>>, vector<2x128xf32>
    tpu.vector_store %arg4[%swap3A, %swap3A_14], %add3A {strides = array<i32>} : memref<2x128xf32, #tpu.memory_space<vmem>>, vector<2x128xf32>,
    %eq3A_16 = arith.constant 3 : i32
    %eq3A_17 = arith.cmpi eq, %arg0, %eq3A_16 : i32
    %convert_element_type3A_18 = arith.extui %eq3A_17 : i1 to i32
    %cond3A_19 = arith.constant 0 : i32
    %cond3A_20 = arith.cmpi ne, %convert_element_type3A_18, %cond3A_19 : i32
    scf.if %cond3A_20 {
      %get3A_21 = arith.constant 0 : index
      %get3A_22 = arith.constant 0 : index
      %get3A_23 = vector.load %arg4[%get3A_21, %get3A_22] : memref<2x128xf32, #tpu.memory_space<vmem>>, vector<2x128xf32>
      %swap3A_24 = arith.constant 0 : index
      %swap3A_25 = arith.constant 0 : index
      %swap3A_26 = vector.load %arg3[%swap3A_24, %swap3A_25] : memref<2x128xf32, #tpu.memory_space<vmem>>, vector<2x128xf32>
      tpu.vector_store %arg3[%swap3A_24, %swap3A_25], %get3A_23 {strides = array<i32>} : memref<2x128xf32, #tpu.memory_space<vmem>>, vector<2x128xf32>,
    } else {
    }
    return
  }
  func.func @transform_0(%arg0: i32) -> (i32, i32) {
    %c0_i32 = arith.constant 0 : i32
    %c0_i32_0 = arith.constant 0 : i32
    return %arg0, %c0_i32 : i32, i32
  }
  func.func @transform_1(%arg0: i32) -> (i32, i32) {
    %c0_i32 = arith.constant 0 : i32
    %c0_i32_0 = arith.constant 0 : i32
    return %arg0, %c0_i32 : i32, i32
  }
  func.func @transform_2(%arg0: i32) -> (i32, i32) {
    %c0_i32 = arith.constant 0 : i32
    %c0_i32_0 = arith.constant 0 : i32
    %c0_i32_1 = arith.constant 0 : i32
    return %c0_i32, %c0_i32_0 : i32, i32
  }
}

module attributes {stable_mosaic.version = 14 : i64} {
  func.func @_mha_body(%arg0: i32, %arg1: memref<512x128xf32, #tpu.memory_space<vmem>>, %arg2: memref<512x2560xf32, #tpu.memory_space<vmem>>, %arg3: memref<1x128xf32, #tpu.memory_space<vmem>>, %arg4: memref<128x128xf32, #tpu.memory_space<vmem>>, %arg5: memref<128x256xf32, #tpu.memory_space<vmem>>, %arg6: memref<1x128xf32, #tpu.memory_space<vmem>>, %arg7: memref<1x256xf32, #tpu.memory_space<vmem>>, %arg8: memref<128x128xf32, #tpu.memory_space<vmem>>, %arg9: memref<1x128xf32, #tpu.memory_space<vmem>>, %arg10: memref<128x128xf32, #tpu.memory_space<vmem>>, %arg11: memref<128x128xf32, #tpu.memory_space<vmem>>, %arg12: memref<1x128xf32, #tpu.memory_space<vmem>>, %arg13: memref<128x4xf32, #tpu.memory_space<vmem>>, %arg14: memref<4x128xf32, #tpu.memory_space<vmem>>, %arg15: memref<1x1xf32, #tpu.memory_space<vmem>>, %arg16: memref<1x1xf32, #tpu.memory_space<vmem>>, %arg17: memref<512x128xf32, #tpu.memory_space<vmem>>, %arg18: memref<512x128xf32, #tpu.memory_space<vmem>>, %arg19: memref<512x128xf32, #tpu.memory_space<vmem>>) attributes {dimension_semantics = [#tpu.dimension_semantics<arbitrary>], iteration_bounds = array<i64: 4>, scalar_prefetch = 0 : i64, scratch_operands = 0 : i64, tpu.core_type = #tpu.core_type<tc>, window_params = [{transform_indices = @transform_0, window_bounds = array<i64: 512, 128>}, {transform_indices = @transform_1, window_bounds = array<i64: 512, 2560>}, {pipeline_mode = #tpu.pipeline_mode<synchronous>, transform_indices = @transform_2, window_bounds = array<i64: 1, 128>}, {pipeline_mode = #tpu.pipeline_mode<synchronous>, transform_indices = @transform_3, window_bounds = array<i64: 128, 128>}, {pipeline_mode = #tpu.pipeline_mode<synchronous>, transform_indices = @transform_4, window_bounds = array<i64: 128, 256>}, {pipeline_mode = #tpu.pipeline_mode<synchronous>, transform_indices = @transform_5, window_bounds = array<i64: 1, 128>}, {pipeline_mode = #tpu.pipeline_mode<synchronous>, transform_indices = @transform_6, window_bounds = array<i64: 1, 256>}, {pipeline_mode = #tpu.pipeline_mode<synchronous>, transform_indices = @transform_7, window_bounds = array<i64: 128, 128>}, {pipeline_mode = #tpu.pipeline_mode<synchronous>, transform_indices = @transform_8, window_bounds = array<i64: 1, 128>}, {pipeline_mode = #tpu.pipeline_mode<synchronous>, transform_indices = @transform_9, window_bounds = array<i64: 128, 128>}, {pipeline_mode = #tpu.pipeline_mode<synchronous>, transform_indices = @transform_10, window_bounds = array<i64: 128, 128>}, {pipeline_mode = #tpu.pipeline_mode<synchronous>, transform_indices = @transform_11, window_bounds = array<i64: 1, 128>}, {pipeline_mode = #tpu.pipeline_mode<synchronous>, transform_indices = @transform_12, window_bounds = array<i64: 128, 4>}, {pipeline_mode = #tpu.pipeline_mode<synchronous>, transform_indices = @transform_13, window_bounds = array<i64: 4, 128>}, {pipeline_mode = #tpu.pipeline_mode<synchronous>, transform_indices = @transform_14, window_bounds = array<i64: 1, 1>}, {pipeline_mode = #tpu.pipeline_mode<synchronous>, transform_indices = @transform_15, window_bounds = array<i64: 1, 1>}, {transform_indices = @transform_16, window_bounds = array<i64: 512, 128>}, {transform_indices = @transform_17, window_bounds = array<i64: 512, 128>}, {transform_indices = @transform_18, window_bounds = array<i64: 512, 128>}]} {
    %get3A = arith.constant 0 : index
    %get3A_0 = arith.constant 0 : index
    %get3A_1 = vector.load %arg1[%get3A, %get3A_0] : memref<512x128xf32, #tpu.memory_space<vmem>>, vector<512x128xf32>
    %get3A_2 = arith.constant 0 : index
    %get3A_3 = arith.constant 0 : index
    %get3A_4 = vector.load %arg3[%get3A_2, %get3A_3] : memref<1x128xf32, #tpu.memory_space<vmem>>, vector<1x128xf32>
    %add3A = vector.broadcast %get3A_4 : vector<1x128xf32> to vector<512x128xf32>
    %add3A_5 = arith.addf %get3A_1, %add3A : vector<512x128xf32>
    %get3A_6 = arith.constant 0 : index
    %get3A_7 = arith.constant 0 : index
    %get3A_8 = vector.load %arg4[%get3A_6, %get3A_7] : memref<128x128xf32, #tpu.memory_space<vmem>>, vector<128x128xf32>
    %dot_general3A = arith.constant dense<0.000000e+00> : vector<512x128xf32>
    %dot_general3A_9 = tpu.matmul %add3A_5, %get3A_8, %dot_general3A {dimension_numbers = #tpu.dot_dimension_numbers<[1], [0], [0], [1], [0, 0, 1, 1], [], []>, transpose_lhs_hint = false} : vector<512x128xf32>, vector<128x128xf32>, vector<512x128xf32> -> vector<512x128xf32>
    %get3A_10 = arith.constant 0 : index
    %get3A_11 = arith.constant 0 : index
    %get3A_12 = vector.load %arg6[%get3A_10, %get3A_11] : memref<1x128xf32, #tpu.memory_space<vmem>>, vector<1x128xf32>
    %add3A_13 = vector.broadcast %get3A_12 : vector<1x128xf32> to vector<512x128xf32>
    %add3A_14 = arith.addf %dot_general3A_9, %add3A_13 : vector<512x128xf32>
    %mul3A = arith.constant 0.176776692 : f32
    %mul3A_15 = vector.broadcast %mul3A : f32 to vector<512x128xf32>
    %mul3A_16 = arith.mulf %add3A_14, %mul3A_15 : vector<512x128xf32>
    %get3A_17 = arith.constant 0 : index
    %get3A_18 = arith.constant 0 : index
    %get3A_19 = vector.load %arg13[%get3A_17, %get3A_18] : memref<128x4xf32, #tpu.memory_space<vmem>>, vector<128x4xf32>
    %get3A_20 = arith.constant 0 : index
    %get3A_21 = arith.constant 0 : index
    %get3A_22 = vector.load %arg14[%get3A_20, %get3A_21] : memref<4x128xf32, #tpu.memory_space<vmem>>, vector<4x128xf32>
    %broadcast_in_dim3A = arith.constant 0.000000e+00 : f32
    %broadcast_in_dim3A_23 = vector.broadcast %broadcast_in_dim3A : f32 to vector<512x4xf32>
    %broadcast_in_dim3A_24 = arith.constant 0.000000e+00 : f32
    %broadcast_in_dim3A_25 = vector.broadcast %broadcast_in_dim3A_24 : f32 to vector<512x128xf32>
    %get3A_26 = arith.constant 0 : index
    %get3A_27 = arith.constant 0 : index
    %get3A_28 = vector.load %arg2[%get3A_26, %get3A_27] : memref<512x2560xf32, #tpu.memory_space<vmem>>, vector<512x128xf32>
    %get3A_29 = arith.constant 0 : index
    %get3A_30 = arith.constant 0 : index
    %get3A_31 = vector.load %arg5[%get3A_29, %get3A_30] : memref<128x256xf32, #tpu.memory_space<vmem>>, vector<128x256xf32>
    %dot_general3A_32 = arith.constant dense<0.000000e+00> : vector<512x256xf32>
    %dot_general3A_33 = tpu.matmul %get3A_28, %get3A_31, %dot_general3A_32 {dimension_numbers = #tpu.dot_dimension_numbers<[1], [0], [0], [1], [0, 0, 1, 1], [], []>, transpose_lhs_hint = false} : vector<512x128xf32>, vector<128x256xf32>, vector<512x256xf32> -> vector<512x256xf32>
    %get3A_34 = arith.constant 0 : index
    %get3A_35 = arith.constant 0 : index
    %get3A_36 = vector.load %arg7[%get3A_34, %get3A_35] : memref<1x256xf32, #tpu.memory_space<vmem>>, vector<1x256xf32>
    %add3A_37 = vector.broadcast %get3A_36 : vector<1x256xf32> to vector<512x256xf32>
    %add3A_38 = arith.addf %dot_general3A_33, %add3A_37 : vector<512x256xf32>
    %slice3A = vector.extract_strided_slice %add3A_38 {offsets = [0, 0], sizes = [512, 128], strides = [1, 1]} : vector<512x256xf32> to vector<512x128xf32>
    %slice3A_39 = vector.extract_strided_slice %add3A_38 {offsets = [0, 128], sizes = [512, 128], strides = [1, 1]} : vector<512x256xf32> to vector<512x128xf32>
    %mul3A_40 = arith.mulf %mul3A_16, %slice3A : vector<512x128xf32>
    %dot_general3A_41 = arith.constant dense<0.000000e+00> : vector<512x4xf32>
    %dot_general3A_42 = tpu.matmul %mul3A_40, %get3A_19, %dot_general3A_41 {dimension_numbers = #tpu.dot_dimension_numbers<[1], [0], [0], [1], [0, 0, 1, 1], [], []>, transpose_lhs_hint = false} : vector<512x128xf32>, vector<128x4xf32>, vector<512x4xf32> -> vector<512x4xf32>
    %exp3A = math.exp %dot_general3A_42 : vector<512x4xf32>
    %add3A_43 = arith.addf %broadcast_in_dim3A_23, %exp3A : vector<512x4xf32>
    %dot_general3A_44 = arith.constant dense<0.000000e+00> : vector<512x128xf32>
    %dot_general3A_45 = tpu.matmul %exp3A, %get3A_22, %dot_general3A_44 {dimension_numbers = #tpu.dot_dimension_numbers<[1], [0], [0], [1], [0, 0, 1, 1], [], []>, transpose_lhs_hint = false} : vector<512x4xf32>, vector<4x128xf32>, vector<512x128xf32> -> vector<512x128xf32>
    %mul3A_46 = arith.mulf %dot_general3A_45, %slice3A_39 : vector<512x128xf32>
    %add3A_47 = arith.addf %broadcast_in_dim3A_25, %mul3A_46 : vector<512x128xf32>
    %get3A_48 = arith.constant 0 : index
    %get3A_49 = arith.constant 128 : index
    %get3A_50 = vector.load %arg2[%get3A_48, %get3A_49] : memref<512x2560xf32, #tpu.memory_space<vmem>>, vector<512x128xf32>
    %get3A_51 = arith.constant 0 : index
    %get3A_52 = arith.constant 0 : index
    %get3A_53 = vector.load %arg5[%get3A_51, %get3A_52] : memref<128x256xf32, #tpu.memory_space<vmem>>, vector<128x256xf32>
    %dot_general3A_54 = arith.constant dense<0.000000e+00> : vector<512x256xf32>
    %dot_general3A_55 = tpu.matmul %get3A_50, %get3A_53, %dot_general3A_54 {dimension_numbers = #tpu.dot_dimension_numbers<[1], [0], [0], [1], [0, 0, 1, 1], [], []>, transpose_lhs_hint = false} : vector<512x128xf32>, vector<128x256xf32>, vector<512x256xf32> -> vector<512x256xf32>
    %get3A_56 = arith.constant 0 : index
    %get3A_57 = arith.constant 0 : index
    %get3A_58 = vector.load %arg7[%get3A_56, %get3A_57] : memref<1x256xf32, #tpu.memory_space<vmem>>, vector<1x256xf32>
    %add3A_59 = vector.broadcast %get3A_58 : vector<1x256xf32> to vector<512x256xf32>
    %add3A_60 = arith.addf %dot_general3A_55, %add3A_59 : vector<512x256xf32>
    %slice3A_61 = vector.extract_strided_slice %add3A_60 {offsets = [0, 0], sizes = [512, 128], strides = [1, 1]} : vector<512x256xf32> to vector<512x128xf32>
    %slice3A_62 = vector.extract_strided_slice %add3A_60 {offsets = [0, 128], sizes = [512, 128], strides = [1, 1]} : vector<512x256xf32> to vector<512x128xf32>
    %mul3A_63 = arith.mulf %mul3A_16, %slice3A_61 : vector<512x128xf32>
    %dot_general3A_64 = arith.constant dense<0.000000e+00> : vector<512x4xf32>
    %dot_general3A_65 = tpu.matmul %mul3A_63, %get3A_19, %dot_general3A_64 {dimension_numbers = #tpu.dot_dimension_numbers<[1], [0], [0], [1], [0, 0, 1, 1], [], []>, transpose_lhs_hint = false} : vector<512x128xf32>, vector<128x4xf32>, vector<512x4xf32> -> vector<512x4xf32>
    %exp3A_66 = math.exp %dot_general3A_65 : vector<512x4xf32>
    %add3A_67 = arith.addf %add3A_43, %exp3A_66 : vector<512x4xf32>
    %dot_general3A_68 = arith.constant dense<0.000000e+00> : vector<512x128xf32>
    %dot_general3A_69 = tpu.matmul %exp3A_66, %get3A_22, %dot_general3A_68 {dimension_numbers = #tpu.dot_dimension_numbers<[1], [0], [0], [1], [0, 0, 1, 1], [], []>, transpose_lhs_hint = false} : vector<512x4xf32>, vector<4x128xf32>, vector<512x128xf32> -> vector<512x128xf32>
    %mul3A_70 = arith.mulf %dot_general3A_69, %slice3A_62 : vector<512x128xf32>
    %add3A_71 = arith.addf %add3A_47, %mul3A_70 : vector<512x128xf32>
    %get3A_72 = arith.constant 0 : index
    %get3A_73 = arith.constant 256 : index
    %get3A_74 = vector.load %arg2[%get3A_72, %get3A_73] : memref<512x2560xf32, #tpu.memory_space<vmem>>, vector<512x128xf32>
    %get3A_75 = arith.constant 0 : index
    %get3A_76 = arith.constant 0 : index
    %get3A_77 = vector.load %arg5[%get3A_75, %get3A_76] : memref<128x256xf32, #tpu.memory_space<vmem>>, vector<128x256xf32>
    %dot_general3A_78 = arith.constant dense<0.000000e+00> : vector<512x256xf32>
    %dot_general3A_79 = tpu.matmul %get3A_74, %get3A_77, %dot_general3A_78 {dimension_numbers = #tpu.dot_dimension_numbers<[1], [0], [0], [1], [0, 0, 1, 1], [], []>, transpose_lhs_hint = false} : vector<512x128xf32>, vector<128x256xf32>, vector<512x256xf32> -> vector<512x256xf32>
    %get3A_80 = arith.constant 0 : index
    %get3A_81 = arith.constant 0 : index
    %get3A_82 = vector.load %arg7[%get3A_80, %get3A_81] : memref<1x256xf32, #tpu.memory_space<vmem>>, vector<1x256xf32>
    %add3A_83 = vector.broadcast %get3A_82 : vector<1x256xf32> to vector<512x256xf32>
    %add3A_84 = arith.addf %dot_general3A_79, %add3A_83 : vector<512x256xf32>
    %slice3A_85 = vector.extract_strided_slice %add3A_84 {offsets = [0, 0], sizes = [512, 128], strides = [1, 1]} : vector<512x256xf32> to vector<512x128xf32>
    %slice3A_86 = vector.extract_strided_slice %add3A_84 {offsets = [0, 128], sizes = [512, 128], strides = [1, 1]} : vector<512x256xf32> to vector<512x128xf32>
    %mul3A_87 = arith.mulf %mul3A_16, %slice3A_85 : vector<512x128xf32>
    %dot_general3A_88 = arith.constant dense<0.000000e+00> : vector<512x4xf32>
    %dot_general3A_89 = tpu.matmul %mul3A_87, %get3A_19, %dot_general3A_88 {dimension_numbers = #tpu.dot_dimension_numbers<[1], [0], [0], [1], [0, 0, 1, 1], [], []>, transpose_lhs_hint = false} : vector<512x128xf32>, vector<128x4xf32>, vector<512x4xf32> -> vector<512x4xf32>
    %exp3A_90 = math.exp %dot_general3A_89 : vector<512x4xf32>
    %add3A_91 = arith.addf %add3A_67, %exp3A_90 : vector<512x4xf32>
    %dot_general3A_92 = arith.constant dense<0.000000e+00> : vector<512x128xf32>
    %dot_general3A_93 = tpu.matmul %exp3A_90, %get3A_22, %dot_general3A_92 {dimension_numbers = #tpu.dot_dimension_numbers<[1], [0], [0], [1], [0, 0, 1, 1], [], []>, transpose_lhs_hint = false} : vector<512x4xf32>, vector<4x128xf32>, vector<512x128xf32> -> vector<512x128xf32>
    %mul3A_94 = arith.mulf %dot_general3A_93, %slice3A_86 : vector<512x128xf32>
    %add3A_95 = arith.addf %add3A_71, %mul3A_94 : vector<512x128xf32>
    %get3A_96 = arith.constant 0 : index
    %get3A_97 = arith.constant 384 : index
    %get3A_98 = vector.load %arg2[%get3A_96, %get3A_97] : memref<512x2560xf32, #tpu.memory_space<vmem>>, vector<512x128xf32>
    %get3A_99 = arith.constant 0 : index
    %get3A_100 = arith.constant 0 : index
    %get3A_101 = vector.load %arg5[%get3A_99, %get3A_100] : memref<128x256xf32, #tpu.memory_space<vmem>>, vector<128x256xf32>
    %dot_general3A_102 = arith.constant dense<0.000000e+00> : vector<512x256xf32>
    %dot_general3A_103 = tpu.matmul %get3A_98, %get3A_101, %dot_general3A_102 {dimension_numbers = #tpu.dot_dimension_numbers<[1], [0], [0], [1], [0, 0, 1, 1], [], []>, transpose_lhs_hint = false} : vector<512x128xf32>, vector<128x256xf32>, vector<512x256xf32> -> vector<512x256xf32>
    %get3A_104 = arith.constant 0 : index
    %get3A_105 = arith.constant 0 : index
    %get3A_106 = vector.load %arg7[%get3A_104, %get3A_105] : memref<1x256xf32, #tpu.memory_space<vmem>>, vector<1x256xf32>
    %add3A_107 = vector.broadcast %get3A_106 : vector<1x256xf32> to vector<512x256xf32>
    %add3A_108 = arith.addf %dot_general3A_103, %add3A_107 : vector<512x256xf32>
    %slice3A_109 = vector.extract_strided_slice %add3A_108 {offsets = [0, 0], sizes = [512, 128], strides = [1, 1]} : vector<512x256xf32> to vector<512x128xf32>
    %slice3A_110 = vector.extract_strided_slice %add3A_108 {offsets = [0, 128], sizes = [512, 128], strides = [1, 1]} : vector<512x256xf32> to vector<512x128xf32>
    %mul3A_111 = arith.mulf %mul3A_16, %slice3A_109 : vector<512x128xf32>
    %dot_general3A_112 = arith.constant dense<0.000000e+00> : vector<512x4xf32>
    %dot_general3A_113 = tpu.matmul %mul3A_111, %get3A_19, %dot_general3A_112 {dimension_numbers = #tpu.dot_dimension_numbers<[1], [0], [0], [1], [0, 0, 1, 1], [], []>, transpose_lhs_hint = false} : vector<512x128xf32>, vector<128x4xf32>, vector<512x4xf32> -> vector<512x4xf32>
    %exp3A_114 = math.exp %dot_general3A_113 : vector<512x4xf32>
    %add3A_115 = arith.addf %add3A_91, %exp3A_114 : vector<512x4xf32>
    %dot_general3A_116 = arith.constant dense<0.000000e+00> : vector<512x128xf32>
    %dot_general3A_117 = tpu.matmul %exp3A_114, %get3A_22, %dot_general3A_116 {dimension_numbers = #tpu.dot_dimension_numbers<[1], [0], [0], [1], [0, 0, 1, 1], [], []>, transpose_lhs_hint = false} : vector<512x4xf32>, vector<4x128xf32>, vector<512x128xf32> -> vector<512x128xf32>
    %mul3A_118 = arith.mulf %dot_general3A_117, %slice3A_110 : vector<512x128xf32>
    %add3A_119 = arith.addf %add3A_95, %mul3A_118 : vector<512x128xf32>
    %get3A_120 = arith.constant 0 : index
    %get3A_121 = arith.constant 512 : index
    %get3A_122 = vector.load %arg2[%get3A_120, %get3A_121] : memref<512x2560xf32, #tpu.memory_space<vmem>>, vector<512x128xf32>
    %get3A_123 = arith.constant 0 : index
    %get3A_124 = arith.constant 0 : index
    %get3A_125 = vector.load %arg5[%get3A_123, %get3A_124] : memref<128x256xf32, #tpu.memory_space<vmem>>, vector<128x256xf32>
    %dot_general3A_126 = arith.constant dense<0.000000e+00> : vector<512x256xf32>
    %dot_general3A_127 = tpu.matmul %get3A_122, %get3A_125, %dot_general3A_126 {dimension_numbers = #tpu.dot_dimension_numbers<[1], [0], [0], [1], [0, 0, 1, 1], [], []>, transpose_lhs_hint = false} : vector<512x128xf32>, vector<128x256xf32>, vector<512x256xf32> -> vector<512x256xf32>
    %get3A_128 = arith.constant 0 : index
    %get3A_129 = arith.constant 0 : index
    %get3A_130 = vector.load %arg7[%get3A_128, %get3A_129] : memref<1x256xf32, #tpu.memory_space<vmem>>, vector<1x256xf32>
    %add3A_131 = vector.broadcast %get3A_130 : vector<1x256xf32> to vector<512x256xf32>
    %add3A_132 = arith.addf %dot_general3A_127, %add3A_131 : vector<512x256xf32>
    %slice3A_133 = vector.extract_strided_slice %add3A_132 {offsets = [0, 0], sizes = [512, 128], strides = [1, 1]} : vector<512x256xf32> to vector<512x128xf32>
    %slice3A_134 = vector.extract_strided_slice %add3A_132 {offsets = [0, 128], sizes = [512, 128], strides = [1, 1]} : vector<512x256xf32> to vector<512x128xf32>
    %mul3A_135 = arith.mulf %mul3A_16, %slice3A_133 : vector<512x128xf32>
    %dot_general3A_136 = arith.constant dense<0.000000e+00> : vector<512x4xf32>
    %dot_general3A_137 = tpu.matmul %mul3A_135, %get3A_19, %dot_general3A_136 {dimension_numbers = #tpu.dot_dimension_numbers<[1], [0], [0], [1], [0, 0, 1, 1], [], []>, transpose_lhs_hint = false} : vector<512x128xf32>, vector<128x4xf32>, vector<512x4xf32> -> vector<512x4xf32>
    %exp3A_138 = math.exp %dot_general3A_137 : vector<512x4xf32>
    %add3A_139 = arith.addf %add3A_115, %exp3A_138 : vector<512x4xf32>
    %dot_general3A_140 = arith.constant dense<0.000000e+00> : vector<512x128xf32>
    %dot_general3A_141 = tpu.matmul %exp3A_138, %get3A_22, %dot_general3A_140 {dimension_numbers = #tpu.dot_dimension_numbers<[1], [0], [0], [1], [0, 0, 1, 1], [], []>, transpose_lhs_hint = false} : vector<512x4xf32>, vector<4x128xf32>, vector<512x128xf32> -> vector<512x128xf32>
    %mul3A_142 = arith.mulf %dot_general3A_141, %slice3A_134 : vector<512x128xf32>
    %add3A_143 = arith.addf %add3A_119, %mul3A_142 : vector<512x128xf32>
    %get3A_144 = arith.constant 0 : index
    %get3A_145 = arith.constant 640 : index
    %get3A_146 = vector.load %arg2[%get3A_144, %get3A_145] : memref<512x2560xf32, #tpu.memory_space<vmem>>, vector<512x128xf32>
    %get3A_147 = arith.constant 0 : index
    %get3A_148 = arith.constant 0 : index
    %get3A_149 = vector.load %arg5[%get3A_147, %get3A_148] : memref<128x256xf32, #tpu.memory_space<vmem>>, vector<128x256xf32>
    %dot_general3A_150 = arith.constant dense<0.000000e+00> : vector<512x256xf32>
    %dot_general3A_151 = tpu.matmul %get3A_146, %get3A_149, %dot_general3A_150 {dimension_numbers = #tpu.dot_dimension_numbers<[1], [0], [0], [1], [0, 0, 1, 1], [], []>, transpose_lhs_hint = false} : vector<512x128xf32>, vector<128x256xf32>, vector<512x256xf32> -> vector<512x256xf32>
    %get3A_152 = arith.constant 0 : index
    %get3A_153 = arith.constant 0 : index
    %get3A_154 = vector.load %arg7[%get3A_152, %get3A_153] : memref<1x256xf32, #tpu.memory_space<vmem>>, vector<1x256xf32>
    %add3A_155 = vector.broadcast %get3A_154 : vector<1x256xf32> to vector<512x256xf32>
    %add3A_156 = arith.addf %dot_general3A_151, %add3A_155 : vector<512x256xf32>
    %slice3A_157 = vector.extract_strided_slice %add3A_156 {offsets = [0, 0], sizes = [512, 128], strides = [1, 1]} : vector<512x256xf32> to vector<512x128xf32>
    %slice3A_158 = vector.extract_strided_slice %add3A_156 {offsets = [0, 128], sizes = [512, 128], strides = [1, 1]} : vector<512x256xf32> to vector<512x128xf32>
    %mul3A_159 = arith.mulf %mul3A_16, %slice3A_157 : vector<512x128xf32>
    %dot_general3A_160 = arith.constant dense<0.000000e+00> : vector<512x4xf32>
    %dot_general3A_161 = tpu.matmul %mul3A_159, %get3A_19, %dot_general3A_160 {dimension_numbers = #tpu.dot_dimension_numbers<[1], [0], [0], [1], [0, 0, 1, 1], [], []>, transpose_lhs_hint = false} : vector<512x128xf32>, vector<128x4xf32>, vector<512x4xf32> -> vector<512x4xf32>
    %exp3A_162 = math.exp %dot_general3A_161 : vector<512x4xf32>
    %add3A_163 = arith.addf %add3A_139, %exp3A_162 : vector<512x4xf32>
    %dot_general3A_164 = arith.constant dense<0.000000e+00> : vector<512x128xf32>
    %dot_general3A_165 = tpu.matmul %exp3A_162, %get3A_22, %dot_general3A_164 {dimension_numbers = #tpu.dot_dimension_numbers<[1], [0], [0], [1], [0, 0, 1, 1], [], []>, transpose_lhs_hint = false} : vector<512x4xf32>, vector<4x128xf32>, vector<512x128xf32> -> vector<512x128xf32>
    %mul3A_166 = arith.mulf %dot_general3A_165, %slice3A_158 : vector<512x128xf32>
    %add3A_167 = arith.addf %add3A_143, %mul3A_166 : vector<512x128xf32>
    %get3A_168 = arith.constant 0 : index
    %get3A_169 = arith.constant 768 : index
    %get3A_170 = vector.load %arg2[%get3A_168, %get3A_169] : memref<512x2560xf32, #tpu.memory_space<vmem>>, vector<512x128xf32>
    %get3A_171 = arith.constant 0 : index
    %get3A_172 = arith.constant 0 : index
    %get3A_173 = vector.load %arg5[%get3A_171, %get3A_172] : memref<128x256xf32, #tpu.memory_space<vmem>>, vector<128x256xf32>
    %dot_general3A_174 = arith.constant dense<0.000000e+00> : vector<512x256xf32>
    %dot_general3A_175 = tpu.matmul %get3A_170, %get3A_173, %dot_general3A_174 {dimension_numbers = #tpu.dot_dimension_numbers<[1], [0], [0], [1], [0, 0, 1, 1], [], []>, transpose_lhs_hint = false} : vector<512x128xf32>, vector<128x256xf32>, vector<512x256xf32> -> vector<512x256xf32>
    %get3A_176 = arith.constant 0 : index
    %get3A_177 = arith.constant 0 : index
    %get3A_178 = vector.load %arg7[%get3A_176, %get3A_177] : memref<1x256xf32, #tpu.memory_space<vmem>>, vector<1x256xf32>
    %add3A_179 = vector.broadcast %get3A_178 : vector<1x256xf32> to vector<512x256xf32>
    %add3A_180 = arith.addf %dot_general3A_175, %add3A_179 : vector<512x256xf32>
    %slice3A_181 = vector.extract_strided_slice %add3A_180 {offsets = [0, 0], sizes = [512, 128], strides = [1, 1]} : vector<512x256xf32> to vector<512x128xf32>
    %slice3A_182 = vector.extract_strided_slice %add3A_180 {offsets = [0, 128], sizes = [512, 128], strides = [1, 1]} : vector<512x256xf32> to vector<512x128xf32>
    %mul3A_183 = arith.mulf %mul3A_16, %slice3A_181 : vector<512x128xf32>
    %dot_general3A_184 = arith.constant dense<0.000000e+00> : vector<512x4xf32>
    %dot_general3A_185 = tpu.matmul %mul3A_183, %get3A_19, %dot_general3A_184 {dimension_numbers = #tpu.dot_dimension_numbers<[1], [0], [0], [1], [0, 0, 1, 1], [], []>, transpose_lhs_hint = false} : vector<512x128xf32>, vector<128x4xf32>, vector<512x4xf32> -> vector<512x4xf32>
    %exp3A_186 = math.exp %dot_general3A_185 : vector<512x4xf32>
    %add3A_187 = arith.addf %add3A_163, %exp3A_186 : vector<512x4xf32>
    %dot_general3A_188 = arith.constant dense<0.000000e+00> : vector<512x128xf32>
    %dot_general3A_189 = tpu.matmul %exp3A_186, %get3A_22, %dot_general3A_188 {dimension_numbers = #tpu.dot_dimension_numbers<[1], [0], [0], [1], [0, 0, 1, 1], [], []>, transpose_lhs_hint = false} : vector<512x4xf32>, vector<4x128xf32>, vector<512x128xf32> -> vector<512x128xf32>
    %mul3A_190 = arith.mulf %dot_general3A_189, %slice3A_182 : vector<512x128xf32>
    %add3A_191 = arith.addf %add3A_167, %mul3A_190 : vector<512x128xf32>
    %get3A_192 = arith.constant 0 : index
    %get3A_193 = arith.constant 896 : index
    %get3A_194 = vector.load %arg2[%get3A_192, %get3A_193] : memref<512x2560xf32, #tpu.memory_space<vmem>>, vector<512x128xf32>
    %get3A_195 = arith.constant 0 : index
    %get3A_196 = arith.constant 0 : index
    %get3A_197 = vector.load %arg5[%get3A_195, %get3A_196] : memref<128x256xf32, #tpu.memory_space<vmem>>, vector<128x256xf32>
    %dot_general3A_198 = arith.constant dense<0.000000e+00> : vector<512x256xf32>
    %dot_general3A_199 = tpu.matmul %get3A_194, %get3A_197, %dot_general3A_198 {dimension_numbers = #tpu.dot_dimension_numbers<[1], [0], [0], [1], [0, 0, 1, 1], [], []>, transpose_lhs_hint = false} : vector<512x128xf32>, vector<128x256xf32>, vector<512x256xf32> -> vector<512x256xf32>
    %get3A_200 = arith.constant 0 : index
    %get3A_201 = arith.constant 0 : index
    %get3A_202 = vector.load %arg7[%get3A_200, %get3A_201] : memref<1x256xf32, #tpu.memory_space<vmem>>, vector<1x256xf32>
    %add3A_203 = vector.broadcast %get3A_202 : vector<1x256xf32> to vector<512x256xf32>
    %add3A_204 = arith.addf %dot_general3A_199, %add3A_203 : vector<512x256xf32>
    %slice3A_205 = vector.extract_strided_slice %add3A_204 {offsets = [0, 0], sizes = [512, 128], strides = [1, 1]} : vector<512x256xf32> to vector<512x128xf32>
    %slice3A_206 = vector.extract_strided_slice %add3A_204 {offsets = [0, 128], sizes = [512, 128], strides = [1, 1]} : vector<512x256xf32> to vector<512x128xf32>
    %mul3A_207 = arith.mulf %mul3A_16, %slice3A_205 : vector<512x128xf32>
    %dot_general3A_208 = arith.constant dense<0.000000e+00> : vector<512x4xf32>
    %dot_general3A_209 = tpu.matmul %mul3A_207, %get3A_19, %dot_general3A_208 {dimension_numbers = #tpu.dot_dimension_numbers<[1], [0], [0], [1], [0, 0, 1, 1], [], []>, transpose_lhs_hint = false} : vector<512x128xf32>, vector<128x4xf32>, vector<512x4xf32> -> vector<512x4xf32>
    %exp3A_210 = math.exp %dot_general3A_209 : vector<512x4xf32>
    %add3A_211 = arith.addf %add3A_187, %exp3A_210 : vector<512x4xf32>
    %dot_general3A_212 = arith.constant dense<0.000000e+00> : vector<512x128xf32>
    %dot_general3A_213 = tpu.matmul %exp3A_210, %get3A_22, %dot_general3A_212 {dimension_numbers = #tpu.dot_dimension_numbers<[1], [0], [0], [1], [0, 0, 1, 1], [], []>, transpose_lhs_hint = false} : vector<512x4xf32>, vector<4x128xf32>, vector<512x128xf32> -> vector<512x128xf32>
    %mul3A_214 = arith.mulf %dot_general3A_213, %slice3A_206 : vector<512x128xf32>
    %add3A_215 = arith.addf %add3A_191, %mul3A_214 : vector<512x128xf32>
    %get3A_216 = arith.constant 0 : index
    %get3A_217 = arith.constant 1024 : index
    %get3A_218 = vector.load %arg2[%get3A_216, %get3A_217] : memref<512x2560xf32, #tpu.memory_space<vmem>>, vector<512x128xf32>
    %get3A_219 = arith.constant 0 : index
    %get3A_220 = arith.constant 0 : index
    %get3A_221 = vector.load %arg5[%get3A_219, %get3A_220] : memref<128x256xf32, #tpu.memory_space<vmem>>, vector<128x256xf32>
    %dot_general3A_222 = arith.constant dense<0.000000e+00> : vector<512x256xf32>
    %dot_general3A_223 = tpu.matmul %get3A_218, %get3A_221, %dot_general3A_222 {dimension_numbers = #tpu.dot_dimension_numbers<[1], [0], [0], [1], [0, 0, 1, 1], [], []>, transpose_lhs_hint = false} : vector<512x128xf32>, vector<128x256xf32>, vector<512x256xf32> -> vector<512x256xf32>
    %get3A_224 = arith.constant 0 : index
    %get3A_225 = arith.constant 0 : index
    %get3A_226 = vector.load %arg7[%get3A_224, %get3A_225] : memref<1x256xf32, #tpu.memory_space<vmem>>, vector<1x256xf32>
    %add3A_227 = vector.broadcast %get3A_226 : vector<1x256xf32> to vector<512x256xf32>
    %add3A_228 = arith.addf %dot_general3A_223, %add3A_227 : vector<512x256xf32>
    %slice3A_229 = vector.extract_strided_slice %add3A_228 {offsets = [0, 0], sizes = [512, 128], strides = [1, 1]} : vector<512x256xf32> to vector<512x128xf32>
    %slice3A_230 = vector.extract_strided_slice %add3A_228 {offsets = [0, 128], sizes = [512, 128], strides = [1, 1]} : vector<512x256xf32> to vector<512x128xf32>
    %mul3A_231 = arith.mulf %mul3A_16, %slice3A_229 : vector<512x128xf32>
    %dot_general3A_232 = arith.constant dense<0.000000e+00> : vector<512x4xf32>
    %dot_general3A_233 = tpu.matmul %mul3A_231, %get3A_19, %dot_general3A_232 {dimension_numbers = #tpu.dot_dimension_numbers<[1], [0], [0], [1], [0, 0, 1, 1], [], []>, transpose_lhs_hint = false} : vector<512x128xf32>, vector<128x4xf32>, vector<512x4xf32> -> vector<512x4xf32>
    %exp3A_234 = math.exp %dot_general3A_233 : vector<512x4xf32>
    %add3A_235 = arith.addf %add3A_211, %exp3A_234 : vector<512x4xf32>
    %dot_general3A_236 = arith.constant dense<0.000000e+00> : vector<512x128xf32>
    %dot_general3A_237 = tpu.matmul %exp3A_234, %get3A_22, %dot_general3A_236 {dimension_numbers = #tpu.dot_dimension_numbers<[1], [0], [0], [1], [0, 0, 1, 1], [], []>, transpose_lhs_hint = false} : vector<512x4xf32>, vector<4x128xf32>, vector<512x128xf32> -> vector<512x128xf32>
    %mul3A_238 = arith.mulf %dot_general3A_237, %slice3A_230 : vector<512x128xf32>
    %add3A_239 = arith.addf %add3A_215, %mul3A_238 : vector<512x128xf32>
    %get3A_240 = arith.constant 0 : index
    %get3A_241 = arith.constant 1152 : index
    %get3A_242 = vector.load %arg2[%get3A_240, %get3A_241] : memref<512x2560xf32, #tpu.memory_space<vmem>>, vector<512x128xf32>
    %get3A_243 = arith.constant 0 : index
    %get3A_244 = arith.constant 0 : index
    %get3A_245 = vector.load %arg5[%get3A_243, %get3A_244] : memref<128x256xf32, #tpu.memory_space<vmem>>, vector<128x256xf32>
    %dot_general3A_246 = arith.constant dense<0.000000e+00> : vector<512x256xf32>
    %dot_general3A_247 = tpu.matmul %get3A_242, %get3A_245, %dot_general3A_246 {dimension_numbers = #tpu.dot_dimension_numbers<[1], [0], [0], [1], [0, 0, 1, 1], [], []>, transpose_lhs_hint = false} : vector<512x128xf32>, vector<128x256xf32>, vector<512x256xf32> -> vector<512x256xf32>
    %get3A_248 = arith.constant 0 : index
    %get3A_249 = arith.constant 0 : index
    %get3A_250 = vector.load %arg7[%get3A_248, %get3A_249] : memref<1x256xf32, #tpu.memory_space<vmem>>, vector<1x256xf32>
    %add3A_251 = vector.broadcast %get3A_250 : vector<1x256xf32> to vector<512x256xf32>
    %add3A_252 = arith.addf %dot_general3A_247, %add3A_251 : vector<512x256xf32>
    %slice3A_253 = vector.extract_strided_slice %add3A_252 {offsets = [0, 0], sizes = [512, 128], strides = [1, 1]} : vector<512x256xf32> to vector<512x128xf32>
    %slice3A_254 = vector.extract_strided_slice %add3A_252 {offsets = [0, 128], sizes = [512, 128], strides = [1, 1]} : vector<512x256xf32> to vector<512x128xf32>
    %mul3A_255 = arith.mulf %mul3A_16, %slice3A_253 : vector<512x128xf32>
    %dot_general3A_256 = arith.constant dense<0.000000e+00> : vector<512x4xf32>
    %dot_general3A_257 = tpu.matmul %mul3A_255, %get3A_19, %dot_general3A_256 {dimension_numbers = #tpu.dot_dimension_numbers<[1], [0], [0], [1], [0, 0, 1, 1], [], []>, transpose_lhs_hint = false} : vector<512x128xf32>, vector<128x4xf32>, vector<512x4xf32> -> vector<512x4xf32>
    %exp3A_258 = math.exp %dot_general3A_257 : vector<512x4xf32>
    %add3A_259 = arith.addf %add3A_235, %exp3A_258 : vector<512x4xf32>
    %dot_general3A_260 = arith.constant dense<0.000000e+00> : vector<512x128xf32>
    %dot_general3A_261 = tpu.matmul %exp3A_258, %get3A_22, %dot_general3A_260 {dimension_numbers = #tpu.dot_dimension_numbers<[1], [0], [0], [1], [0, 0, 1, 1], [], []>, transpose_lhs_hint = false} : vector<512x4xf32>, vector<4x128xf32>, vector<512x128xf32> -> vector<512x128xf32>
    %mul3A_262 = arith.mulf %dot_general3A_261, %slice3A_254 : vector<512x128xf32>
    %add3A_263 = arith.addf %add3A_239, %mul3A_262 : vector<512x128xf32>
    %get3A_264 = arith.constant 0 : index
    %get3A_265 = arith.constant 1280 : index
    %get3A_266 = vector.load %arg2[%get3A_264, %get3A_265] : memref<512x2560xf32, #tpu.memory_space<vmem>>, vector<512x128xf32>
    %get3A_267 = arith.constant 0 : index
    %get3A_268 = arith.constant 0 : index
    %get3A_269 = vector.load %arg5[%get3A_267, %get3A_268] : memref<128x256xf32, #tpu.memory_space<vmem>>, vector<128x256xf32>
    %dot_general3A_270 = arith.constant dense<0.000000e+00> : vector<512x256xf32>
    %dot_general3A_271 = tpu.matmul %get3A_266, %get3A_269, %dot_general3A_270 {dimension_numbers = #tpu.dot_dimension_numbers<[1], [0], [0], [1], [0, 0, 1, 1], [], []>, transpose_lhs_hint = false} : vector<512x128xf32>, vector<128x256xf32>, vector<512x256xf32> -> vector<512x256xf32>
    %get3A_272 = arith.constant 0 : index
    %get3A_273 = arith.constant 0 : index
    %get3A_274 = vector.load %arg7[%get3A_272, %get3A_273] : memref<1x256xf32, #tpu.memory_space<vmem>>, vector<1x256xf32>
    %add3A_275 = vector.broadcast %get3A_274 : vector<1x256xf32> to vector<512x256xf32>
    %add3A_276 = arith.addf %dot_general3A_271, %add3A_275 : vector<512x256xf32>
    %slice3A_277 = vector.extract_strided_slice %add3A_276 {offsets = [0, 0], sizes = [512, 128], strides = [1, 1]} : vector<512x256xf32> to vector<512x128xf32>
    %slice3A_278 = vector.extract_strided_slice %add3A_276 {offsets = [0, 128], sizes = [512, 128], strides = [1, 1]} : vector<512x256xf32> to vector<512x128xf32>
    %mul3A_279 = arith.mulf %mul3A_16, %slice3A_277 : vector<512x128xf32>
    %dot_general3A_280 = arith.constant dense<0.000000e+00> : vector<512x4xf32>
    %dot_general3A_281 = tpu.matmul %mul3A_279, %get3A_19, %dot_general3A_280 {dimension_numbers = #tpu.dot_dimension_numbers<[1], [0], [0], [1], [0, 0, 1, 1], [], []>, transpose_lhs_hint = false} : vector<512x128xf32>, vector<128x4xf32>, vector<512x4xf32> -> vector<512x4xf32>
    %exp3A_282 = math.exp %dot_general3A_281 : vector<512x4xf32>
    %add3A_283 = arith.addf %add3A_259, %exp3A_282 : vector<512x4xf32>
    %dot_general3A_284 = arith.constant dense<0.000000e+00> : vector<512x128xf32>
    %dot_general3A_285 = tpu.matmul %exp3A_282, %get3A_22, %dot_general3A_284 {dimension_numbers = #tpu.dot_dimension_numbers<[1], [0], [0], [1], [0, 0, 1, 1], [], []>, transpose_lhs_hint = false} : vector<512x4xf32>, vector<4x128xf32>, vector<512x128xf32> -> vector<512x128xf32>
    %mul3A_286 = arith.mulf %dot_general3A_285, %slice3A_278 : vector<512x128xf32>
    %add3A_287 = arith.addf %add3A_263, %mul3A_286 : vector<512x128xf32>
    %get3A_288 = arith.constant 0 : index
    %get3A_289 = arith.constant 1408 : index
    %get3A_290 = vector.load %arg2[%get3A_288, %get3A_289] : memref<512x2560xf32, #tpu.memory_space<vmem>>, vector<512x128xf32>
    %get3A_291 = arith.constant 0 : index
    %get3A_292 = arith.constant 0 : index
    %get3A_293 = vector.load %arg5[%get3A_291, %get3A_292] : memref<128x256xf32, #tpu.memory_space<vmem>>, vector<128x256xf32>
    %dot_general3A_294 = arith.constant dense<0.000000e+00> : vector<512x256xf32>
    %dot_general3A_295 = tpu.matmul %get3A_290, %get3A_293, %dot_general3A_294 {dimension_numbers = #tpu.dot_dimension_numbers<[1], [0], [0], [1], [0, 0, 1, 1], [], []>, transpose_lhs_hint = false} : vector<512x128xf32>, vector<128x256xf32>, vector<512x256xf32> -> vector<512x256xf32>
    %get3A_296 = arith.constant 0 : index
    %get3A_297 = arith.constant 0 : index
    %get3A_298 = vector.load %arg7[%get3A_296, %get3A_297] : memref<1x256xf32, #tpu.memory_space<vmem>>, vector<1x256xf32>
    %add3A_299 = vector.broadcast %get3A_298 : vector<1x256xf32> to vector<512x256xf32>
    %add3A_300 = arith.addf %dot_general3A_295, %add3A_299 : vector<512x256xf32>
    %slice3A_301 = vector.extract_strided_slice %add3A_300 {offsets = [0, 0], sizes = [512, 128], strides = [1, 1]} : vector<512x256xf32> to vector<512x128xf32>
    %slice3A_302 = vector.extract_strided_slice %add3A_300 {offsets = [0, 128], sizes = [512, 128], strides = [1, 1]} : vector<512x256xf32> to vector<512x128xf32>
    %mul3A_303 = arith.mulf %mul3A_16, %slice3A_301 : vector<512x128xf32>
    %dot_general3A_304 = arith.constant dense<0.000000e+00> : vector<512x4xf32>
    %dot_general3A_305 = tpu.matmul %mul3A_303, %get3A_19, %dot_general3A_304 {dimension_numbers = #tpu.dot_dimension_numbers<[1], [0], [0], [1], [0, 0, 1, 1], [], []>, transpose_lhs_hint = false} : vector<512x128xf32>, vector<128x4xf32>, vector<512x4xf32> -> vector<512x4xf32>
    %exp3A_306 = math.exp %dot_general3A_305 : vector<512x4xf32>
    %add3A_307 = arith.addf %add3A_283, %exp3A_306 : vector<512x4xf32>
    %dot_general3A_308 = arith.constant dense<0.000000e+00> : vector<512x128xf32>
    %dot_general3A_309 = tpu.matmul %exp3A_306, %get3A_22, %dot_general3A_308 {dimension_numbers = #tpu.dot_dimension_numbers<[1], [0], [0], [1], [0, 0, 1, 1], [], []>, transpose_lhs_hint = false} : vector<512x4xf32>, vector<4x128xf32>, vector<512x128xf32> -> vector<512x128xf32>
    %mul3A_310 = arith.mulf %dot_general3A_309, %slice3A_302 : vector<512x128xf32>
    %add3A_311 = arith.addf %add3A_287, %mul3A_310 : vector<512x128xf32>
    %get3A_312 = arith.constant 0 : index
    %get3A_313 = arith.constant 1536 : index
    %get3A_314 = vector.load %arg2[%get3A_312, %get3A_313] : memref<512x2560xf32, #tpu.memory_space<vmem>>, vector<512x128xf32>
    %get3A_315 = arith.constant 0 : index
    %get3A_316 = arith.constant 0 : index
    %get3A_317 = vector.load %arg5[%get3A_315, %get3A_316] : memref<128x256xf32, #tpu.memory_space<vmem>>, vector<128x256xf32>
    %dot_general3A_318 = arith.constant dense<0.000000e+00> : vector<512x256xf32>
    %dot_general3A_319 = tpu.matmul %get3A_314, %get3A_317, %dot_general3A_318 {dimension_numbers = #tpu.dot_dimension_numbers<[1], [0], [0], [1], [0, 0, 1, 1], [], []>, transpose_lhs_hint = false} : vector<512x128xf32>, vector<128x256xf32>, vector<512x256xf32> -> vector<512x256xf32>
    %get3A_320 = arith.constant 0 : index
    %get3A_321 = arith.constant 0 : index
    %get3A_322 = vector.load %arg7[%get3A_320, %get3A_321] : memref<1x256xf32, #tpu.memory_space<vmem>>, vector<1x256xf32>
    %add3A_323 = vector.broadcast %get3A_322 : vector<1x256xf32> to vector<512x256xf32>
    %add3A_324 = arith.addf %dot_general3A_319, %add3A_323 : vector<512x256xf32>
    %slice3A_325 = vector.extract_strided_slice %add3A_324 {offsets = [0, 0], sizes = [512, 128], strides = [1, 1]} : vector<512x256xf32> to vector<512x128xf32>
    %slice3A_326 = vector.extract_strided_slice %add3A_324 {offsets = [0, 128], sizes = [512, 128], strides = [1, 1]} : vector<512x256xf32> to vector<512x128xf32>
    %mul3A_327 = arith.mulf %mul3A_16, %slice3A_325 : vector<512x128xf32>
    %dot_general3A_328 = arith.constant dense<0.000000e+00> : vector<512x4xf32>
    %dot_general3A_329 = tpu.matmul %mul3A_327, %get3A_19, %dot_general3A_328 {dimension_numbers = #tpu.dot_dimension_numbers<[1], [0], [0], [1], [0, 0, 1, 1], [], []>, transpose_lhs_hint = false} : vector<512x128xf32>, vector<128x4xf32>, vector<512x4xf32> -> vector<512x4xf32>
    %exp3A_330 = math.exp %dot_general3A_329 : vector<512x4xf32>
    %add3A_331 = arith.addf %add3A_307, %exp3A_330 : vector<512x4xf32>
    %dot_general3A_332 = arith.constant dense<0.000000e+00> : vector<512x128xf32>
    %dot_general3A_333 = tpu.matmul %exp3A_330, %get3A_22, %dot_general3A_332 {dimension_numbers = #tpu.dot_dimension_numbers<[1], [0], [0], [1], [0, 0, 1, 1], [], []>, transpose_lhs_hint = false} : vector<512x4xf32>, vector<4x128xf32>, vector<512x128xf32> -> vector<512x128xf32>
    %mul3A_334 = arith.mulf %dot_general3A_333, %slice3A_326 : vector<512x128xf32>
    %add3A_335 = arith.addf %add3A_311, %mul3A_334 : vector<512x128xf32>
    %get3A_336 = arith.constant 0 : index
    %get3A_337 = arith.constant 1664 : index
    %get3A_338 = vector.load %arg2[%get3A_336, %get3A_337] : memref<512x2560xf32, #tpu.memory_space<vmem>>, vector<512x128xf32>
    %get3A_339 = arith.constant 0 : index
    %get3A_340 = arith.constant 0 : index
    %get3A_341 = vector.load %arg5[%get3A_339, %get3A_340] : memref<128x256xf32, #tpu.memory_space<vmem>>, vector<128x256xf32>
    %dot_general3A_342 = arith.constant dense<0.000000e+00> : vector<512x256xf32>
    %dot_general3A_343 = tpu.matmul %get3A_338, %get3A_341, %dot_general3A_342 {dimension_numbers = #tpu.dot_dimension_numbers<[1], [0], [0], [1], [0, 0, 1, 1], [], []>, transpose_lhs_hint = false} : vector<512x128xf32>, vector<128x256xf32>, vector<512x256xf32> -> vector<512x256xf32>
    %get3A_344 = arith.constant 0 : index
    %get3A_345 = arith.constant 0 : index
    %get3A_346 = vector.load %arg7[%get3A_344, %get3A_345] : memref<1x256xf32, #tpu.memory_space<vmem>>, vector<1x256xf32>
    %add3A_347 = vector.broadcast %get3A_346 : vector<1x256xf32> to vector<512x256xf32>
    %add3A_348 = arith.addf %dot_general3A_343, %add3A_347 : vector<512x256xf32>
    %slice3A_349 = vector.extract_strided_slice %add3A_348 {offsets = [0, 0], sizes = [512, 128], strides = [1, 1]} : vector<512x256xf32> to vector<512x128xf32>
    %slice3A_350 = vector.extract_strided_slice %add3A_348 {offsets = [0, 128], sizes = [512, 128], strides = [1, 1]} : vector<512x256xf32> to vector<512x128xf32>
    %mul3A_351 = arith.mulf %mul3A_16, %slice3A_349 : vector<512x128xf32>
    %dot_general3A_352 = arith.constant dense<0.000000e+00> : vector<512x4xf32>
    %dot_general3A_353 = tpu.matmul %mul3A_351, %get3A_19, %dot_general3A_352 {dimension_numbers = #tpu.dot_dimension_numbers<[1], [0], [0], [1], [0, 0, 1, 1], [], []>, transpose_lhs_hint = false} : vector<512x128xf32>, vector<128x4xf32>, vector<512x4xf32> -> vector<512x4xf32>
    %exp3A_354 = math.exp %dot_general3A_353 : vector<512x4xf32>
    %add3A_355 = arith.addf %add3A_331, %exp3A_354 : vector<512x4xf32>
    %dot_general3A_356 = arith.constant dense<0.000000e+00> : vector<512x128xf32>
    %dot_general3A_357 = tpu.matmul %exp3A_354, %get3A_22, %dot_general3A_356 {dimension_numbers = #tpu.dot_dimension_numbers<[1], [0], [0], [1], [0, 0, 1, 1], [], []>, transpose_lhs_hint = false} : vector<512x4xf32>, vector<4x128xf32>, vector<512x128xf32> -> vector<512x128xf32>
    %mul3A_358 = arith.mulf %dot_general3A_357, %slice3A_350 : vector<512x128xf32>
    %add3A_359 = arith.addf %add3A_335, %mul3A_358 : vector<512x128xf32>
    %get3A_360 = arith.constant 0 : index
    %get3A_361 = arith.constant 1792 : index
    %get3A_362 = vector.load %arg2[%get3A_360, %get3A_361] : memref<512x2560xf32, #tpu.memory_space<vmem>>, vector<512x128xf32>
    %get3A_363 = arith.constant 0 : index
    %get3A_364 = arith.constant 0 : index
    %get3A_365 = vector.load %arg5[%get3A_363, %get3A_364] : memref<128x256xf32, #tpu.memory_space<vmem>>, vector<128x256xf32>
    %dot_general3A_366 = arith.constant dense<0.000000e+00> : vector<512x256xf32>
    %dot_general3A_367 = tpu.matmul %get3A_362, %get3A_365, %dot_general3A_366 {dimension_numbers = #tpu.dot_dimension_numbers<[1], [0], [0], [1], [0, 0, 1, 1], [], []>, transpose_lhs_hint = false} : vector<512x128xf32>, vector<128x256xf32>, vector<512x256xf32> -> vector<512x256xf32>
    %get3A_368 = arith.constant 0 : index
    %get3A_369 = arith.constant 0 : index
    %get3A_370 = vector.load %arg7[%get3A_368, %get3A_369] : memref<1x256xf32, #tpu.memory_space<vmem>>, vector<1x256xf32>
    %add3A_371 = vector.broadcast %get3A_370 : vector<1x256xf32> to vector<512x256xf32>
    %add3A_372 = arith.addf %dot_general3A_367, %add3A_371 : vector<512x256xf32>
    %slice3A_373 = vector.extract_strided_slice %add3A_372 {offsets = [0, 0], sizes = [512, 128], strides = [1, 1]} : vector<512x256xf32> to vector<512x128xf32>
    %slice3A_374 = vector.extract_strided_slice %add3A_372 {offsets = [0, 128], sizes = [512, 128], strides = [1, 1]} : vector<512x256xf32> to vector<512x128xf32>
    %mul3A_375 = arith.mulf %mul3A_16, %slice3A_373 : vector<512x128xf32>
    %dot_general3A_376 = arith.constant dense<0.000000e+00> : vector<512x4xf32>
    %dot_general3A_377 = tpu.matmul %mul3A_375, %get3A_19, %dot_general3A_376 {dimension_numbers = #tpu.dot_dimension_numbers<[1], [0], [0], [1], [0, 0, 1, 1], [], []>, transpose_lhs_hint = false} : vector<512x128xf32>, vector<128x4xf32>, vector<512x4xf32> -> vector<512x4xf32>
    %exp3A_378 = math.exp %dot_general3A_377 : vector<512x4xf32>
    %add3A_379 = arith.addf %add3A_355, %exp3A_378 : vector<512x4xf32>
    %dot_general3A_380 = arith.constant dense<0.000000e+00> : vector<512x128xf32>
    %dot_general3A_381 = tpu.matmul %exp3A_378, %get3A_22, %dot_general3A_380 {dimension_numbers = #tpu.dot_dimension_numbers<[1], [0], [0], [1], [0, 0, 1, 1], [], []>, transpose_lhs_hint = false} : vector<512x4xf32>, vector<4x128xf32>, vector<512x128xf32> -> vector<512x128xf32>
    %mul3A_382 = arith.mulf %dot_general3A_381, %slice3A_374 : vector<512x128xf32>
    %add3A_383 = arith.addf %add3A_359, %mul3A_382 : vector<512x128xf32>
    %get3A_384 = arith.constant 0 : index
    %get3A_385 = arith.constant 1920 : index
    %get3A_386 = vector.load %arg2[%get3A_384, %get3A_385] : memref<512x2560xf32, #tpu.memory_space<vmem>>, vector<512x128xf32>
    %get3A_387 = arith.constant 0 : index
    %get3A_388 = arith.constant 0 : index
    %get3A_389 = vector.load %arg5[%get3A_387, %get3A_388] : memref<128x256xf32, #tpu.memory_space<vmem>>, vector<128x256xf32>
    %dot_general3A_390 = arith.constant dense<0.000000e+00> : vector<512x256xf32>
    %dot_general3A_391 = tpu.matmul %get3A_386, %get3A_389, %dot_general3A_390 {dimension_numbers = #tpu.dot_dimension_numbers<[1], [0], [0], [1], [0, 0, 1, 1], [], []>, transpose_lhs_hint = false} : vector<512x128xf32>, vector<128x256xf32>, vector<512x256xf32> -> vector<512x256xf32>
    %get3A_392 = arith.constant 0 : index
    %get3A_393 = arith.constant 0 : index
    %get3A_394 = vector.load %arg7[%get3A_392, %get3A_393] : memref<1x256xf32, #tpu.memory_space<vmem>>, vector<1x256xf32>
    %add3A_395 = vector.broadcast %get3A_394 : vector<1x256xf32> to vector<512x256xf32>
    %add3A_396 = arith.addf %dot_general3A_391, %add3A_395 : vector<512x256xf32>
    %slice3A_397 = vector.extract_strided_slice %add3A_396 {offsets = [0, 0], sizes = [512, 128], strides = [1, 1]} : vector<512x256xf32> to vector<512x128xf32>
    %slice3A_398 = vector.extract_strided_slice %add3A_396 {offsets = [0, 128], sizes = [512, 128], strides = [1, 1]} : vector<512x256xf32> to vector<512x128xf32>
    %mul3A_399 = arith.mulf %mul3A_16, %slice3A_397 : vector<512x128xf32>
    %dot_general3A_400 = arith.constant dense<0.000000e+00> : vector<512x4xf32>
    %dot_general3A_401 = tpu.matmul %mul3A_399, %get3A_19, %dot_general3A_400 {dimension_numbers = #tpu.dot_dimension_numbers<[1], [0], [0], [1], [0, 0, 1, 1], [], []>, transpose_lhs_hint = false} : vector<512x128xf32>, vector<128x4xf32>, vector<512x4xf32> -> vector<512x4xf32>
    %exp3A_402 = math.exp %dot_general3A_401 : vector<512x4xf32>
    %add3A_403 = arith.addf %add3A_379, %exp3A_402 : vector<512x4xf32>
    %dot_general3A_404 = arith.constant dense<0.000000e+00> : vector<512x128xf32>
    %dot_general3A_405 = tpu.matmul %exp3A_402, %get3A_22, %dot_general3A_404 {dimension_numbers = #tpu.dot_dimension_numbers<[1], [0], [0], [1], [0, 0, 1, 1], [], []>, transpose_lhs_hint = false} : vector<512x4xf32>, vector<4x128xf32>, vector<512x128xf32> -> vector<512x128xf32>
    %mul3A_406 = arith.mulf %dot_general3A_405, %slice3A_398 : vector<512x128xf32>
    %add3A_407 = arith.addf %add3A_383, %mul3A_406 : vector<512x128xf32>
    %get3A_408 = arith.constant 0 : index
    %get3A_409 = arith.constant 2048 : index
    %get3A_410 = vector.load %arg2[%get3A_408, %get3A_409] : memref<512x2560xf32, #tpu.memory_space<vmem>>, vector<512x128xf32>
    %get3A_411 = arith.constant 0 : index
    %get3A_412 = arith.constant 0 : index
    %get3A_413 = vector.load %arg5[%get3A_411, %get3A_412] : memref<128x256xf32, #tpu.memory_space<vmem>>, vector<128x256xf32>
    %dot_general3A_414 = arith.constant dense<0.000000e+00> : vector<512x256xf32>
    %dot_general3A_415 = tpu.matmul %get3A_410, %get3A_413, %dot_general3A_414 {dimension_numbers = #tpu.dot_dimension_numbers<[1], [0], [0], [1], [0, 0, 1, 1], [], []>, transpose_lhs_hint = false} : vector<512x128xf32>, vector<128x256xf32>, vector<512x256xf32> -> vector<512x256xf32>
    %get3A_416 = arith.constant 0 : index
    %get3A_417 = arith.constant 0 : index
    %get3A_418 = vector.load %arg7[%get3A_416, %get3A_417] : memref<1x256xf32, #tpu.memory_space<vmem>>, vector<1x256xf32>
    %add3A_419 = vector.broadcast %get3A_418 : vector<1x256xf32> to vector<512x256xf32>
    %add3A_420 = arith.addf %dot_general3A_415, %add3A_419 : vector<512x256xf32>
    %slice3A_421 = vector.extract_strided_slice %add3A_420 {offsets = [0, 0], sizes = [512, 128], strides = [1, 1]} : vector<512x256xf32> to vector<512x128xf32>
    %slice3A_422 = vector.extract_strided_slice %add3A_420 {offsets = [0, 128], sizes = [512, 128], strides = [1, 1]} : vector<512x256xf32> to vector<512x128xf32>
    %mul3A_423 = arith.mulf %mul3A_16, %slice3A_421 : vector<512x128xf32>
    %dot_general3A_424 = arith.constant dense<0.000000e+00> : vector<512x4xf32>
    %dot_general3A_425 = tpu.matmul %mul3A_423, %get3A_19, %dot_general3A_424 {dimension_numbers = #tpu.dot_dimension_numbers<[1], [0], [0], [1], [0, 0, 1, 1], [], []>, transpose_lhs_hint = false} : vector<512x128xf32>, vector<128x4xf32>, vector<512x4xf32> -> vector<512x4xf32>
    %exp3A_426 = math.exp %dot_general3A_425 : vector<512x4xf32>
    %add3A_427 = arith.addf %add3A_403, %exp3A_426 : vector<512x4xf32>
    %dot_general3A_428 = arith.constant dense<0.000000e+00> : vector<512x128xf32>
    %dot_general3A_429 = tpu.matmul %exp3A_426, %get3A_22, %dot_general3A_428 {dimension_numbers = #tpu.dot_dimension_numbers<[1], [0], [0], [1], [0, 0, 1, 1], [], []>, transpose_lhs_hint = false} : vector<512x4xf32>, vector<4x128xf32>, vector<512x128xf32> -> vector<512x128xf32>
    %mul3A_430 = arith.mulf %dot_general3A_429, %slice3A_422 : vector<512x128xf32>
    %add3A_431 = arith.addf %add3A_407, %mul3A_430 : vector<512x128xf32>
    %get3A_432 = arith.constant 0 : index
    %get3A_433 = arith.constant 2176 : index
    %get3A_434 = vector.load %arg2[%get3A_432, %get3A_433] : memref<512x2560xf32, #tpu.memory_space<vmem>>, vector<512x128xf32>
    %get3A_435 = arith.constant 0 : index
    %get3A_436 = arith.constant 0 : index
    %get3A_437 = vector.load %arg5[%get3A_435, %get3A_436] : memref<128x256xf32, #tpu.memory_space<vmem>>, vector<128x256xf32>
    %dot_general3A_438 = arith.constant dense<0.000000e+00> : vector<512x256xf32>
    %dot_general3A_439 = tpu.matmul %get3A_434, %get3A_437, %dot_general3A_438 {dimension_numbers = #tpu.dot_dimension_numbers<[1], [0], [0], [1], [0, 0, 1, 1], [], []>, transpose_lhs_hint = false} : vector<512x128xf32>, vector<128x256xf32>, vector<512x256xf32> -> vector<512x256xf32>
    %get3A_440 = arith.constant 0 : index
    %get3A_441 = arith.constant 0 : index
    %get3A_442 = vector.load %arg7[%get3A_440, %get3A_441] : memref<1x256xf32, #tpu.memory_space<vmem>>, vector<1x256xf32>
    %add3A_443 = vector.broadcast %get3A_442 : vector<1x256xf32> to vector<512x256xf32>
    %add3A_444 = arith.addf %dot_general3A_439, %add3A_443 : vector<512x256xf32>
    %slice3A_445 = vector.extract_strided_slice %add3A_444 {offsets = [0, 0], sizes = [512, 128], strides = [1, 1]} : vector<512x256xf32> to vector<512x128xf32>
    %slice3A_446 = vector.extract_strided_slice %add3A_444 {offsets = [0, 128], sizes = [512, 128], strides = [1, 1]} : vector<512x256xf32> to vector<512x128xf32>
    %mul3A_447 = arith.mulf %mul3A_16, %slice3A_445 : vector<512x128xf32>
    %dot_general3A_448 = arith.constant dense<0.000000e+00> : vector<512x4xf32>
    %dot_general3A_449 = tpu.matmul %mul3A_447, %get3A_19, %dot_general3A_448 {dimension_numbers = #tpu.dot_dimension_numbers<[1], [0], [0], [1], [0, 0, 1, 1], [], []>, transpose_lhs_hint = false} : vector<512x128xf32>, vector<128x4xf32>, vector<512x4xf32> -> vector<512x4xf32>
    %exp3A_450 = math.exp %dot_general3A_449 : vector<512x4xf32>
    %add3A_451 = arith.addf %add3A_427, %exp3A_450 : vector<512x4xf32>
    %dot_general3A_452 = arith.constant dense<0.000000e+00> : vector<512x128xf32>
    %dot_general3A_453 = tpu.matmul %exp3A_450, %get3A_22, %dot_general3A_452 {dimension_numbers = #tpu.dot_dimension_numbers<[1], [0], [0], [1], [0, 0, 1, 1], [], []>, transpose_lhs_hint = false} : vector<512x4xf32>, vector<4x128xf32>, vector<512x128xf32> -> vector<512x128xf32>
    %mul3A_454 = arith.mulf %dot_general3A_453, %slice3A_446 : vector<512x128xf32>
    %add3A_455 = arith.addf %add3A_431, %mul3A_454 : vector<512x128xf32>
    %get3A_456 = arith.constant 0 : index
    %get3A_457 = arith.constant 2304 : index
    %get3A_458 = vector.load %arg2[%get3A_456, %get3A_457] : memref<512x2560xf32, #tpu.memory_space<vmem>>, vector<512x128xf32>
    %get3A_459 = arith.constant 0 : index
    %get3A_460 = arith.constant 0 : index
    %get3A_461 = vector.load %arg5[%get3A_459, %get3A_460] : memref<128x256xf32, #tpu.memory_space<vmem>>, vector<128x256xf32>
    %dot_general3A_462 = arith.constant dense<0.000000e+00> : vector<512x256xf32>
    %dot_general3A_463 = tpu.matmul %get3A_458, %get3A_461, %dot_general3A_462 {dimension_numbers = #tpu.dot_dimension_numbers<[1], [0], [0], [1], [0, 0, 1, 1], [], []>, transpose_lhs_hint = false} : vector<512x128xf32>, vector<128x256xf32>, vector<512x256xf32> -> vector<512x256xf32>
    %get3A_464 = arith.constant 0 : index
    %get3A_465 = arith.constant 0 : index
    %get3A_466 = vector.load %arg7[%get3A_464, %get3A_465] : memref<1x256xf32, #tpu.memory_space<vmem>>, vector<1x256xf32>
    %add3A_467 = vector.broadcast %get3A_466 : vector<1x256xf32> to vector<512x256xf32>
    %add3A_468 = arith.addf %dot_general3A_463, %add3A_467 : vector<512x256xf32>
    %slice3A_469 = vector.extract_strided_slice %add3A_468 {offsets = [0, 0], sizes = [512, 128], strides = [1, 1]} : vector<512x256xf32> to vector<512x128xf32>
    %slice3A_470 = vector.extract_strided_slice %add3A_468 {offsets = [0, 128], sizes = [512, 128], strides = [1, 1]} : vector<512x256xf32> to vector<512x128xf32>
    %mul3A_471 = arith.mulf %mul3A_16, %slice3A_469 : vector<512x128xf32>
    %dot_general3A_472 = arith.constant dense<0.000000e+00> : vector<512x4xf32>
    %dot_general3A_473 = tpu.matmul %mul3A_471, %get3A_19, %dot_general3A_472 {dimension_numbers = #tpu.dot_dimension_numbers<[1], [0], [0], [1], [0, 0, 1, 1], [], []>, transpose_lhs_hint = false} : vector<512x128xf32>, vector<128x4xf32>, vector<512x4xf32> -> vector<512x4xf32>
    %exp3A_474 = math.exp %dot_general3A_473 : vector<512x4xf32>
    %add3A_475 = arith.addf %add3A_451, %exp3A_474 : vector<512x4xf32>
    %dot_general3A_476 = arith.constant dense<0.000000e+00> : vector<512x128xf32>
    %dot_general3A_477 = tpu.matmul %exp3A_474, %get3A_22, %dot_general3A_476 {dimension_numbers = #tpu.dot_dimension_numbers<[1], [0], [0], [1], [0, 0, 1, 1], [], []>, transpose_lhs_hint = false} : vector<512x4xf32>, vector<4x128xf32>, vector<512x128xf32> -> vector<512x128xf32>
    %mul3A_478 = arith.mulf %dot_general3A_477, %slice3A_470 : vector<512x128xf32>
    %add3A_479 = arith.addf %add3A_455, %mul3A_478 : vector<512x128xf32>
    %get3A_480 = arith.constant 0 : index
    %get3A_481 = arith.constant 2432 : index
    %get3A_482 = vector.load %arg2[%get3A_480, %get3A_481] : memref<512x2560xf32, #tpu.memory_space<vmem>>, vector<512x128xf32>
    %get3A_483 = arith.constant 0 : index
    %get3A_484 = arith.constant 0 : index
    %get3A_485 = vector.load %arg5[%get3A_483, %get3A_484] : memref<128x256xf32, #tpu.memory_space<vmem>>, vector<128x256xf32>
    %dot_general3A_486 = arith.constant dense<0.000000e+00> : vector<512x256xf32>
    %dot_general3A_487 = tpu.matmul %get3A_482, %get3A_485, %dot_general3A_486 {dimension_numbers = #tpu.dot_dimension_numbers<[1], [0], [0], [1], [0, 0, 1, 1], [], []>, transpose_lhs_hint = false} : vector<512x128xf32>, vector<128x256xf32>, vector<512x256xf32> -> vector<512x256xf32>
    %get3A_488 = arith.constant 0 : index
    %get3A_489 = arith.constant 0 : index
    %get3A_490 = vector.load %arg7[%get3A_488, %get3A_489] : memref<1x256xf32, #tpu.memory_space<vmem>>, vector<1x256xf32>
    %add3A_491 = vector.broadcast %get3A_490 : vector<1x256xf32> to vector<512x256xf32>
    %add3A_492 = arith.addf %dot_general3A_487, %add3A_491 : vector<512x256xf32>
    %slice3A_493 = vector.extract_strided_slice %add3A_492 {offsets = [0, 0], sizes = [512, 128], strides = [1, 1]} : vector<512x256xf32> to vector<512x128xf32>
    %slice3A_494 = vector.extract_strided_slice %add3A_492 {offsets = [0, 128], sizes = [512, 128], strides = [1, 1]} : vector<512x256xf32> to vector<512x128xf32>
    %mul3A_495 = arith.mulf %mul3A_16, %slice3A_493 : vector<512x128xf32>
    %dot_general3A_496 = arith.constant dense<0.000000e+00> : vector<512x4xf32>
    %dot_general3A_497 = tpu.matmul %mul3A_495, %get3A_19, %dot_general3A_496 {dimension_numbers = #tpu.dot_dimension_numbers<[1], [0], [0], [1], [0, 0, 1, 1], [], []>, transpose_lhs_hint = false} : vector<512x128xf32>, vector<128x4xf32>, vector<512x4xf32> -> vector<512x4xf32>
    %exp3A_498 = math.exp %dot_general3A_497 : vector<512x4xf32>
    %add3A_499 = arith.addf %add3A_475, %exp3A_498 : vector<512x4xf32>
    %dot_general3A_500 = arith.constant dense<0.000000e+00> : vector<512x128xf32>
    %dot_general3A_501 = tpu.matmul %exp3A_498, %get3A_22, %dot_general3A_500 {dimension_numbers = #tpu.dot_dimension_numbers<[1], [0], [0], [1], [0, 0, 1, 1], [], []>, transpose_lhs_hint = false} : vector<512x4xf32>, vector<4x128xf32>, vector<512x128xf32> -> vector<512x128xf32>
    %mul3A_502 = arith.mulf %dot_general3A_501, %slice3A_494 : vector<512x128xf32>
    %add3A_503 = arith.addf %add3A_479, %mul3A_502 : vector<512x128xf32>
    %dot_general3A_504 = arith.constant dense<0.000000e+00> : vector<512x128xf32>
    %dot_general3A_505 = tpu.matmul %add3A_499, %get3A_22, %dot_general3A_504 {dimension_numbers = #tpu.dot_dimension_numbers<[1], [0], [0], [1], [0, 0, 1, 1], [], []>, transpose_lhs_hint = false} : vector<512x4xf32>, vector<4x128xf32>, vector<512x128xf32> -> vector<512x128xf32>
    %div3A = arith.divf %add3A_503, %dot_general3A_505 : vector<512x128xf32>
    %get3A_506 = arith.constant 0 : index
    %get3A_507 = arith.constant 0 : index
    %get3A_508 = vector.load %arg8[%get3A_506, %get3A_507] : memref<128x128xf32, #tpu.memory_space<vmem>>, vector<128x128xf32>
    %dot_general3A_509 = arith.constant dense<0.000000e+00> : vector<512x128xf32>
    %dot_general3A_510 = tpu.matmul %div3A, %get3A_508, %dot_general3A_509 {dimension_numbers = #tpu.dot_dimension_numbers<[1], [0], [0], [1], [0, 0, 1, 1], [], []>, transpose_lhs_hint = false} : vector<512x128xf32>, vector<128x128xf32>, vector<512x128xf32> -> vector<512x128xf32>
    %get3A_511 = arith.constant 0 : index
    %get3A_512 = arith.constant 0 : index
    %get3A_513 = vector.load %arg9[%get3A_511, %get3A_512] : memref<1x128xf32, #tpu.memory_space<vmem>>, vector<1x128xf32>
    %add3A_514 = vector.broadcast %get3A_513 : vector<1x128xf32> to vector<512x128xf32>
    %add3A_515 = arith.addf %dot_general3A_510, %add3A_514 : vector<512x128xf32>
    %get3A_516 = arith.constant 0 : index
    %get3A_517 = arith.constant 0 : index
    %get3A_518 = vector.load %arg10[%get3A_516, %get3A_517] : memref<128x128xf32, #tpu.memory_space<vmem>>, vector<128x128xf32>
    %dot_general3A_519 = arith.constant dense<0.000000e+00> : vector<512x128xf32>
    %dot_general3A_520 = tpu.matmul %get3A_1, %get3A_518, %dot_general3A_519 {dimension_numbers = #tpu.dot_dimension_numbers<[1], [0], [0], [1], [0, 0, 1, 1], [], []>, transpose_lhs_hint = false} : vector<512x128xf32>, vector<128x128xf32>, vector<512x128xf32> -> vector<512x128xf32>
    %get3A_521 = arith.constant 0 : index
    %get3A_522 = arith.constant 0 : index
    %get3A_523 = vector.load %arg11[%get3A_521, %get3A_522] : memref<128x128xf32, #tpu.memory_space<vmem>>, vector<128x128xf32>
    %dot_general3A_524 = arith.constant dense<0.000000e+00> : vector<512x128xf32>
    %dot_general3A_525 = tpu.matmul %add3A_515, %get3A_523, %dot_general3A_524 {dimension_numbers = #tpu.dot_dimension_numbers<[1], [0], [0], [1], [0, 0, 1, 1], [], []>, transpose_lhs_hint = false} : vector<512x128xf32>, vector<128x128xf32>, vector<512x128xf32> -> vector<512x128xf32>
    %add3A_526 = arith.addf %dot_general3A_520, %dot_general3A_525 : vector<512x128xf32>
    %get3A_527 = arith.constant 0 : index
    %get3A_528 = arith.constant 0 : index
    %get3A_529 = vector.load %arg12[%get3A_527, %get3A_528] : memref<1x128xf32, #tpu.memory_space<vmem>>, vector<1x128xf32>
    %add3A_530 = vector.broadcast %get3A_529 : vector<1x128xf32> to vector<512x128xf32>
    %add3A_531 = arith.addf %add3A_526, %add3A_530 : vector<512x128xf32>
    %swap3A = arith.constant 0 : index
    %swap3A_532 = arith.constant 0 : index
    %swap3A_533 = vector.load %arg17[%swap3A, %swap3A_532] : memref<512x128xf32, #tpu.memory_space<vmem>>, vector<512x128xf32>
    tpu.vector_store %arg17[%swap3A, %swap3A_532], %add3A_531 {strides = array<i32>} : memref<512x128xf32, #tpu.memory_space<vmem>>, vector<512x128xf32>,
    %get3A_534 = arith.constant 0 : index
    %get3A_535 = arith.constant 0 : index
    %get3A_536 = vector.load %arg15[%get3A_534, %get3A_535] : memref<1x1xf32, #tpu.memory_space<vmem>>, vector<1x1xf32>
    %mul3A_537 = vector.broadcast %get3A_536 : vector<1x1xf32> to vector<512x128xf32>
    %mul3A_538 = arith.mulf %mul3A_537, %add3A_531 : vector<512x128xf32>
    %tanh3A = math.tanh %mul3A_538 : vector<512x128xf32>
    %swap3A_539 = arith.constant 0 : index
    %swap3A_540 = arith.constant 0 : index
    %swap3A_541 = vector.load %arg18[%swap3A_539, %swap3A_540] : memref<512x128xf32, #tpu.memory_space<vmem>>, vector<512x128xf32>
    tpu.vector_store %arg18[%swap3A_539, %swap3A_540], %tanh3A {strides = array<i32>} : memref<512x128xf32, #tpu.memory_space<vmem>>, vector<512x128xf32>,
    %get3A_542 = arith.constant 0 : index
    %get3A_543 = arith.constant 0 : index
    %get3A_544 = vector.load %arg16[%get3A_542, %get3A_543] : memref<1x1xf32, #tpu.memory_space<vmem>>, vector<1x1xf32>
    %mul3A_545 = vector.broadcast %get3A_544 : vector<1x1xf32> to vector<512x128xf32>
    %mul3A_546 = arith.mulf %mul3A_545, %add3A_531 : vector<512x128xf32>
    %tanh3A_547 = math.tanh %mul3A_546 : vector<512x128xf32>
    %swap3A_548 = arith.constant 0 : index
    %swap3A_549 = arith.constant 0 : index
    %swap3A_550 = vector.load %arg19[%swap3A_548, %swap3A_549] : memref<512x128xf32, #tpu.memory_space<vmem>>, vector<512x128xf32>
    tpu.vector_store %arg19[%swap3A_548, %swap3A_549], %tanh3A_547 {strides = array<i32>} : memref<512x128xf32, #tpu.memory_space<vmem>>, vector<512x128xf32>,
    return
  }
  func.func @transform_0(%arg0: i32) -> (i32, i32) {
    %c0_i32 = arith.constant 0 : i32
    %c0_i32_0 = arith.constant 0 : i32
    return %arg0, %c0_i32 : i32, i32
  }
  func.func @transform_1(%arg0: i32) -> (i32, i32) {
    %c0_i32 = arith.constant 0 : i32
    %c0_i32_0 = arith.constant 0 : i32
    return %arg0, %c0_i32 : i32, i32
  }
  func.func @transform_2(%arg0: i32) -> (i32, i32) {
    %c0_i32 = arith.constant 0 : i32
    %c0_i32_0 = arith.constant 0 : i32
    %c0_i32_1 = arith.constant 0 : i32
    return %c0_i32, %c0_i32_0 : i32, i32
  }
  func.func @transform_3(%arg0: i32) -> (i32, i32) {
    %c0_i32 = arith.constant 0 : i32
    %c0_i32_0 = arith.constant 0 : i32
    %c0_i32_1 = arith.constant 0 : i32
    return %c0_i32, %c0_i32_0 : i32, i32
  }
  func.func @transform_4(%arg0: i32) -> (i32, i32) {
    %c0_i32 = arith.constant 0 : i32
    %c0_i32_0 = arith.constant 0 : i32
    %c0_i32_1 = arith.constant 0 : i32
    return %c0_i32, %c0_i32_0 : i32, i32
  }
  func.func @transform_5(%arg0: i32) -> (i32, i32) {
    %c0_i32 = arith.constant 0 : i32
    %c0_i32_0 = arith.constant 0 : i32
    %c0_i32_1 = arith.constant 0 : i32
    return %c0_i32, %c0_i32_0 : i32, i32
  }
  func.func @transform_6(%arg0: i32) -> (i32, i32) {
    %c0_i32 = arith.constant 0 : i32
    %c0_i32_0 = arith.constant 0 : i32
    %c0_i32_1 = arith.constant 0 : i32
    return %c0_i32, %c0_i32_0 : i32, i32
  }
  func.func @transform_7(%arg0: i32) -> (i32, i32) {
    %c0_i32 = arith.constant 0 : i32
    %c0_i32_0 = arith.constant 0 : i32
    %c0_i32_1 = arith.constant 0 : i32
    return %c0_i32, %c0_i32_0 : i32, i32
  }
  func.func @transform_8(%arg0: i32) -> (i32, i32) {
    %c0_i32 = arith.constant 0 : i32
    %c0_i32_0 = arith.constant 0 : i32
    %c0_i32_1 = arith.constant 0 : i32
    return %c0_i32, %c0_i32_0 : i32, i32
  }
  func.func @transform_9(%arg0: i32) -> (i32, i32) {
    %c0_i32 = arith.constant 0 : i32
    %c0_i32_0 = arith.constant 0 : i32
    %c0_i32_1 = arith.constant 0 : i32
    return %c0_i32, %c0_i32_0 : i32, i32
  }
  func.func @transform_10(%arg0: i32) -> (i32, i32) {
    %c0_i32 = arith.constant 0 : i32
    %c0_i32_0 = arith.constant 0 : i32
    %c0_i32_1 = arith.constant 0 : i32
    return %c0_i32, %c0_i32_0 : i32, i32
  }
  func.func @transform_11(%arg0: i32) -> (i32, i32) {
    %c0_i32 = arith.constant 0 : i32
    %c0_i32_0 = arith.constant 0 : i32
    %c0_i32_1 = arith.constant 0 : i32
    return %c0_i32, %c0_i32_0 : i32, i32
  }
  func.func @transform_12(%arg0: i32) -> (i32, i32) {
    %c0_i32 = arith.constant 0 : i32
    %c0_i32_0 = arith.constant 0 : i32
    %c0_i32_1 = arith.constant 0 : i32
    return %c0_i32, %c0_i32_0 : i32, i32
  }
  func.func @transform_13(%arg0: i32) -> (i32, i32) {
    %c0_i32 = arith.constant 0 : i32
    %c0_i32_0 = arith.constant 0 : i32
    %c0_i32_1 = arith.constant 0 : i32
    return %c0_i32, %c0_i32_0 : i32, i32
  }
  func.func @transform_14(%arg0: i32) -> (i32, i32) {
    %c0_i32 = arith.constant 0 : i32
    %c0_i32_0 = arith.constant 0 : i32
    %c0_i32_1 = arith.constant 0 : i32
    return %c0_i32, %c0_i32_0 : i32, i32
  }
  func.func @transform_15(%arg0: i32) -> (i32, i32) {
    %c0_i32 = arith.constant 0 : i32
    %c0_i32_0 = arith.constant 0 : i32
    %c0_i32_1 = arith.constant 0 : i32
    return %c0_i32, %c0_i32_0 : i32, i32
  }
  func.func @transform_16(%arg0: i32) -> (i32, i32) {
    %c0_i32 = arith.constant 0 : i32
    %c0_i32_0 = arith.constant 0 : i32
    return %arg0, %c0_i32 : i32, i32
  }
  func.func @transform_17(%arg0: i32) -> (i32, i32) {
    %c0_i32 = arith.constant 0 : i32
    %c0_i32_0 = arith.constant 0 : i32
    return %arg0, %c0_i32 : i32, i32
  }
  func.func @transform_18(%arg0: i32) -> (i32, i32) {
    %c0_i32 = arith.constant 0 : i32
    %c0_i32_0 = arith.constant 0 : i32
    return %arg0, %c0_i32 : i32, i32
  }
}

module attributes {stable_mosaic.version = 14 : i64} {
  func.func @_ht_body(%arg0: memref<128x128xf32, #tpu.memory_space<vmem>>, %arg1: memref<4096x128xf32, #tpu.memory_space<vmem>>, %arg2: memref<128x4096xf32, #tpu.memory_space<vmem>>) attributes {dimension_semantics = [], scalar_prefetch = 0 : i64, scratch_operands = 0 : i64, tpu.core_type = #tpu.core_type<tc>} {
    %get3A = arith.constant 0 : index
    %get3A_0 = arith.constant 0 : index
    %get3A_1 = vector.load %arg0[%get3A, %get3A_0] : memref<128x128xf32, #tpu.memory_space<vmem>>, vector<128x128xf32>
    %get3A_2 = arith.constant 0 : index
    %get3A_3 = arith.constant 0 : index
    %get3A_4 = vector.load %arg1[%get3A_2, %get3A_3] : memref<4096x128xf32, #tpu.memory_space<vmem>>, vector<4096x128xf32>
    %dot_general3A = arith.constant dense<0.000000e+00> : vector<128x4096xf32>
    %dot_general3A_5 = tpu.matmul %get3A_1, %get3A_4, %dot_general3A {dimension_numbers = #tpu.dot_dimension_numbers<[1], [1], [0], [0], [0, 0, 1, 0], [], []>, transpose_lhs_hint = false} : vector<128x128xf32>, vector<4096x128xf32>, vector<128x4096xf32> -> vector<128x4096xf32>
    %swap3A = arith.constant 0 : index
    %swap3A_6 = arith.constant 0 : index
    %swap3A_7 = vector.load %arg2[%swap3A, %swap3A_6] : memref<128x4096xf32, #tpu.memory_space<vmem>>, vector<128x4096xf32>
    tpu.vector_store %arg2[%swap3A, %swap3A_6], %dot_general3A_5 {strides = array<i32>} : memref<128x4096xf32, #tpu.memory_space<vmem>>, vector<128x4096xf32>,
    return
  }
}

module attributes {stable_mosaic.version = 14 : i64} {
  func.func @_adj_body(%arg0: i32, %arg1: memref<4096x128xf32, #tpu.memory_space<vmem>>, %arg2: memref<4096x128xf32, #tpu.memory_space<vmem>>, %arg3: memref<128x128xf32, #tpu.memory_space<vmem>>, %arg4: memref<128x128xf32, #tpu.memory_space<vmem>>, %arg5: memref<128x4096xf32, #tpu.memory_space<vmem>>, %arg6: memref<128x4096xbf16, #tpu.memory_space<vmem>>, %arg7: memref<1x4096xf32, #tpu.memory_space<vmem>>, %arg8: memref<1x4096xf32, #tpu.memory_space<vmem>>) attributes {dimension_semantics = [#tpu.dimension_semantics<arbitrary>], iteration_bounds = array<i64: 32>, scalar_prefetch = 0 : i64, scratch_operands = 1 : i64, tpu.core_type = #tpu.core_type<tc>, window_params = [{pipeline_mode = #tpu.pipeline_mode<synchronous>, transform_indices = @transform_0, window_bounds = array<i64: 4096, 128>}, {pipeline_mode = #tpu.pipeline_mode<synchronous>, transform_indices = @transform_1, window_bounds = array<i64: 4096, 128>}, {transform_indices = @transform_2, window_bounds = array<i64: 128, 128>}, {transform_indices = @transform_3, window_bounds = array<i64: 128, 128>}, {transform_indices = @transform_4, window_bounds = array<i64: 128, 4096>}, {transform_indices = @transform_5, window_bounds = array<i64: 128, 4096>}, {pipeline_mode = #tpu.pipeline_mode<synchronous>, transform_indices = @transform_6, window_bounds = array<i64: 1, 4096>}]} {
    %get3A = arith.constant 0 : index
    %get3A_0 = arith.constant 0 : index
    %get3A_1 = vector.load %arg3[%get3A, %get3A_0] : memref<128x128xf32, #tpu.memory_space<vmem>>, vector<128x128xf32>
    %get3A_2 = arith.constant 0 : index
    %get3A_3 = arith.constant 0 : index
    %get3A_4 = vector.load %arg2[%get3A_2, %get3A_3] : memref<4096x128xf32, #tpu.memory_space<vmem>>, vector<4096x128xf32>
    %dot_general3A = arith.constant dense<0.000000e+00> : vector<128x4096xf32>
    %dot_general3A_5 = tpu.matmul %get3A_1, %get3A_4, %dot_general3A {dimension_numbers = #tpu.dot_dimension_numbers<[1], [1], [0], [0], [0, 0, 1, 0], [], []>, transpose_lhs_hint = false} : vector<128x128xf32>, vector<4096x128xf32>, vector<128x4096xf32> -> vector<128x4096xf32>
    %get3A_6 = arith.constant 0 : index
    %get3A_7 = arith.constant 0 : index
    %get3A_8 = vector.load %arg4[%get3A_6, %get3A_7] : memref<128x128xf32, #tpu.memory_space<vmem>>, vector<128x128xf32>
    %get3A_9 = arith.constant 0 : index
    %get3A_10 = arith.constant 0 : index
    %get3A_11 = vector.load %arg1[%get3A_9, %get3A_10] : memref<4096x128xf32, #tpu.memory_space<vmem>>, vector<4096x128xf32>
    %dot_general3A_12 = arith.constant dense<0.000000e+00> : vector<128x4096xf32>
    %dot_general3A_13 = tpu.matmul %get3A_8, %get3A_11, %dot_general3A_12 {dimension_numbers = #tpu.dot_dimension_numbers<[1], [1], [0], [0], [0, 0, 1, 0], [], []>, transpose_lhs_hint = false} : vector<128x128xf32>, vector<4096x128xf32>, vector<128x4096xf32> -> vector<128x4096xf32>
    %sub3A = arith.subf %dot_general3A_5, %dot_general3A_13 : vector<128x4096xf32>
    %max3A = arith.constant 0.000000e+00 : f32
    %max3A_14 = vector.broadcast %max3A : f32 to vector<128x4096xf32>
    %max3A_15 = arith.maximumf %sub3A, %max3A_14 : vector<128x4096xf32>
    %reduce_max3A = arith.constant dense<0xFF800000> : vector<128xf32>
    %reduce_max3A_16 = vector.multi_reduction <maximumf>, %max3A_15, %reduce_max3A [1] : vector<128x4096xf32> to vector<128xf32>
    %broadcast_in_dim3A = vector.shape_cast %reduce_max3A_16 : vector<128xf32> to vector<128x1xf32>
    %sub3A_17 = vector.broadcast %broadcast_in_dim3A : vector<128x1xf32> to vector<128x4096xf32>
    %sub3A_18 = arith.subf %max3A_15, %sub3A_17 : vector<128x4096xf32>
    %exp3A = math.exp %sub3A_18 : vector<128x4096xf32>
    %reduce_sum3A = arith.constant dense<0.000000e+00> : vector<128xf32>
    %reduce_sum3A_19 = vector.multi_reduction <add>, %exp3A, %reduce_sum3A [1] : vector<128x4096xf32> to vector<128xf32>
    %broadcast_in_dim3A_20 = vector.shape_cast %reduce_sum3A_19 : vector<128xf32> to vector<128x1xf32>
    %div3A = vector.broadcast %broadcast_in_dim3A_20 : vector<128x1xf32> to vector<128x4096xf32>
    %div3A_21 = arith.divf %exp3A, %div3A : vector<128x4096xf32>
    %sub3A_22 = arith.constant 1.000000e-01 : f32
    %sub3A_23 = vector.broadcast %sub3A_22 : f32 to vector<128x4096xf32>
    %sub3A_24 = arith.subf %div3A_21, %sub3A_23 : vector<128x4096xf32>
    %max3A_25 = arith.constant 0.000000e+00 : f32
    %max3A_26 = vector.broadcast %max3A_25 : f32 to vector<128x4096xf32>
    %max3A_27 = arith.maximumf %sub3A_24, %max3A_26 : vector<128x4096xf32>
    %swap3A = arith.constant 0 : index
    %swap3A_28 = arith.constant 0 : index
    %swap3A_29 = vector.load %arg5[%swap3A, %swap3A_28] : memref<128x4096xf32, #tpu.memory_space<vmem>>, vector<128x4096xf32>
    tpu.vector_store %arg5[%swap3A, %swap3A_28], %max3A_27 {strides = array<i32>} : memref<128x4096xf32, #tpu.memory_space<vmem>>, vector<128x4096xf32>,
    %convert_element_type3A = arith.truncf %max3A_27 : vector<128x4096xf32> to vector<128x4096xbf16>
    %swap3A_30 = arith.constant 0 : index
    %swap3A_31 = arith.constant 0 : index
    %swap3A_32 = vector.load %arg6[%swap3A_30, %swap3A_31] : memref<128x4096xbf16, #tpu.memory_space<vmem>>, vector<128x4096xbf16>
    tpu.vector_store %arg6[%swap3A_30, %swap3A_31], %convert_element_type3A {strides = array<i32>} : memref<128x4096xbf16, #tpu.memory_space<vmem>>, vector<128x4096xbf16>,
    %eq3A = arith.constant 0 : i32
    %eq3A_33 = arith.cmpi eq, %arg0, %eq3A : i32
    %convert_element_type3A_34 = arith.extui %eq3A_33 : i1 to i32
    %cond3A = arith.constant 0 : i32
    %cond3A_35 = arith.cmpi ne, %convert_element_type3A_34, %cond3A : i32
    scf.if %cond3A_35 {
      %broadcast_in_dim3A_50 = arith.constant 1.000000e+00 : f32
      %broadcast_in_dim3A_51 = vector.broadcast %broadcast_in_dim3A_50 : f32 to vector<1x4096xf32>
      %swap3A_52 = arith.constant 0 : index
      %swap3A_53 = arith.constant 0 : index
      %swap3A_54 = vector.load %arg8[%swap3A_52, %swap3A_53] : memref<1x4096xf32, #tpu.memory_space<vmem>>, vector<1x4096xf32>
      tpu.vector_store %arg8[%swap3A_52, %swap3A_53], %broadcast_in_dim3A_51 {strides = array<i32>} : memref<1x4096xf32, #tpu.memory_space<vmem>>, vector<1x4096xf32>,
    } else {
    }
    %get3A_36 = arith.constant 0 : index
    %get3A_37 = arith.constant 0 : index
    %get3A_38 = vector.load %arg8[%get3A_36, %get3A_37] : memref<1x4096xf32, #tpu.memory_space<vmem>>, vector<1x4096xf32>
    %reduce_sum3A_39 = arith.constant dense<0.000000e+00> : vector<4096xf32>
    %reduce_sum3A_40 = vector.multi_reduction <add>, %max3A_27, %reduce_sum3A_39 [0] : vector<128x4096xf32> to vector<4096xf32>
    %broadcast_in_dim3A_41 = vector.shape_cast %reduce_sum3A_40 : vector<4096xf32> to vector<1x4096xf32>
    %add3A = arith.addf %get3A_38, %broadcast_in_dim3A_41 : vector<1x4096xf32>
    %swap3A_42 = arith.constant 0 : index
    %swap3A_43 = arith.constant 0 : index
    %swap3A_44 = vector.load %arg8[%swap3A_42, %swap3A_43] : memref<1x4096xf32, #tpu.memory_space<vmem>>, vector<1x4096xf32>
    tpu.vector_store %arg8[%swap3A_42, %swap3A_43], %add3A {strides = array<i32>} : memref<1x4096xf32, #tpu.memory_space<vmem>>, vector<1x4096xf32>,
    %eq3A_45 = arith.constant 31 : i32
    %eq3A_46 = arith.cmpi eq, %arg0, %eq3A_45 : i32
    %convert_element_type3A_47 = arith.extui %eq3A_46 : i1 to i32
    %cond3A_48 = arith.constant 0 : i32
    %cond3A_49 = arith.cmpi ne, %convert_element_type3A_47, %cond3A_48 : i32
    scf.if %cond3A_49 {
      %get3A_50 = arith.constant 0 : index
      %get3A_51 = arith.constant 0 : index
      %get3A_52 = vector.load %arg8[%get3A_50, %get3A_51] : memref<1x4096xf32, #tpu.memory_space<vmem>>, vector<1x4096xf32>
      %rsqrt3A = math.rsqrt %get3A_52 : vector<1x4096xf32>
      %swap3A_53 = arith.constant 0 : index
      %swap3A_54 = arith.constant 0 : index
      %swap3A_55 = vector.load %arg7[%swap3A_53, %swap3A_54] : memref<1x4096xf32, #tpu.memory_space<vmem>>, vector<1x4096xf32>
      tpu.vector_store %arg7[%swap3A_53, %swap3A_54], %rsqrt3A {strides = array<i32>} : memref<1x4096xf32, #tpu.memory_space<vmem>>, vector<1x4096xf32>,
    } else {
    }
    return
  }
  func.func @transform_0(%arg0: i32) -> (i32, i32) {
    %c0_i32 = arith.constant 0 : i32
    %c0_i32_0 = arith.constant 0 : i32
    %c0_i32_1 = arith.constant 0 : i32
    return %c0_i32, %c0_i32_0 : i32, i32
  }
  func.func @transform_1(%arg0: i32) -> (i32, i32) {
    %c0_i32 = arith.constant 0 : i32
    %c0_i32_0 = arith.constant 0 : i32
    %c0_i32_1 = arith.constant 0 : i32
    return %c0_i32, %c0_i32_0 : i32, i32
  }
  func.func @transform_2(%arg0: i32) -> (i32, i32) {
    %c0_i32 = arith.constant 0 : i32
    %c0_i32_0 = arith.constant 0 : i32
    return %arg0, %c0_i32 : i32, i32
  }
  func.func @transform_3(%arg0: i32) -> (i32, i32) {
    %c0_i32 = arith.constant 0 : i32
    %c0_i32_0 = arith.constant 0 : i32
    return %arg0, %c0_i32 : i32, i32
  }
  func.func @transform_4(%arg0: i32) -> (i32, i32) {
    %c0_i32 = arith.constant 0 : i32
    %c0_i32_0 = arith.constant 0 : i32
    return %arg0, %c0_i32 : i32, i32
  }
  func.func @transform_5(%arg0: i32) -> (i32, i32) {
    %c0_i32 = arith.constant 0 : i32
    %c0_i32_0 = arith.constant 0 : i32
    return %arg0, %c0_i32 : i32, i32
  }
  func.func @transform_6(%arg0: i32) -> (i32, i32) {
    %c0_i32 = arith.constant 0 : i32
    %c0_i32_0 = arith.constant 0 : i32
    %c0_i32_1 = arith.constant 0 : i32
    return %c0_i32, %c0_i32_0 : i32, i32
  }
}

module attributes {stable_mosaic.version = 14 : i64} {
  func.func @_c0_body(%arg0: i32, %arg1: memref<128x128xf32, #tpu.memory_space<vmem>>, %arg2: memref<128x128xf32, #tpu.memory_space<vmem>>, %arg3: memref<1x128xf32, #tpu.memory_space<vmem>>, %arg4: memref<128x128xf32, #tpu.memory_space<vmem>>, %arg5: memref<128x128xbf16, #tpu.memory_space<vmem>>) attributes {dimension_semantics = [#tpu.dimension_semantics<arbitrary>], iteration_bounds = array<i64: 32>, scalar_prefetch = 0 : i64, scratch_operands = 0 : i64, tpu.core_type = #tpu.core_type<tc>, window_params = [{transform_indices = @transform_0, window_bounds = array<i64: 128, 128>}, {pipeline_mode = #tpu.pipeline_mode<synchronous>, transform_indices = @transform_1, window_bounds = array<i64: 128, 128>}, {transform_indices = @transform_2, window_bounds = array<i64: 1, 128>}, {pipeline_mode = #tpu.pipeline_mode<synchronous>, transform_indices = @transform_3, window_bounds = array<i64: 128, 128>}, {transform_indices = @transform_4, window_bounds = array<i64: 128, 128>}]} {
    %get3A = arith.constant 0 : index
    %get3A_0 = arith.constant 0 : index
    %get3A_1 = vector.load %arg1[%get3A, %get3A_0] : memref<128x128xf32, #tpu.memory_space<vmem>>, vector<128x128xf32>
    %get3A_2 = arith.constant 0 : index
    %get3A_3 = arith.constant 0 : index
    %get3A_4 = vector.load %arg2[%get3A_2, %get3A_3] : memref<128x128xf32, #tpu.memory_space<vmem>>, vector<128x128xf32>
    %dot_general3A = arith.constant dense<0.000000e+00> : vector<128x128xf32>
    %dot_general3A_5 = tpu.matmul %get3A_1, %get3A_4, %dot_general3A {dimension_numbers = #tpu.dot_dimension_numbers<[1], [0], [0], [1], [0, 0, 1, 1], [], []>, transpose_lhs_hint = false} : vector<128x128xf32>, vector<128x128xf32>, vector<128x128xf32> -> vector<128x128xf32>
    %get3A_6 = arith.constant 0 : index
    %get3A_7 = arith.constant 0 : index
    %get3A_8 = vector.load %arg4[%get3A_6, %get3A_7] : memref<128x128xf32, #tpu.memory_space<vmem>>, vector<128x128xf32>
    %get3A_9 = arith.constant 0 : index
    %get3A_10 = arith.constant 0 : index
    %get3A_11 = vector.load %arg3[%get3A_9, %get3A_10] : memref<1x128xf32, #tpu.memory_space<vmem>>, vector<1x128xf32>
    %dot_general3A_12 = arith.constant dense<0.000000e+00> : vector<128x1xf32>
    %dot_general3A_13 = tpu.matmul %get3A_8, %get3A_11, %dot_general3A_12 {dimension_numbers = #tpu.dot_dimension_numbers<[1], [1], [0], [0], [0, 0, 1, 0], [], []>, transpose_lhs_hint = false} : vector<128x128xf32>, vector<1x128xf32>, vector<128x1xf32> -> vector<128x1xf32>
    %mul3A = vector.broadcast %dot_general3A_13 : vector<128x1xf32> to vector<128x128xf32>
    %mul3A_14 = arith.mulf %mul3A, %dot_general3A_5 : vector<128x128xf32>
    %convert_element_type3A = arith.truncf %mul3A_14 : vector<128x128xf32> to vector<128x128xbf16>
    %swap3A = arith.constant 0 : index
    %swap3A_15 = arith.constant 0 : index
    %swap3A_16 = vector.load %arg5[%swap3A, %swap3A_15] : memref<128x128xbf16, #tpu.memory_space<vmem>>, vector<128x128xbf16>
    tpu.vector_store %arg5[%swap3A, %swap3A_15], %convert_element_type3A {strides = array<i32>} : memref<128x128xbf16, #tpu.memory_space<vmem>>, vector<128x128xbf16>,
    return
  }
  func.func @transform_0(%arg0: i32) -> (i32, i32) {
    %c0_i32 = arith.constant 0 : i32
    %c0_i32_0 = arith.constant 0 : i32
    return %arg0, %c0_i32 : i32, i32
  }
  func.func @transform_1(%arg0: i32) -> (i32, i32) {
    %c0_i32 = arith.constant 0 : i32
    %c0_i32_0 = arith.constant 0 : i32
    %c0_i32_1 = arith.constant 0 : i32
    return %c0_i32, %c0_i32_0 : i32, i32
  }
  func.func @transform_2(%arg0: i32) -> (i32, i32) {
    %c0_i32 = arith.constant 0 : i32
    %c0_i32_0 = arith.constant 0 : i32
    return %c0_i32, %arg0 : i32, i32
  }
  func.func @transform_3(%arg0: i32) -> (i32, i32) {
    %c0_i32 = arith.constant 0 : i32
    %c0_i32_0 = arith.constant 0 : i32
    %c0_i32_1 = arith.constant 0 : i32
    return %c0_i32, %c0_i32_0 : i32, i32
  }
  func.func @transform_4(%arg0: i32) -> (i32, i32) {
    %c0_i32 = arith.constant 0 : i32
    %c0_i32_0 = arith.constant 0 : i32
    return %arg0, %c0_i32 : i32, i32
  }
}

module attributes {stable_mosaic.version = 14 : i64} {
  func.func @_c1_body(%arg0: i32, %arg1: memref<4096x256xbf16, #tpu.memory_space<vmem>>, %arg2: memref<4096x128xbf16, #tpu.memory_space<vmem>>, %arg3: memref<256x128xbf16, #tpu.memory_space<vmem>>, %arg4: memref<1x256xf32, #tpu.memory_space<vmem>>, %arg5: memref<256x128xf32, #tpu.memory_space<vmem>>, %arg6: memref<1x128xf32, #tpu.memory_space<vmem>>, %arg7: memref<256x256xf32, #tpu.memory_space<vmem>>, %arg8: memref<256x128xf32, #tpu.memory_space<vmem>>) attributes {dimension_semantics = [#tpu.dimension_semantics<arbitrary>], iteration_bounds = array<i64: 16>, scalar_prefetch = 0 : i64, scratch_operands = 0 : i64, tpu.core_type = #tpu.core_type<tc>, window_params = [{transform_indices = @transform_0, window_bounds = array<i64: 4096, 256>}, {pipeline_mode = #tpu.pipeline_mode<synchronous>, transform_indices = @transform_1, window_bounds = array<i64: 4096, 128>}, {transform_indices = @transform_2, window_bounds = array<i64: 256, 128>}, {transform_indices = @transform_3, window_bounds = array<i64: 1, 256>}, {transform_indices = @transform_4, window_bounds = array<i64: 256, 128>}, {pipeline_mode = #tpu.pipeline_mode<synchronous>, transform_indices = @transform_5, window_bounds = array<i64: 1, 128>}, {pipeline_mode = #tpu.pipeline_mode<synchronous>, transform_indices = @transform_6, window_bounds = array<i64: 256, 256>}, {transform_indices = @transform_7, window_bounds = array<i64: 256, 128>}]} {
    %get3A = arith.constant 0 : index
    %get3A_0 = arith.constant 0 : index
    %get3A_1 = vector.load %arg1[%get3A, %get3A_0] : memref<4096x256xbf16, #tpu.memory_space<vmem>>, vector<4096x256xbf16>
    %get3A_2 = arith.constant 0 : index
    %get3A_3 = arith.constant 0 : index
    %get3A_4 = vector.load %arg2[%get3A_2, %get3A_3] : memref<4096x128xbf16, #tpu.memory_space<vmem>>, vector<4096x128xbf16>
    %dot_general3A = arith.constant dense<0.000000e+00> : vector<256x128xf32>
    %dot_general3A_5 = tpu.matmul %get3A_1, %get3A_4, %dot_general3A {dimension_numbers = #tpu.dot_dimension_numbers<[0], [0], [1], [1], [0, 1, 1, 1], [], []>, transpose_lhs_hint = false} : vector<4096x256xbf16>, vector<4096x128xbf16>, vector<256x128xf32> -> vector<256x128xf32>
    %get3A_6 = arith.constant 0 : index
    %get3A_7 = arith.constant 0 : index
    %get3A_8 = vector.load %arg7[%get3A_6, %get3A_7] : memref<256x256xf32, #tpu.memory_space<vmem>>, vector<256x256xf32>
    %get3A_9 = arith.constant 0 : index
    %get3A_10 = arith.constant 0 : index
    %get3A_11 = vector.load %arg4[%get3A_9, %get3A_10] : memref<1x256xf32, #tpu.memory_space<vmem>>, vector<1x256xf32>
    %dot_general3A_12 = arith.constant dense<0.000000e+00> : vector<256x1xf32>
    %dot_general3A_13 = tpu.matmul %get3A_8, %get3A_11, %dot_general3A_12 {dimension_numbers = #tpu.dot_dimension_numbers<[1], [1], [0], [0], [0, 0, 1, 0], [], []>, transpose_lhs_hint = false} : vector<256x256xf32>, vector<1x256xf32>, vector<256x1xf32> -> vector<256x1xf32>
    %get3A_14 = arith.constant 0 : index
    %get3A_15 = arith.constant 0 : index
    %get3A_16 = vector.load %arg3[%get3A_14, %get3A_15] : memref<256x128xbf16, #tpu.memory_space<vmem>>, vector<256x128xbf16>
    %convert_element_type3A = arith.extf %get3A_16 : vector<256x128xbf16> to vector<256x128xf32>
    %add3A = arith.addf %dot_general3A_5, %convert_element_type3A : vector<256x128xf32>
    %mul3A = vector.broadcast %dot_general3A_13 : vector<256x1xf32> to vector<256x128xf32>
    %mul3A_17 = arith.mulf %mul3A, %add3A : vector<256x128xf32>
    %get3A_18 = arith.constant 0 : index
    %get3A_19 = arith.constant 0 : index
    %get3A_20 = vector.load %arg6[%get3A_18, %get3A_19] : memref<1x128xf32, #tpu.memory_space<vmem>>, vector<1x128xf32>
    %add3A_21 = vector.broadcast %get3A_20 : vector<1x128xf32> to vector<256x128xf32>
    %add3A_22 = arith.addf %mul3A_17, %add3A_21 : vector<256x128xf32>
    %mul3A_23 = arith.constant 0.899999976 : f32
    %mul3A_24 = vector.broadcast %mul3A_23 : f32 to vector<256x128xf32>
    %mul3A_25 = arith.mulf %mul3A_24, %add3A_22 : vector<256x128xf32>
    %get3A_26 = arith.constant 0 : index
    %get3A_27 = arith.constant 0 : index
    %get3A_28 = vector.load %arg5[%get3A_26, %get3A_27] : memref<256x128xf32, #tpu.memory_space<vmem>>, vector<256x128xf32>
    %mul3A_29 = arith.constant 1.000000e-01 : f32
    %mul3A_30 = vector.broadcast %mul3A_29 : f32 to vector<256x128xf32>
    %mul3A_31 = arith.mulf %mul3A_30, %get3A_28 : vector<256x128xf32>
    %add3A_32 = arith.addf %mul3A_25, %mul3A_31 : vector<256x128xf32>
    %swap3A = arith.constant 0 : index
    %swap3A_33 = arith.constant 0 : index
    %swap3A_34 = vector.load %arg8[%swap3A, %swap3A_33] : memref<256x128xf32, #tpu.memory_space<vmem>>, vector<256x128xf32>
    tpu.vector_store %arg8[%swap3A, %swap3A_33], %add3A_32 {strides = array<i32>} : memref<256x128xf32, #tpu.memory_space<vmem>>, vector<256x128xf32>,
    return
  }
  func.func @transform_0(%arg0: i32) -> (i32, i32) {
    %c0_i32 = arith.constant 0 : i32
    %c0_i32_0 = arith.constant 0 : i32
    return %c0_i32, %arg0 : i32, i32
  }
  func.func @transform_1(%arg0: i32) -> (i32, i32) {
    %c0_i32 = arith.constant 0 : i32
    %c0_i32_0 = arith.constant 0 : i32
    %c0_i32_1 = arith.constant 0 : i32
    return %c0_i32, %c0_i32_0 : i32, i32
  }
  func.func @transform_2(%arg0: i32) -> (i32, i32) {
    %c0_i32 = arith.constant 0 : i32
    %c0_i32_0 = arith.constant 0 : i32
    return %arg0, %c0_i32 : i32, i32
  }
  func.func @transform_3(%arg0: i32) -> (i32, i32) {
    %c0_i32 = arith.constant 0 : i32
    %c0_i32_0 = arith.constant 0 : i32
    return %c0_i32, %arg0 : i32, i32
  }
  func.func @transform_4(%arg0: i32) -> (i32, i32) {
    %c0_i32 = arith.constant 0 : i32
    %c0_i32_0 = arith.constant 0 : i32
    return %arg0, %c0_i32 : i32, i32
  }
  func.func @transform_5(%arg0: i32) -> (i32, i32) {
    %c0_i32 = arith.constant 0 : i32
    %c0_i32_0 = arith.constant 0 : i32
    %c0_i32_1 = arith.constant 0 : i32
    return %c0_i32, %c0_i32_0 : i32, i32
  }
  func.func @transform_6(%arg0: i32) -> (i32, i32) {
    %c0_i32 = arith.constant 0 : i32
    %c0_i32_0 = arith.constant 0 : i32
    %c0_i32_1 = arith.constant 0 : i32
    return %c0_i32, %c0_i32_0 : i32, i32
  }
  func.func @transform_7(%arg0: i32) -> (i32, i32) {
    %c0_i32 = arith.constant 0 : i32
    %c0_i32_0 = arith.constant 0 : i32
    return %arg0, %c0_i32 : i32, i32
  }
}

module attributes {stable_mosaic.version = 14 : i64} {
  func.func @_scomb_ht_body(%arg0: i32, %arg1: memref<128x128xf32, #tpu.memory_space<vmem>>, %arg2: memref<128x128xf32, #tpu.memory_space<vmem>>, %arg3: memref<128x128xf32, #tpu.memory_space<vmem>>, %arg4: memref<1x128xf32, #tpu.memory_space<vmem>>, %arg5: memref<128x128xf32, #tpu.memory_space<vmem>>, %arg6: memref<1x128xf32, #tpu.memory_space<vmem>>, %arg7: memref<128x128xf32, #tpu.memory_space<vmem>>, %arg8: memref<128x128xf32, #tpu.memory_space<vmem>>, %arg9: memref<128x128xf32, #tpu.memory_space<vmem>>, %arg10: memref<128x128xf32, #tpu.memory_space<vmem>>, %arg11: memref<128x128xf32, #tpu.memory_space<vmem>>, %arg12: memref<128x128xf32, #tpu.memory_space<vmem>>) attributes {dimension_semantics = [#tpu.dimension_semantics<arbitrary>], iteration_bounds = array<i64: 32>, scalar_prefetch = 0 : i64, scratch_operands = 0 : i64, tpu.core_type = #tpu.core_type<tc>, window_params = [{transform_indices = @transform_0, window_bounds = array<i64: 128, 128>}, {transform_indices = @transform_1, window_bounds = array<i64: 128, 128>}, {transform_indices = @transform_2, window_bounds = array<i64: 128, 128>}, {transform_indices = @transform_3, window_bounds = array<i64: 1, 128>}, {transform_indices = @transform_4, window_bounds = array<i64: 128, 128>}, {pipeline_mode = #tpu.pipeline_mode<synchronous>, transform_indices = @transform_5, window_bounds = array<i64: 1, 128>}, {pipeline_mode = #tpu.pipeline_mode<synchronous>, transform_indices = @transform_6, window_bounds = array<i64: 128, 128>}, {pipeline_mode = #tpu.pipeline_mode<synchronous>, transform_indices = @transform_7, window_bounds = array<i64: 128, 128>}, {transform_indices = @transform_8, window_bounds = array<i64: 128, 128>}, {transform_indices = @transform_9, window_bounds = array<i64: 128, 128>}, {transform_indices = @transform_10, window_bounds = array<i64: 128, 128>}, {transform_indices = @transform_11, window_bounds = array<i64: 128, 128>}]} {
    %get3A = arith.constant 0 : index
    %get3A_0 = arith.constant 0 : index
    %get3A_1 = vector.load %arg1[%get3A, %get3A_0] : memref<128x128xf32, #tpu.memory_space<vmem>>, vector<128x128xf32>
    %get3A_2 = arith.constant 0 : index
    %get3A_3 = arith.constant 0 : index
    %get3A_4 = vector.load %arg2[%get3A_2, %get3A_3] : memref<128x128xf32, #tpu.memory_space<vmem>>, vector<128x128xf32>
    %add3A = arith.addf %get3A_1, %get3A_4 : vector<128x128xf32>
    %get3A_5 = arith.constant 0 : index
    %get3A_6 = arith.constant 0 : index
    %get3A_7 = vector.load %arg4[%get3A_5, %get3A_6] : memref<1x128xf32, #tpu.memory_space<vmem>>, vector<1x128xf32>
    %get3A_8 = arith.constant 0 : index
    %get3A_9 = arith.constant 0 : index
    %get3A_10 = vector.load %arg3[%get3A_8, %get3A_9] : memref<128x128xf32, #tpu.memory_space<vmem>>, vector<128x128xf32>
    %mul3A = vector.broadcast %get3A_7 : vector<1x128xf32> to vector<128x128xf32>
    %mul3A_11 = arith.mulf %mul3A, %get3A_10 : vector<128x128xf32>
    %add3A_12 = arith.addf %add3A, %mul3A_11 : vector<128x128xf32>
    %get3A_13 = arith.constant 0 : index
    %get3A_14 = arith.constant 0 : index
    %get3A_15 = vector.load %arg7[%get3A_13, %get3A_14] : memref<128x128xf32, #tpu.memory_space<vmem>>, vector<128x128xf32>
    %dot_general3A = arith.constant dense<0.000000e+00> : vector<128x128xf32>
    %dot_general3A_16 = tpu.matmul %add3A_12, %get3A_15, %dot_general3A {dimension_numbers = #tpu.dot_dimension_numbers<[0], [0], [1], [1], [0, 1, 1, 1], [], []>, transpose_lhs_hint = false} : vector<128x128xf32>, vector<128x128xf32>, vector<128x128xf32> -> vector<128x128xf32>
    %get3A_17 = arith.constant 0 : index
    %get3A_18 = arith.constant 0 : index
    %get3A_19 = vector.load %arg6[%get3A_17, %get3A_18] : memref<1x128xf32, #tpu.memory_space<vmem>>, vector<1x128xf32>
    %add3A_20 = vector.broadcast %get3A_19 : vector<1x128xf32> to vector<128x128xf32>
    %add3A_21 = arith.addf %dot_general3A_16, %add3A_20 : vector<128x128xf32>
    %mul3A_22 = arith.constant 0.899999976 : f32
    %mul3A_23 = vector.broadcast %mul3A_22 : f32 to vector<128x128xf32>
    %mul3A_24 = arith.mulf %mul3A_23, %add3A_21 : vector<128x128xf32>
    %get3A_25 = arith.constant 0 : index
    %get3A_26 = arith.constant 0 : index
    %get3A_27 = vector.load %arg5[%get3A_25, %get3A_26] : memref<128x128xf32, #tpu.memory_space<vmem>>, vector<128x128xf32>
    %mul3A_28 = arith.constant 1.000000e-01 : f32
    %mul3A_29 = vector.broadcast %mul3A_28 : f32 to vector<128x128xf32>
    %mul3A_30 = arith.mulf %mul3A_29, %get3A_27 : vector<128x128xf32>
    %add3A_31 = arith.addf %mul3A_24, %mul3A_30 : vector<128x128xf32>
    %swap3A = arith.constant 0 : index
    %swap3A_32 = arith.constant 0 : index
    %swap3A_33 = vector.load %arg10[%swap3A, %swap3A_32] : memref<128x128xf32, #tpu.memory_space<vmem>>, vector<128x128xf32>
    tpu.vector_store %arg10[%swap3A, %swap3A_32], %add3A_31 {strides = array<i32>} : memref<128x128xf32, #tpu.memory_space<vmem>>, vector<128x128xf32>,
    %get3A_34 = arith.constant 0 : index
    %get3A_35 = arith.constant 0 : index
    %get3A_36 = vector.load %arg8[%get3A_34, %get3A_35] : memref<128x128xf32, #tpu.memory_space<vmem>>, vector<128x128xf32>
    %dot_general3A_37 = arith.constant dense<0.000000e+00> : vector<128x128xf32>
    %dot_general3A_38 = tpu.matmul %get3A_36, %add3A_31, %dot_general3A_37 {dimension_numbers = #tpu.dot_dimension_numbers<[1], [1], [0], [0], [0, 0, 1, 0], [], []>, transpose_lhs_hint = false} : vector<128x128xf32>, vector<128x128xf32>, vector<128x128xf32> -> vector<128x128xf32>
    %swap3A_39 = arith.constant 0 : index
    %swap3A_40 = arith.constant 0 : index
    %swap3A_41 = vector.load %arg11[%swap3A_39, %swap3A_40] : memref<128x128xf32, #tpu.memory_space<vmem>>, vector<128x128xf32>
    tpu.vector_store %arg11[%swap3A_39, %swap3A_40], %dot_general3A_38 {strides = array<i32>} : memref<128x128xf32, #tpu.memory_space<vmem>>, vector<128x128xf32>,
    %get3A_42 = arith.constant 0 : index
    %get3A_43 = arith.constant 0 : index
    %get3A_44 = vector.load %arg9[%get3A_42, %get3A_43] : memref<128x128xf32, #tpu.memory_space<vmem>>, vector<128x128xf32>
    %swap3A_45 = arith.constant 0 : index
    %swap3A_46 = arith.constant 0 : index
    %swap3A_47 = vector.load %arg12[%swap3A_45, %swap3A_46] : memref<128x128xf32, #tpu.memory_space<vmem>>, vector<128x128xf32>
    tpu.vector_store %arg12[%swap3A_45, %swap3A_46], %get3A_44 {strides = array<i32>} : memref<128x128xf32, #tpu.memory_space<vmem>>, vector<128x128xf32>,
    return
  }
  func.func @transform_0(%arg0: i32) -> (i32, i32) {
    %c0_i32 = arith.constant 0 : i32
    %c0_i32_0 = arith.constant 0 : i32
    return %c0_i32, %arg0 : i32, i32
  }
  func.func @transform_1(%arg0: i32) -> (i32, i32) {
    %c0_i32 = arith.constant 0 : i32
    %c0_i32_0 = arith.constant 0 : i32
    return %c0_i32, %arg0 : i32, i32
  }
  func.func @transform_2(%arg0: i32) -> (i32, i32) {
    %c0_i32 = arith.constant 0 : i32
    %c0_i32_0 = arith.constant 0 : i32
    return %c0_i32, %arg0 : i32, i32
  }
  func.func @transform_3(%arg0: i32) -> (i32, i32) {
    %c0_i32 = arith.constant 0 : i32
    %c0_i32_0 = arith.constant 0 : i32
    return %c0_i32, %arg0 : i32, i32
  }
  func.func @transform_4(%arg0: i32) -> (i32, i32) {
    %c0_i32 = arith.constant 0 : i32
    %c0_i32_0 = arith.constant 0 : i32
    return %arg0, %c0_i32 : i32, i32
  }
  func.func @transform_5(%arg0: i32) -> (i32, i32) {
    %c0_i32 = arith.constant 0 : i32
    %c0_i32_0 = arith.constant 0 : i32
    %c0_i32_1 = arith.constant 0 : i32
    return %c0_i32, %c0_i32_0 : i32, i32
  }
  func.func @transform_6(%arg0: i32) -> (i32, i32) {
    %c0_i32 = arith.constant 0 : i32
    %c0_i32_0 = arith.constant 0 : i32
    %c0_i32_1 = arith.constant 0 : i32
    return %c0_i32, %c0_i32_0 : i32, i32
  }
  func.func @transform_7(%arg0: i32) -> (i32, i32) {
    %c0_i32 = arith.constant 0 : i32
    %c0_i32_0 = arith.constant 0 : i32
    %c0_i32_1 = arith.constant 0 : i32
    return %c0_i32, %c0_i32_0 : i32, i32
  }
  func.func @transform_8(%arg0: i32) -> (i32, i32) {
    %c0_i32 = arith.constant 0 : i32
    %c0_i32_0 = arith.constant 0 : i32
    return %arg0, %c0_i32 : i32, i32
  }
  func.func @transform_9(%arg0: i32) -> (i32, i32) {
    %c0_i32 = arith.constant 0 : i32
    %c0_i32_0 = arith.constant 0 : i32
    return %arg0, %c0_i32 : i32, i32
  }
  func.func @transform_10(%arg0: i32) -> (i32, i32) {
    %c0_i32 = arith.constant 0 : i32
    %c0_i32_0 = arith.constant 0 : i32
    return %c0_i32, %arg0 : i32, i32
  }
  func.func @transform_11(%arg0: i32) -> (i32, i32) {
    %c0_i32 = arith.constant 0 : i32
    %c0_i32_0 = arith.constant 0 : i32
    return %arg0, %c0_i32 : i32, i32
  }
}

module attributes {stable_mosaic.version = 14 : i64} {
  func.func @_scomb_fin_body(%arg0: i32, %arg1: memref<128x128xf32, #tpu.memory_space<vmem>>, %arg2: memref<128x128xf32, #tpu.memory_space<vmem>>, %arg3: memref<128x128xf32, #tpu.memory_space<vmem>>, %arg4: memref<1x128xf32, #tpu.memory_space<vmem>>, %arg5: memref<128x128xf32, #tpu.memory_space<vmem>>, %arg6: memref<1x128xf32, #tpu.memory_space<vmem>>, %arg7: memref<128x128xf32, #tpu.memory_space<vmem>>, %arg8: memref<128x128xf32, #tpu.memory_space<vmem>>, %arg9: memref<128x128xf32, #tpu.memory_space<vmem>>) attributes {dimension_semantics = [#tpu.dimension_semantics<arbitrary>], iteration_bounds = array<i64: 32>, scalar_prefetch = 0 : i64, scratch_operands = 0 : i64, tpu.core_type = #tpu.core_type<tc>, window_params = [{transform_indices = @transform_0, window_bounds = array<i64: 128, 128>}, {transform_indices = @transform_1, window_bounds = array<i64: 128, 128>}, {transform_indices = @transform_2, window_bounds = array<i64: 128, 128>}, {transform_indices = @transform_3, window_bounds = array<i64: 1, 128>}, {transform_indices = @transform_4, window_bounds = array<i64: 128, 128>}, {pipeline_mode = #tpu.pipeline_mode<synchronous>, transform_indices = @transform_5, window_bounds = array<i64: 1, 128>}, {pipeline_mode = #tpu.pipeline_mode<synchronous>, transform_indices = @transform_6, window_bounds = array<i64: 128, 128>}, {transform_indices = @transform_7, window_bounds = array<i64: 128, 128>}, {transform_indices = @transform_8, window_bounds = array<i64: 128, 128>}]} {
    %get3A = arith.constant 0 : index
    %get3A_0 = arith.constant 0 : index
    %get3A_1 = vector.load %arg1[%get3A, %get3A_0] : memref<128x128xf32, #tpu.memory_space<vmem>>, vector<128x128xf32>
    %get3A_2 = arith.constant 0 : index
    %get3A_3 = arith.constant 0 : index
    %get3A_4 = vector.load %arg2[%get3A_2, %get3A_3] : memref<128x128xf32, #tpu.memory_space<vmem>>, vector<128x128xf32>
    %add3A = arith.addf %get3A_1, %get3A_4 : vector<128x128xf32>
    %get3A_5 = arith.constant 0 : index
    %get3A_6 = arith.constant 0 : index
    %get3A_7 = vector.load %arg4[%get3A_5, %get3A_6] : memref<1x128xf32, #tpu.memory_space<vmem>>, vector<1x128xf32>
    %get3A_8 = arith.constant 0 : index
    %get3A_9 = arith.constant 0 : index
    %get3A_10 = vector.load %arg3[%get3A_8, %get3A_9] : memref<128x128xf32, #tpu.memory_space<vmem>>, vector<128x128xf32>
    %mul3A = vector.broadcast %get3A_7 : vector<1x128xf32> to vector<128x128xf32>
    %mul3A_11 = arith.mulf %mul3A, %get3A_10 : vector<128x128xf32>
    %add3A_12 = arith.addf %add3A, %mul3A_11 : vector<128x128xf32>
    %get3A_13 = arith.constant 0 : index
    %get3A_14 = arith.constant 0 : index
    %get3A_15 = vector.load %arg7[%get3A_13, %get3A_14] : memref<128x128xf32, #tpu.memory_space<vmem>>, vector<128x128xf32>
    %dot_general3A = arith.constant dense<0.000000e+00> : vector<128x128xf32>
    %dot_general3A_16 = tpu.matmul %add3A_12, %get3A_15, %dot_general3A {dimension_numbers = #tpu.dot_dimension_numbers<[0], [0], [1], [1], [0, 1, 1, 1], [], []>, transpose_lhs_hint = false} : vector<128x128xf32>, vector<128x128xf32>, vector<128x128xf32> -> vector<128x128xf32>
    %get3A_17 = arith.constant 0 : index
    %get3A_18 = arith.constant 0 : index
    %get3A_19 = vector.load %arg6[%get3A_17, %get3A_18] : memref<1x128xf32, #tpu.memory_space<vmem>>, vector<1x128xf32>
    %add3A_20 = vector.broadcast %get3A_19 : vector<1x128xf32> to vector<128x128xf32>
    %add3A_21 = arith.addf %dot_general3A_16, %add3A_20 : vector<128x128xf32>
    %mul3A_22 = arith.constant 0.899999976 : f32
    %mul3A_23 = vector.broadcast %mul3A_22 : f32 to vector<128x128xf32>
    %mul3A_24 = arith.mulf %mul3A_23, %add3A_21 : vector<128x128xf32>
    %get3A_25 = arith.constant 0 : index
    %get3A_26 = arith.constant 0 : index
    %get3A_27 = vector.load %arg5[%get3A_25, %get3A_26] : memref<128x128xf32, #tpu.memory_space<vmem>>, vector<128x128xf32>
    %mul3A_28 = arith.constant 1.000000e-01 : f32
    %mul3A_29 = vector.broadcast %mul3A_28 : f32 to vector<128x128xf32>
    %mul3A_30 = arith.mulf %mul3A_29, %get3A_27 : vector<128x128xf32>
    %add3A_31 = arith.addf %mul3A_24, %mul3A_30 : vector<128x128xf32>
    %get3A_32 = arith.constant 0 : index
    %get3A_33 = arith.constant 0 : index
    %get3A_34 = vector.load %arg8[%get3A_32, %get3A_33] : memref<128x128xf32, #tpu.memory_space<vmem>>, vector<128x128xf32>
    %add3A_35 = arith.addf %add3A_31, %get3A_34 : vector<128x128xf32>
    %swap3A = arith.constant 0 : index
    %swap3A_36 = arith.constant 0 : index
    %swap3A_37 = vector.load %arg9[%swap3A, %swap3A_36] : memref<128x128xf32, #tpu.memory_space<vmem>>, vector<128x128xf32>
    tpu.vector_store %arg9[%swap3A, %swap3A_36], %add3A_35 {strides = array<i32>} : memref<128x128xf32, #tpu.memory_space<vmem>>, vector<128x128xf32>,
    return
  }
  func.func @transform_0(%arg0: i32) -> (i32, i32) {
    %c0_i32 = arith.constant 0 : i32
    %c0_i32_0 = arith.constant 0 : i32
    return %c0_i32, %arg0 : i32, i32
  }
  func.func @transform_1(%arg0: i32) -> (i32, i32) {
    %c0_i32 = arith.constant 0 : i32
    %c0_i32_0 = arith.constant 0 : i32
    return %c0_i32, %arg0 : i32, i32
  }
  func.func @transform_2(%arg0: i32) -> (i32, i32) {
    %c0_i32 = arith.constant 0 : i32
    %c0_i32_0 = arith.constant 0 : i32
    return %c0_i32, %arg0 : i32, i32
  }
  func.func @transform_3(%arg0: i32) -> (i32, i32) {
    %c0_i32 = arith.constant 0 : i32
    %c0_i32_0 = arith.constant 0 : i32
    return %c0_i32, %arg0 : i32, i32
  }
  func.func @transform_4(%arg0: i32) -> (i32, i32) {
    %c0_i32 = arith.constant 0 : i32
    %c0_i32_0 = arith.constant 0 : i32
    return %arg0, %c0_i32 : i32, i32
  }
  func.func @transform_5(%arg0: i32) -> (i32, i32) {
    %c0_i32 = arith.constant 0 : i32
    %c0_i32_0 = arith.constant 0 : i32
    %c0_i32_1 = arith.constant 0 : i32
    return %c0_i32, %c0_i32_0 : i32, i32
  }
  func.func @transform_6(%arg0: i32) -> (i32, i32) {
    %c0_i32 = arith.constant 0 : i32
    %c0_i32_0 = arith.constant 0 : i32
    %c0_i32_1 = arith.constant 0 : i32
    return %c0_i32, %c0_i32_0 : i32, i32
  }
  func.func @transform_7(%arg0: i32) -> (i32, i32) {
    %c0_i32 = arith.constant 0 : i32
    %c0_i32_0 = arith.constant 0 : i32
    return %arg0, %c0_i32 : i32, i32
  }
  func.func @transform_8(%arg0: i32) -> (i32, i32) {
    %c0_i32 = arith.constant 0 : i32
    %c0_i32_0 = arith.constant 0 : i32
    return %arg0, %c0_i32 : i32, i32
  }
}

</mosaic_0001>

<sc_bundles>
// kernel: kernel.18.cloned.1.call-start
scs
__scs_entry_jumppad:
0x0: {  	(pc) =	sbr.rel $0x88, $3  }
0x1: {  	(tag) =	ssettag $0x0;
	lr =	simm.s32 $0x1  }
0x2: {  	[smem:$0x3F90] =	sst lr;
	_ =	strace $0xD0000000  }
0x3: {  	_ = 	snop  }
0x4: {  	_ = 	snop  }
0x5: {  	_ = 	snop  }
0x6: {  	_ = 	snop  }
0x7: {  	_ = 	snop  }
__scs_overlays_trampoline_lowered:
0x8: {  	[smem:$0x3F9F] =	sst s0  }
0x9: {  	[smem:$0x3FA0] =	sst s1  }
0xa: {  	[smem:$0x3FA1] =	sst s2  }
0xb: {  	[smem:$0x3FA2] =	sst s3  }
0xc: {  	[smem:$0x3FA3] =	sst s4  }
0xd: {  	[smem:$0x3FA4] =	sst s5  }
0xe: {  	[smem:$0x3FA5] =	sst s6  }
0xf: {  	[smem:$0x3FA6] =	sst s7  }
0x10: {  	[smem:$0x3FA7] =	sst s8  }
0x11: {  	[smem:$0x3FA8] =	sst s9;
	s0 =	simm.s32 @!p0 $0x0  }
0x12: {  	s1 =	sld [smem:$0x3F8E];
	s0 =	simm.s32 @p0 $0x1  }
0x13: {  	[smem:$0x3FA9] =	sst s0;
	s0 =	simm.s32 @!p1 $0x0  }
0x14: {  	s2 =	sld [smem:$0x3F8D];
	s0 =	simm.s32 @p1 $0x1  }
0x15: {  	[smem:$0x3FAA] =	sst s0;
	s0 =	simm.s32 @!p2 $0x0  }
0x16: {  	s3 =	sld [smem:$0x3FDB];
	s0 =	simm.s32 @p2 $0x1  }
0x17: {  	s4 =	simm.s32 $0x1BF5;
	[smem:$0x3FAC] =	sst s0  }
0x18: {  	s0 =	sld [smem:$0x3F8F];
	_ =	swait.ge [sflag:s4], $0x0  }
0x19: {  	s7 =	sld [smem:$0x3F90]  }
0x1a: {  	s8 =	sadd.s32 $0xFFFFE003, lr  }
0x1b: {  	s9 =	sadd.s32 $0xFFFFFEF7, lr;
	s5 =	simm.s32 $0xFFFFFFFF;
	p2 =	slt.u32 s8, $0xFFFFF086  }
0x1c: {  	p1 =	slt.u32 s9, $0xF7A;
	s5 =	simm.s32 @!p2 $0x0  }
0x1d: {  	s5 =	simm.s32 @p1 $0x1;
	p0 =	seq.s32 s7, s2  }
0x1e: {  	s7 =	smul.u32 @!p0 $0xF7A, s2;
	p2 =	seq.s32 @!p0 s5, $0x0  }
0x1f: {  	s9 =	smul.u32 $0xF7A, s1;
	s8 =	simm.s32 @!p0 $0x1BF5;
	p2 =	por !p2, p0  }
0x20: {  	[sflag:s8] =	ssyncset.s32 @!p0 $0xFFFFF086;
	s6 =	sadd.s32 @!p0 s3, s7;
	s7 =	simm.s32 @!p0 $0x108  }
0x21: {  	s3 =	sadd.s32 s3, s9;
	s6 =	sadd.s32 @!p0 $0x88, s6;
	s7 =	simm.s32 @p2 $0x1082  }
0x22: {  	[simem:s7], [sflag:s8] =	dma.local @!p0 [hbm:s6], $0xF7A  }
0x23: {  	s9 =	sor.u32 $0xD0000000, s2;
	s6 =	simm.s32 $0x108;
	_ =	swait.ge @!p0 [sflag:s8], $0x0  }
0x24: {  	s3 =	sadd.s32 $0x88, s3;
	s6 =	simm.s32 @!p1 $0x1082;
	[sflag:s4] =	ssyncset.s32 $0xFFFFF086  }
0x25: {  	[simem:s6], [sflag:s4] =	dma.local [hbm:s3], $0xF7A  }
0x26: {  	[smem:$0x3F90] =	sst s1;
	(tag) =	ssettag s2;
	_ =	strace s9  }
0x27: {  	s1 =	sld [smem:$0x3FA0]  }
0x28: {  	s2 =	sld [smem:$0x3FA1]  }
0x29: {  	s4 =	sld [smem:$0x3FA3]  }
0x2a: {  	p0 =	seq.s32 s5, $0x0;
	s5 =	sld [smem:$0x3FA4]  }
0x2b: {  	s6 =	sld [smem:$0x3FA5]  }
0x2c: {  	s7 =	sld [smem:$0x3FA6]  }
0x2d: {  	s3 =	simm.s32 $0x108;
	s8 =	sld [smem:$0x3FA7]  }
0x2e: {  	s3 =	simm.s32 @!p0 $0x1082;
	s9 =	sld [smem:$0x3FA8]  }
0x2f: {  	lr =	sadd.s32 s0, s3;
	s0 =	sld [smem:$0x3F9F]  }
0x30: {  	s3 =	sld [smem:$0x3FA2]  }
0x31: {  	[smem:$0x3FAB] =	sst s10  }
0x32: {  	s10 =	sld [smem:$0x3FA9];
	_ =	sdelay $0x3  }
0x33: {  	p0 =	seq.s32 s10, $0x1;
	s10 =	sld [smem:$0x3FAB];
	_ =	sdelay $0x3  }
0x34: {  	[smem:$0x3FAB] =	sst s10  }
0x35: {  	s10 =	sld [smem:$0x3FAA];
	_ =	sdelay $0x3  }
0x36: {  	p1 =	seq.s32 s10, $0x1;
	s10 =	sld [smem:$0x3FAB];
	_ =	sdelay $0x3  }
0x37: {  	[smem:$0x3FAB] =	sst s10  }
0x38: {  	s10 =	sld [smem:$0x3FAC]  }
0x39: {  	_ = 	snop;
	(pc) =	sbr.ind lr, $3  }
0x3a: {  	_ = 	snop  }
0x3b: {  	_ = 	snop  }
0x3c: {  	p2 =	seq.s32 s10, $0x1;
	s10 =	sld [smem:$0x3FAB]  }
0x3d: {  	_ =	shalt  }
0x3e: {  	_ =	shalt  }
0x3f: {  	_ =	shalt  }
0x40: {  	_ =	shalt  }
0x41: {  	_ =	shalt  }
0x42: {  	_ =	shalt  }
0x43: {  	_ =	shalt  }
0x44: {  	_ =	shalt  }
0x45: {  	_ =	shalt  }
0x46: {  	_ =	shalt  }
0x47: {  	_ =	shalt  }
0x48: {  	_ =	shalt  }
0x49: {  	_ =	shalt  }
0x4a: {  	_ =	shalt  }
0x4b: {  	_ =	shalt  }
0x4c: {  	_ =	shalt  }
0x4d: {  	_ =	shalt  }
0x4e: {  	_ =	shalt  }
0x4f: {  	_ =	shalt  }
0x50: {  	_ =	shalt  }
0x51: {  	_ =	shalt  }
0x52: {  	_ =	shalt  }
0x53: {  	_ =	shalt  }
0x54: {  	_ =	shalt  }
0x55: {  	_ =	shalt  }
0x56: {  	_ =	shalt  }
0x57: {  	_ =	shalt  }
0x58: {  	_ =	shalt  }
0x59: {  	_ =	shalt  }
0x5a: {  	_ =	shalt  }
0x5b: {  	_ =	shalt  }
0x5c: {  	_ =	shalt  }
0x5d: {  	_ =	shalt  }
0x5e: {  	_ =	shalt  }
0x5f: {  	_ =	shalt  }
0x60: {  	_ =	shalt  }
0x61: {  	_ =	shalt  }
0x62: {  	_ =	shalt  }
0x63: {  	_ =	shalt  }
0x64: {  	_ =	shalt  }
0x65: {  	_ =	shalt  }
0x66: {  	_ =	shalt  }
0x67: {  	_ =	shalt  }
0x68: {  	_ =	shalt  }
0x69: {  	_ =	shalt  }
0x6a: {  	_ =	shalt  }
0x6b: {  	_ =	shalt  }
0x6c: {  	_ =	shalt  }
0x6d: {  	_ =	shalt  }
0x6e: {  	_ =	shalt  }
0x6f: {  	_ =	shalt  }
0x70: {  	_ =	shalt  }
0x71: {  	_ =	shalt  }
0x72: {  	_ =	shalt  }
0x73: {  	_ =	shalt  }
0x74: {  	_ =	shalt  }
0x75: {  	_ =	shalt  }
0x76: {  	_ =	shalt  }
0x77: {  	_ =	shalt  }
0x78: {  	_ =	shalt  }
0x79: {  	_ =	shalt  }
0x7a: {  	_ =	shalt  }
0x7b: {  	_ =	shalt  }
0x7c: {  	_ =	shalt  }
0x7d: {  	_ =	shalt  }
0x7e: {  	_ =	shalt  }
0x7f: {  	_ =	shalt  }
0x80: {  	_ =	shalt  }
0x81: {  	_ =	shalt  }
0x82: {  	_ =	shalt  }
0x83: {  	_ =	shalt  }
0x84: {  	_ =	shalt  }
0x85: {  	_ =	shalt  }
0x86: {  	_ =	shalt  }
0x87: {  	_ =	shalt  }
.Lfunc_end0:
.L_simem_size_0:
called_computation_lowered:
.L_overlay_start_0:
0x88: {  	s2 =	sld [smem:$0x3FD9]  }
0x89: {  	s3 =	sld [smem:$0x3FFE];
	_ =	sdelay $0x1  }
0x8a: {  	s1 =	srdreg.scid  }
0x8b: {  	s0 =	sand.u32 $0x1, s1  }
0x8c: {  	s14 =	sshll.u32 s0, $0xA;
	s2 =	sadd.s32 s3, s2  }
0x8d: {  	s2 =	sadd.s32 s2, s14  }
0x8e: {  	[smem:$0x3FB7] =	sst s2  }
0x8f: {  	_ = 	snop  }
0x90: {  	s2 =	sld [smem:$0x3FD0];
	_ =	sdelay $0x2  }
0x91: {  	s4 =	simm.s32 $0xA;
	s5 =	simm.s32 $0x10;
	s15 =	sld [smem:$0x3FC5]  }
0x92: {  	[smem:s5], [sflag:s4] =	dma.local [hbm:s2], $0x1  }
0x93: {  	_ =	swait.eq [sflag:s4], $0x1  }
0x94: {  	[sflag:s4] =	ssyncset.done $0x0  }
0x95: {  	[sflag:s4] =	ssyncadd.s32 $0xFFFFFFFF  }
0x96: {  	s16 =	sld [smem:$0x11];
	(tm) =	ssettm $0x1  }
0x97: {  	s17 =	sld [smem:$0x3FFB];
	_ =	sdelay $0x3  }
0x98: {  	_ =	strace s17  }
0x99: {  	s4 =	sld [smem:$0x3FFC];
	_ =	sdelay $0x3  }
0x9a: {  	_ =	strace s4  }
0x9b: {  	s4 =	sld [smem:$0x3FFD];
	_ =	sdelay $0x3  }
0x9c: {  	_ =	strace s4  }
0x9d: {  	_ =	strace $0x8FFFFFFF  }
0x9e: {  	s18 =	sld [smem:$0x3FDB];
	_ =	sdelay $0x1  }
0x9f: {  	s19 =	simm.s32 $_scs_section_size  }
0xa0: {  	s6 =	simm.s32 $_size__tile_overlayer_lowered;
	s7 =	simm.s32 $_tile_overlayer_lowered  }
0xa1: {  	s22 =	simm.s32 $0x1BFF;
	s21 =	sshll.u32 s7, $0x1;
	s4 =	sadd.s32 s19, s18  }
0xa2: {  	s8 =	simm.s32 $0x0;
	s20 =	sshll.u32 s6, $0x1;
	s6 =	sadd.s32 s21, s4  }
0xa3: {  	[timem:s8], [sflag:s22] =	dma.local [hbm:s6], s20  }
0xa4: {  	_ =	swait.ge [sflag:s22], s20  }
0xa5: {  	s5 =	ssub.s32 $0x0, s20;
	[sflag:s22] =	ssyncset.done $0x0  }
0xa6: {  	[sflag:s22] =	ssyncadd.s32 s5;
	_ =	sdelay $0x1  }
0xa7: {  	s23 =	simm.s32 $0x1B8B  }
0xa8: {  	_ =	swait.ge [sflag:s23], $0x1  }
0xa9: {  	[sflag:s23] =	ssyncset.done $0x0  }
0xaa: {  	s25 =	simm.s32 $0x1B8E;
	s24 =	sld [smem:$0x3FFE];
	[sflag:s23] =	ssyncadd.s32 $0xFFFFFFFF  }
0xab: {  	s26 =	simm.s32 $execute0_lowered;
	[smem:$0x3FD2] =	sst s25  }
0xac: {  	s6 =	sshll.u32 s26, $0x1;
	_ =	strace $0x80000046;
	[dreg:$0x1] =	wrdreg $0xFFFFFFFF  }
0xad: {  	s28 =	simm.s32 $_size_execute0_lowered;
	s4 =	sadd.s32 s4, s6;
	[dreg:$0x0] =	wrdreg $0x0  }
0xae: {  	s6 =	sshll.u32 s28, $0x1;
	[dreg:$0x2] =	wrdreg s4  }
0xaf: {  	[dreg:$0x3] =	wrdreg s6  }
0xb0: {  	[dreg:$0x4] =	wrdreg $0xC0  }
0xb1: {  	_ =	task [dreg:s8], $0x5FFFF  }
0xb2: {  	[dreg:$0x1] =	wrdreg $0xFFFFFFFF  }
0xb3: {  	[dreg:$0x0] =	wrdreg $0x60  }
0xb4: {  	[dreg:$0x2] =	wrdreg s24  }
0xb5: {  	[dreg:$0x3] =	wrdreg s15  }
0xb6: {  	[dreg:$0x4] =	wrdreg s16  }
0xb7: {  	[dreg:$0x5] =	wrdreg $0x9  }
0xb8: {  	_ =	task.clear_ibuf [dreg:s8], $0x6FFFF;
	_ =	strace $0x90000046  }
0xb9: {  	s29 =	simm.s32 $0x9;
	_ =	strace $0x80000048  }
0xba: {  	_ =	swait.ge [sflag:s29], $0x1  }
0xbb: {  	[sflag:s29] =	ssyncadd.s32 $0xFFFFFFFF  }
0xbc: {  	_ =	strace $0x90000048  }
0xbd: {  	_ =	sfence  }
0xbe: {  	s30 =	sld [smem:$0x0];
	_ =	sdelay $0x2  }
0xbf: {  	s31 =	sshll.u32 s1, $0xD;
	s1 =	sshrl.u32 s1, $0x2  }
0xc0: {  	s3 =	sand.u32 $0x4000, s31;
	s1 =	sadd.s32 s1, s30  }
0xc1: {  	s0 =	sor.u32 s3, s0;
	s1 =	sshll.u32 s1, $0x11  }
0xc2: {  	s0 =	sor.u32 s1, s0  }
0xc3: {  	s0 =	sadd.s32 $0x8F2B, s0  }
0xc4: {  	[sflag:s0] =	ssyncadd.remote.s32 $0x1  }
0xc5: {  	_ =	sfence.sel $0xFFFF  }
0xc6: {  	[dreg:$0x0] =	wrdreg $0xFFFFFFFF;
	(pc) =	sbr.abs _section_cstart, $3  }
0xc7: {  	[dreg:$0x1] =	wrdreg $0xFFFFFFFF  }
0xc8: {  	_ =	task.clear_ibuf [dreg:s8], $0x2FFFF;
	_ =	strace $0x9FFFFFFF  }
0xc9: {  	(tm) =	ssettm $0x7FFFFFFF  }
tec
execute0_lowered:
.L_overlay_start_1:
0x0: {  	(tag) =	ssettag $0x1  }
0x1: {  	s3 =	rddreg [dreg:$0x0]  }
0x2: {  	s4 =	rddreg [dreg:$0x1]  }
0x3: {  	s5 =	rddreg [dreg:$0x2]  }
0x4: {  	s0 =	rddreg [dreg:$0x3];
	s6 =	srdreg.scid  }
0x5: {  	s1 =	stileid.u32;
	s2 =	simm.s32 $0x0;
	s11 =	simm.s32 $0x400  }
0x6: {  	s12 =	simm.s32 $0x0;
	s6 =	sand.u32 $0x1, s6;
	s7 =	sshll.u32 s1, $0x1  }
0x7: {  	[smem:$0x7FF] =	sst s2;
	s10 =	sshll.u32 s1, $0xA;
	s7 =	sor.u32 s6, s7  }
0x8: {  	_ =	strace $0x80000047;
	s6 =	ssub.s32 $0x2, s6;
	s31 =	sand.u32 $0x3000, s10  }
0x9: {  	s10 =	simm.s32 $0x80;
	s8 =	sshll.u32 s7, $0x9;
	s9 =	sshrl.u32 s6, $0x1  }
0xa: {  	s7 =	sshll.u32 s7, $0x4;
	s5 =	sadd.s32 s5, s31;
	s3 =	sadd.s32 s8, s3  }
0xb: {  	s6 =	ssub.s32 s6, s9;
	s7 =	sand.u32 $0x70, s7;
	s4 =	sadd.s32 s4, s8  }
0xc: {  	s8 =	simm.s32 $0x1000;
	s9 =	simm.s32 $0x2000;
	s3 =	sadd.s32 $0x5600, s3  }
0xd: {  	v0 =	vimm.f32 $0.0e+00;
	s5 =	sadd.s32 s7, s5;
	s6 =	smax.u32 s6, $0x1;
	s7 =	simm.s32 $0x1  }
.LBB2_1:
0xe: {  	[tilespmem:s2], [sflag:$0x1] =	stream.linear.gather [hbm4b:s3+s2], $0x1000, $0x38;
	[tilespmem:$0x3000] =	vst v63  }
0xf: {  	_ =	swait.ge [sflag:s7], $0x1000  }
0x10: {  	[sflag:s7] =	ssyncset.done $0x0  }
0x11: {  	[sflag:s7] =	ssyncadd.s32 $0xFFFFF000  }
0x12: {  	[tilespmem:s8], [sflag:$0x1] =	stream.linear.gather [hbm4b:s4+s2], $0x1000, $0x38;
	[tilespmem:$0x3000] =	vst v63  }
0x13: {  	_ =	swait.ge [sflag:s7], $0x1000  }
0x14: {  	[sflag:s7] =	ssyncset.done $0x0  }
0x15: {  	s13 =	simm.s32 $0x0;
	[sflag:s7] =	ssyncadd.s32 $0xFFFFF000  }
.LBB2_2:
0x16: {  	p0 =	sne.s32 s13, $0x3FC0  }
.Ltmp0:
0x17: {  	_ = 	snop;
	(pc) =	sbr.rel @p0 .LBB2_2-.Ltmp0, $3  }
0x18: {  	_ =	sdelay $0x1  }
0x19: {  	s14 =	sshra.s32 s13, $0x2  }
0x1a: {  	s13 =	sadd.s32 $0x40, s13;
	[tilespmem:s14+$0x2000] =	vst v0  }
0x1b: {  	s14 =	simm.s32 $0x0;
	s13 =	simm.s32 $0x40  }
.LBB2_4:
0x1c: {  	p0 =	sne.s32 s13, $0x3FC0;
	v1 =	vld [tilespmem:s14+$0x0];
	_ =	sdelay $0x2  }
0x1d: {  	v2 =	vld [tilespmem:s14+$0x1000]  }
.Ltmp1:
0x1e: {  	(pc) =	sbr.rel @p0 .LBB2_4-.Ltmp1, $2  }
0x1f: {  	_ =	sdelay $0x2  }
0x20: {  	s14 =	sshra.s32 s13, $0x2;
	s13 =	sadd.s32 $0x40, s13;
	[tilespmem:v1+s9+$0x0] =	vst.idx.add.f32.msk $0xffff, v2  }
0x21: {  	v1 =	vld [tilespmem:s14+$0x0];
	_ =	sdelay $0x2  }
0x22: {  	v2 =	vld [tilespmem:s14+$0x1000];
	_ =	sdelay $0x2  }
0x23: {  	s12 =	sadd.s32 $0x1, s12  }
0x24: {  	p0 =	sne.s32 s12, s6  }
.Ltmp2:
0x25: {  	[tilespmem:v1+s9+$0x0] =	vst.idx.add.f32.msk $0xffff, v2;
	(pc) =	sbr.rel @p0 .LBB2_1-.Ltmp2, $4  }
0x26: {  	[hbm4b:s5+s10] =	stream.strided.scatter [tilespmem:s9], [sflag:$0x1], $0x1000, s11, s10, $0x38;
	[tilespmem:$0x3000] =	vst v63  }
0x27: {  	_ =	swait.ge [sflag:s7], $0x1000  }
0x28: {  	[sflag:s7] =	ssyncset.done $0x0  }
0x29: {  	[sflag:s7] =	ssyncadd.s32 $0xFFFFF000  }
0x2a: {  	_ =	sfence.sel $0x180000  }
0x2b: {  	[bflag:$0x0] =	sbarrier.arrive $0xFFFF  }
0x2c: {  	p0 =	sne.s32 s1, $0x0;
	_ =	strace $0x90000047  }
0x2d: {  	s0 =	sadd.s32 @!p0 $0x100000, s0;
	[bflag:$0x2] =	sbarrier.arrive $0xFFFF  }
0x2e: {  	[sflag:s0] =	ssyncadd.tile.s32 @!p0 $0x1;
	_ =	shalt  }
.Lfunc_end2:
_tile_overlayer_lowered:
.L_overlay_start_2:
0x2f: {  	(tag) =	ssettag $0x2  }
0x30: {  	s0 =	rddreg [dreg:$0x0];
	s2 =	stileid.u32  }
0x31: {  	s1 =	rddreg [dreg:$0x1];
	p0 =	sne.s32 s2, $0x0  }
0x32: {  	s3 =	rddreg [dreg:$0x2];
	[bflag:$0x3] =	sbarrier.arrive $0xFFFF;
	s2 =	simm.s32 @!p0 $0x1C01  }
0x33: {  	[timem:s3], [sflag:s2] =	dma.local @!p0 [hbm:s0], s1  }
0x34: {  	s0 =	simm.s32 @!p0 $0x1  }
0x35: {  	_ =	swait.ge @!p0 [sflag:s0], s1  }
0x36: {  	s1 =	ssub.s32 @!p0 $0x0, s1;
	[sflag:s0] =	ssyncset.done @!p0 $0x0  }
0x37: {  	[sflag:s0] =	ssyncadd.s32 @!p0 s1  }
0x38: {  	[bflag:$0x3] =	sbarrier.arrive $0xFFFF  }
0x39: {  	_ =	shalt  }

// kernel: kernel.21.cloned.1.call-start
scs
__scs_entry_jumppad:
0x0: {  	(pc) =	sbr.rel $0x88, $3  }
0x1: {  	(tag) =	ssettag $0x0;
	lr =	simm.s32 $0x1  }
0x2: {  	[smem:$0x3F90] =	sst lr;
	_ =	strace $0xD0000000  }
0x3: {  	_ = 	snop  }
0x4: {  	_ = 	snop  }
0x5: {  	_ = 	snop  }
0x6: {  	_ = 	snop  }
0x7: {  	_ = 	snop  }
__scs_overlays_trampoline_lowered:
0x8: {  	[smem:$0x3F9F] =	sst s0  }
0x9: {  	[smem:$0x3FA0] =	sst s1  }
0xa: {  	[smem:$0x3FA1] =	sst s2  }
0xb: {  	[smem:$0x3FA2] =	sst s3  }
0xc: {  	[smem:$0x3FA3] =	sst s4  }
0xd: {  	[smem:$0x3FA4] =	sst s5  }
0xe: {  	[smem:$0x3FA5] =	sst s6  }
0xf: {  	[smem:$0x3FA6] =	sst s7  }
0x10: {  	[smem:$0x3FA7] =	sst s8  }
0x11: {  	[smem:$0x3FA8] =	sst s9;
	s0 =	simm.s32 @!p0 $0x0  }
0x12: {  	s1 =	sld [smem:$0x3F8E];
	s0 =	simm.s32 @p0 $0x1  }
0x13: {  	[smem:$0x3FA9] =	sst s0;
	s0 =	simm.s32 @!p1 $0x0  }
0x14: {  	s2 =	sld [smem:$0x3F8D];
	s0 =	simm.s32 @p1 $0x1  }
0x15: {  	[smem:$0x3FAA] =	sst s0;
	s0 =	simm.s32 @!p2 $0x0  }
0x16: {  	s3 =	sld [smem:$0x3FDB];
	s0 =	simm.s32 @p2 $0x1  }
0x17: {  	s4 =	simm.s32 $0x1BF5;
	[smem:$0x3FAC] =	sst s0  }
0x18: {  	s0 =	sld [smem:$0x3F8F];
	_ =	swait.ge [sflag:s4], $0x0  }
0x19: {  	s7 =	sld [smem:$0x3F90]  }
0x1a: {  	s8 =	sadd.s32 $0xFFFFE003, lr  }
0x1b: {  	s9 =	sadd.s32 $0xFFFFFEF7, lr;
	s5 =	simm.s32 $0xFFFFFFFF;
	p2 =	slt.u32 s8, $0xFFFFF086  }
0x1c: {  	p1 =	slt.u32 s9, $0xF7A;
	s5 =	simm.s32 @!p2 $0x0  }
0x1d: {  	s5 =	simm.s32 @p1 $0x1;
	p0 =	seq.s32 s7, s2  }
0x1e: {  	s7 =	smul.u32 @!p0 $0xF7A, s2;
	p2 =	seq.s32 @!p0 s5, $0x0  }
0x1f: {  	s9 =	smul.u32 $0xF7A, s1;
	s8 =	simm.s32 @!p0 $0x1BF5;
	p2 =	por !p2, p0  }
0x20: {  	[sflag:s8] =	ssyncset.s32 @!p0 $0xFFFFF086;
	s6 =	sadd.s32 @!p0 s3, s7;
	s7 =	simm.s32 @!p0 $0x108  }
0x21: {  	s3 =	sadd.s32 s3, s9;
	s6 =	sadd.s32 @!p0 $0x88, s6;
	s7 =	simm.s32 @p2 $0x1082  }
0x22: {  	[simem:s7], [sflag:s8] =	dma.local @!p0 [hbm:s6], $0xF7A  }
0x23: {  	s9 =	sor.u32 $0xD0000000, s2;
	s6 =	simm.s32 $0x108;
	_ =	swait.ge @!p0 [sflag:s8], $0x0  }
0x24: {  	s3 =	sadd.s32 $0x88, s3;
	s6 =	simm.s32 @!p1 $0x1082;
	[sflag:s4] =	ssyncset.s32 $0xFFFFF086  }
0x25: {  	[simem:s6], [sflag:s4] =	dma.local [hbm:s3], $0xF7A  }
0x26: {  	[smem:$0x3F90] =	sst s1;
	(tag) =	ssettag s2;
	_ =	strace s9  }
0x27: {  	s1 =	sld [smem:$0x3FA0]  }
0x28: {  	s2 =	sld [smem:$0x3FA1]  }
0x29: {  	s4 =	sld [smem:$0x3FA3]  }
0x2a: {  	p0 =	seq.s32 s5, $0x0;
	s5 =	sld [smem:$0x3FA4]  }
0x2b: {  	s6 =	sld [smem:$0x3FA5]  }
0x2c: {  	s7 =	sld [smem:$0x3FA6]  }
0x2d: {  	s3 =	simm.s32 $0x108;
	s8 =	sld [smem:$0x3FA7]  }
0x2e: {  	s3 =	simm.s32 @!p0 $0x1082;
	s9 =	sld [smem:$0x3FA8]  }
0x2f: {  	lr =	sadd.s32 s0, s3;
	s0 =	sld [smem:$0x3F9F]  }
0x30: {  	s3 =	sld [smem:$0x3FA2]  }
0x31: {  	[smem:$0x3FAB] =	sst s10  }
0x32: {  	s10 =	sld [smem:$0x3FA9];
	_ =	sdelay $0x3  }
0x33: {  	p0 =	seq.s32 s10, $0x1;
	s10 =	sld [smem:$0x3FAB];
	_ =	sdelay $0x3  }
0x34: {  	[smem:$0x3FAB] =	sst s10  }
0x35: {  	s10 =	sld [smem:$0x3FAA];
	_ =	sdelay $0x3  }
0x36: {  	p1 =	seq.s32 s10, $0x1;
	s10 =	sld [smem:$0x3FAB];
	_ =	sdelay $0x3  }
0x37: {  	[smem:$0x3FAB] =	sst s10  }
0x38: {  	s10 =	sld [smem:$0x3FAC]  }
0x39: {  	_ = 	snop;
	(pc) =	sbr.ind lr, $3  }
0x3a: {  	_ = 	snop  }
0x3b: {  	_ = 	snop  }
0x3c: {  	p2 =	seq.s32 s10, $0x1;
	s10 =	sld [smem:$0x3FAB]  }
0x3d: {  	_ =	shalt  }
0x3e: {  	_ =	shalt  }
0x3f: {  	_ =	shalt  }
0x40: {  	_ =	shalt  }
0x41: {  	_ =	shalt  }
0x42: {  	_ =	shalt  }
0x43: {  	_ =	shalt  }
0x44: {  	_ =	shalt  }
0x45: {  	_ =	shalt  }
0x46: {  	_ =	shalt  }
0x47: {  	_ =	shalt  }
0x48: {  	_ =	shalt  }
0x49: {  	_ =	shalt  }
0x4a: {  	_ =	shalt  }
0x4b: {  	_ =	shalt  }
0x4c: {  	_ =	shalt  }
0x4d: {  	_ =	shalt  }
0x4e: {  	_ =	shalt  }
0x4f: {  	_ =	shalt  }
0x50: {  	_ =	shalt  }
0x51: {  	_ =	shalt  }
0x52: {  	_ =	shalt  }
0x53: {  	_ =	shalt  }
0x54: {  	_ =	shalt  }
0x55: {  	_ =	shalt  }
0x56: {  	_ =	shalt  }
0x57: {  	_ =	shalt  }
0x58: {  	_ =	shalt  }
0x59: {  	_ =	shalt  }
0x5a: {  	_ =	shalt  }
0x5b: {  	_ =	shalt  }
0x5c: {  	_ =	shalt  }
0x5d: {  	_ =	shalt  }
0x5e: {  	_ =	shalt  }
0x5f: {  	_ =	shalt  }
0x60: {  	_ =	shalt  }
0x61: {  	_ =	shalt  }
0x62: {  	_ =	shalt  }
0x63: {  	_ =	shalt  }
0x64: {  	_ =	shalt  }
0x65: {  	_ =	shalt  }
0x66: {  	_ =	shalt  }
0x67: {  	_ =	shalt  }
0x68: {  	_ =	shalt  }
0x69: {  	_ =	shalt  }
0x6a: {  	_ =	shalt  }
0x6b: {  	_ =	shalt  }
0x6c: {  	_ =	shalt  }
0x6d: {  	_ =	shalt  }
0x6e: {  	_ =	shalt  }
0x6f: {  	_ =	shalt  }
0x70: {  	_ =	shalt  }
0x71: {  	_ =	shalt  }
0x72: {  	_ =	shalt  }
0x73: {  	_ =	shalt  }
0x74: {  	_ =	shalt  }
0x75: {  	_ =	shalt  }
0x76: {  	_ =	shalt  }
0x77: {  	_ =	shalt  }
0x78: {  	_ =	shalt  }
0x79: {  	_ =	shalt  }
0x7a: {  	_ =	shalt  }
0x7b: {  	_ =	shalt  }
0x7c: {  	_ =	shalt  }
0x7d: {  	_ =	shalt  }
0x7e: {  	_ =	shalt  }
0x7f: {  	_ =	shalt  }
0x80: {  	_ =	shalt  }
0x81: {  	_ =	shalt  }
0x82: {  	_ =	shalt  }
0x83: {  	_ =	shalt  }
0x84: {  	_ =	shalt  }
0x85: {  	_ =	shalt  }
0x86: {  	_ =	shalt  }
0x87: {  	_ =	shalt  }
.Lfunc_end0:
.L_simem_size_0:
called_computation.1_lowered:
.L_overlay_start_0:
0x88: {  	s2 =	sld [smem:$0x3FD9]  }
0x89: {  	s3 =	sld [smem:$0x3FFE];
	_ =	sdelay $0x1  }
0x8a: {  	s1 =	srdreg.scid  }
0x8b: {  	s0 =	sand.u32 $0x1, s1  }
0x8c: {  	s14 =	sshll.u32 s0, $0xA;
	s2 =	sadd.s32 s3, s2  }
0x8d: {  	s2 =	sadd.s32 s2, s14  }
0x8e: {  	[smem:$0x3FB7] =	sst s2  }
0x8f: {  	_ = 	snop  }
0x90: {  	s2 =	sld [smem:$0x3FD0];
	_ =	sdelay $0x2  }
0x91: {  	s4 =	simm.s32 $0xA;
	s5 =	simm.s32 $0x10;
	s15 =	sld [smem:$0x3FC5]  }
0x92: {  	[smem:s5], [sflag:s4] =	dma.local [hbm:s2], $0x1  }
0x93: {  	_ =	swait.eq [sflag:s4], $0x1  }
0x94: {  	[sflag:s4] =	ssyncset.done $0x0  }
0x95: {  	[sflag:s4] =	ssyncadd.s32 $0xFFFFFFFF  }
0x96: {  	s16 =	sld [smem:$0x10];
	(tm) =	ssettm $0x1  }
0x97: {  	s17 =	sld [smem:$0x3FFB];
	_ =	sdelay $0x3  }
0x98: {  	_ =	strace s17  }
0x99: {  	s4 =	sld [smem:$0x3FFC];
	_ =	sdelay $0x3  }
0x9a: {  	_ =	strace s4  }
0x9b: {  	s4 =	sld [smem:$0x3FFD];
	_ =	sdelay $0x3  }
0x9c: {  	_ =	strace s4  }
0x9d: {  	_ =	strace $0x8FFFFFFF  }
0x9e: {  	s18 =	sld [smem:$0x3FDB];
	_ =	sdelay $0x1  }
0x9f: {  	s19 =	simm.s32 $_scs_section_size  }
0xa0: {  	s6 =	simm.s32 $_size__tile_overlayer_lowered;
	s7 =	simm.s32 $_tile_overlayer_lowered  }
0xa1: {  	s22 =	simm.s32 $0x1BFF;
	s21 =	sshll.u32 s7, $0x1;
	s4 =	sadd.s32 s19, s18  }
0xa2: {  	s8 =	simm.s32 $0x0;
	s20 =	sshll.u32 s6, $0x1;
	s6 =	sadd.s32 s21, s4  }
0xa3: {  	[timem:s8], [sflag:s22] =	dma.local [hbm:s6], s20  }
0xa4: {  	_ =	swait.ge [sflag:s22], s20  }
0xa5: {  	s5 =	ssub.s32 $0x0, s20;
	[sflag:s22] =	ssyncset.done $0x0  }
0xa6: {  	[sflag:s22] =	ssyncadd.s32 s5;
	_ =	sdelay $0x1  }
0xa7: {  	s23 =	simm.s32 $0x1B8B  }
0xa8: {  	_ =	swait.ge [sflag:s23], $0x1  }
0xa9: {  	[sflag:s23] =	ssyncset.done $0x0  }
0xaa: {  	s25 =	simm.s32 $0x1B8E;
	s24 =	sld [smem:$0x3FFE];
	[sflag:s23] =	ssyncadd.s32 $0xFFFFFFFF  }
0xab: {  	s26 =	simm.s32 $execute0_lowered;
	[smem:$0x3FD2] =	sst s25  }
0xac: {  	s6 =	sshll.u32 s26, $0x1;
	_ =	strace $0x80000049;
	[dreg:$0x1] =	wrdreg $0xFFFFFFFF  }
0xad: {  	s28 =	simm.s32 $_size_execute0_lowered;
	s4 =	sadd.s32 s4, s6;
	[dreg:$0x0] =	wrdreg $0x0  }
0xae: {  	s6 =	sshll.u32 s28, $0x1;
	[dreg:$0x2] =	wrdreg s4  }
0xaf: {  	[dreg:$0x3] =	wrdreg s6  }
0xb0: {  	[dreg:$0x4] =	wrdreg $0xC0  }
0xb1: {  	_ =	task [dreg:s8], $0x5FFFF  }
0xb2: {  	[dreg:$0x1] =	wrdreg $0xFFFFFFFF  }
0xb3: {  	[dreg:$0x0] =	wrdreg $0x60  }
0xb4: {  	[dreg:$0x2] =	wrdreg s16  }
0xb5: {  	[dreg:$0x3] =	wrdreg s24  }
0xb6: {  	[dreg:$0x4] =	wrdreg s15  }
0xb7: {  	[dreg:$0x5] =	wrdreg $0x9  }
0xb8: {  	_ =	task.clear_ibuf [dreg:s8], $0x6FFFF;
	_ =	strace $0x90000049  }
0xb9: {  	s29 =	simm.s32 $0x9;
	_ =	strace $0x8000004B  }
0xba: {  	_ =	swait.ge [sflag:s29], $0x1  }
0xbb: {  	[sflag:s29] =	ssyncadd.s32 $0xFFFFFFFF  }
0xbc: {  	_ =	strace $0x9000004B  }
0xbd: {  	_ =	sfence  }
0xbe: {  	s30 =	sld [smem:$0x0];
	_ =	sdelay $0x2  }
0xbf: {  	s31 =	sshll.u32 s1, $0xD;
	s1 =	sshrl.u32 s1, $0x2  }
0xc0: {  	s3 =	sand.u32 $0x4000, s31;
	s1 =	sadd.s32 s1, s30  }
0xc1: {  	s0 =	sor.u32 s3, s0;
	s1 =	sshll.u32 s1, $0x11  }
0xc2: {  	s0 =	sor.u32 s1, s0  }
0xc3: {  	s0 =	sadd.s32 $0x8F2B, s0  }
0xc4: {  	[sflag:s0] =	ssyncadd.remote.s32 $0x1  }
0xc5: {  	_ =	sfence.sel $0xFFFF  }
0xc6: {  	[dreg:$0x0] =	wrdreg $0xFFFFFFFF;
	(pc) =	sbr.abs _section_cstart, $3  }
0xc7: {  	[dreg:$0x1] =	wrdreg $0xFFFFFFFF  }
0xc8: {  	_ =	task.clear_ibuf [dreg:s8], $0x2FFFF;
	_ =	strace $0x9FFFFFFF  }
0xc9: {  	(tm) =	ssettm $0x7FFFFFFF  }
tec
execute0_lowered:
.L_overlay_start_1:
0x0: {  	(tag) =	ssettag $0x1  }
0x1: {  	s1 =	rddreg [dreg:$0x0]  }
0x2: {  	s4 =	rddreg [dreg:$0x1]  }
0x3: {  	s6 =	rddreg [dreg:$0x2];
	s3 =	srdreg.scid  }
0x4: {  	s0 =	rddreg [dreg:$0x3];
	s2 =	stileid.u32;
	s10 =	simm.s32 $0x1000  }
0x5: {  	s11 =	simm.s32 $0x2000;
	s12 =	simm.s32 $0x3000;
	s13 =	simm.s32 $0x4000  }
0x6: {  	s14 =	simm.s32 $0x0;
	s5 =	sand.u32 $0x1, s3;
	s3 =	simm.s32 $0x0  }
0x7: {  	s7 =	sshll.u32 s2, $0xA;
	s8 =	sshll.u32 s5, $0x9;
	s5 =	ssub.s32 $0x2, s5  }
0x8: {  	[smem:$0x7FF] =	sst s3;
	s7 =	sor.u32 s8, s7;
	s31 =	sshrl.u32 s5, $0x1  }
0x9: {  	_ =	strace $0x8000004A;
	s8 =	sadd.s32 s7, s4;
	s9 =	ssub.s32 s5, s31  }
0xa: {  	s6 =	sadd.s32 s6, s7;
	s4 =	sadd.s32 $0x9600, s8;
	s5 =	sadd.s32 $0x5600, s8  }
0xb: {  	s7 =	sadd.s32 $0xD600, s8;
	s8 =	smax.u32 s9, $0x1;
	s9 =	simm.s32 $0x1  }
.LBB2_1:
0xc: {  	[tilespmem:s3], [sflag:$0x1] =	stream.linear.gather [hbm4b:s1+s3], $0x1000, $0x38;
	[tilespmem:$0x5000] =	vst v63  }
0xd: {  	_ =	swait.ge [sflag:s9], $0x1000  }
0xe: {  	[sflag:s9] =	ssyncset.done $0x0  }
0xf: {  	[sflag:s9] =	ssyncadd.s32 $0xFFFFF000  }
0x10: {  	[tilespmem:s10], [sflag:$0x1] =	stream.linear.gather [hbm4b:s4+s3], $0x1000, $0x38;
	[tilespmem:$0x5000] =	vst v63  }
0x11: {  	_ =	swait.ge [sflag:s9], $0x1000  }
0x12: {  	[sflag:s9] =	ssyncset.done $0x0  }
0x13: {  	[sflag:s9] =	ssyncadd.s32 $0xFFFFF000  }
0x14: {  	[tilespmem:s11], [sflag:$0x1] =	stream.linear.gather [hbm4b:s5+s3], $0x1000, $0x38;
	[tilespmem:$0x5000] =	vst v63  }
0x15: {  	_ =	swait.ge [sflag:s9], $0x1000  }
0x16: {  	[sflag:s9] =	ssyncset.done $0x0  }
0x17: {  	[sflag:s9] =	ssyncadd.s32 $0xFFFFF000  }
0x18: {  	[tilespmem:s12], [sflag:$0x1] =	stream.linear.gather [hbm4b:s6+s3], $0x1000, $0x38;
	[tilespmem:$0x5000] =	vst v63  }
0x19: {  	_ =	swait.ge [sflag:s9], $0x1000  }
0x1a: {  	[sflag:s9] =	ssyncset.done $0x0  }
0x1b: {  	s15 =	simm.s32 $0x0;
	[sflag:s9] =	ssyncadd.s32 $0xFFFFF000  }
0x1c: {  	v0 =	vld [tilespmem:s15+$0x1000]  }
0x1d: {  	v2 =	vld [tilespmem:s15+$0x2000];
	_ =	sdelay $0x5  }
0x1e: {  	v1 =	vld [tilespmem:s15+$0x3000]  }
0x1f: {  	v0 =	vld.idx.msk [tilespmem:v0+s3+$0x0], $0xffff  }
0x20: {  	s16 =	simm.s32 $0x10;
	s17 =	simm.s32 $0x80;
	v2 =	vld.idx.msk [tilespmem:v2+s3+$0x0], $0xffff  }
.LBB2_2:
0x21: {  	p0 =	sne.s32 s17, $0x3FC0;
	v3 =	vld [tilespmem:s16+$0x1000];
	_ =	sdelay $0x1  }
0x22: {  	v4 =	vld [tilespmem:s16+$0x2000]  }
0x23: {  	v0 =	vmul.f32 v0, v1;
	_ =	sdelay $0x1  }
0x24: {  	v0 =	vmul.f32 v2, v0  }
.Ltmp0:
0x25: {  	(pc) =	sbr.rel @p0 .LBB2_2-.Ltmp0, $4  }
0x26: {  	[tilespmem:s15+$0x4000] =	vst v0;
	s15 =	smov.u32 s16  }
0x27: {  	v0 =	vld.idx.msk [tilespmem:v3+s3+$0x0], $0xffff  }
0x28: {  	v1 =	vld [tilespmem:s15+$0x3000]  }
0x29: {  	s16 =	sshra.s32 s17, $0x2;
	s17 =	sadd.s32 $0x40, s17;
	v2 =	vld.idx.msk [tilespmem:v4+s3+$0x0], $0xffff  }
0x2a: {  	v3 =	vld [tilespmem:s16+$0x1000];
	_ =	sdelay $0x2  }
0x2b: {  	v4 =	vld [tilespmem:s16+$0x2000];
	v0 =	vmul.f32 v0, v1;
	_ =	sdelay $0x1  }
0x2c: {  	v0 =	vmul.f32 v2, v0;
	_ =	sdelay $0x1  }
0x2d: {  	[tilespmem:s15+$0x4000] =	vst v0  }
0x2e: {  	v0 =	vld.idx.msk [tilespmem:v3+s3+$0x0], $0xffff  }
0x2f: {  	v62 =	vld [tilespmem:s16+$0x3000];
	_ =	sdelay $0x1  }
0x30: {  	v63 =	vld.idx.msk [tilespmem:v4+s3+$0x0], $0xffff;
	_ =	sdelay $0x2  }
0x31: {  	v0 =	vmul.f32 v0, v62;
	_ =	sdelay $0x1  }
0x32: {  	s14 =	sadd.s32 $0x1, s14;
	v0 =	vmul.f32 v63, v0  }
0x33: {  	p0 =	sne.s32 s14, s8  }
.Ltmp1:
0x34: {  	[tilespmem:s16+$0x4000] =	vst v0;
	(pc) =	sbr.rel @p0 .LBB2_1-.Ltmp1, $4  }
0x35: {  	[hbm4b:s7+s3] =	stream.linear.scatter [tilespmem:s13], [sflag:$0x1], $0x1000, $0x38;
	[tilespmem:$0x5000] =	vst v63  }
0x36: {  	_ =	swait.ge [sflag:s9], $0x1000  }
0x37: {  	[sflag:s9] =	ssyncset.done $0x0  }
0x38: {  	[sflag:s9] =	ssyncadd.s32 $0xFFFFF000  }
0x39: {  	_ =	sfence.sel $0x180000  }
0x3a: {  	[bflag:$0x0] =	sbarrier.arrive $0xFFFF  }
0x3b: {  	p0 =	sne.s32 s2, $0x0;
	_ =	strace $0x9000004A  }
0x3c: {  	s0 =	sadd.s32 @!p0 $0x100000, s0;
	[bflag:$0x2] =	sbarrier.arrive $0xFFFF  }
0x3d: {  	[sflag:s0] =	ssyncadd.tile.s32 @!p0 $0x1;
	_ =	shalt  }
.Lfunc_end2:
_tile_overlayer_lowered:
.L_overlay_start_2:
0x3e: {  	(tag) =	ssettag $0x2  }
0x3f: {  	s0 =	rddreg [dreg:$0x0];
	s2 =	stileid.u32  }
0x40: {  	s1 =	rddreg [dreg:$0x1];
	p0 =	sne.s32 s2, $0x0  }
0x41: {  	s3 =	rddreg [dreg:$0x2];
	[bflag:$0x3] =	sbarrier.arrive $0xFFFF;
	s2 =	simm.s32 @!p0 $0x1C01  }
0x42: {  	[timem:s3], [sflag:s2] =	dma.local @!p0 [hbm:s0], s1  }
0x43: {  	s0 =	simm.s32 @!p0 $0x1  }
0x44: {  	_ =	swait.ge @!p0 [sflag:s0], s1  }
0x45: {  	s1 =	ssub.s32 @!p0 $0x0, s1;
	[sflag:s0] =	ssyncset.done @!p0 $0x0  }
0x46: {  	[sflag:s0] =	ssyncadd.s32 @!p0 s1  }
0x47: {  	[bflag:$0x3] =	sbarrier.arrive $0xFFFF  }
0x48: {  	_ =	shalt  }

// kernel: kernel.24.cloned.1.call-start
scs
__scs_entry_jumppad:
0x0: {  	(pc) =	sbr.rel $0x88, $3  }
0x1: {  	(tag) =	ssettag $0x0;
	lr =	simm.s32 $0x1  }
0x2: {  	[smem:$0x3F90] =	sst lr;
	_ =	strace $0xD0000000  }
0x3: {  	_ = 	snop  }
0x4: {  	_ = 	snop  }
0x5: {  	_ = 	snop  }
0x6: {  	_ = 	snop  }
0x7: {  	_ = 	snop  }
__scs_overlays_trampoline_lowered:
0x8: {  	[smem:$0x3F9F] =	sst s0  }
0x9: {  	[smem:$0x3FA0] =	sst s1  }
0xa: {  	[smem:$0x3FA1] =	sst s2  }
0xb: {  	[smem:$0x3FA2] =	sst s3  }
0xc: {  	[smem:$0x3FA3] =	sst s4  }
0xd: {  	[smem:$0x3FA4] =	sst s5  }
0xe: {  	[smem:$0x3FA5] =	sst s6  }
0xf: {  	[smem:$0x3FA6] =	sst s7  }
0x10: {  	[smem:$0x3FA7] =	sst s8  }
0x11: {  	[smem:$0x3FA8] =	sst s9;
	s0 =	simm.s32 @!p0 $0x0  }
0x12: {  	s1 =	sld [smem:$0x3F8E];
	s0 =	simm.s32 @p0 $0x1  }
0x13: {  	[smem:$0x3FA9] =	sst s0;
	s0 =	simm.s32 @!p1 $0x0  }
0x14: {  	s2 =	sld [smem:$0x3F8D];
	s0 =	simm.s32 @p1 $0x1  }
0x15: {  	[smem:$0x3FAA] =	sst s0;
	s0 =	simm.s32 @!p2 $0x0  }
0x16: {  	s3 =	sld [smem:$0x3FDB];
	s0 =	simm.s32 @p2 $0x1  }
0x17: {  	s4 =	simm.s32 $0x1BF5;
	[smem:$0x3FAC] =	sst s0  }
0x18: {  	s0 =	sld [smem:$0x3F8F];
	_ =	swait.ge [sflag:s4], $0x0  }
0x19: {  	s7 =	sld [smem:$0x3F90]  }
0x1a: {  	s8 =	sadd.s32 $0xFFFFE003, lr  }
0x1b: {  	s9 =	sadd.s32 $0xFFFFFEF7, lr;
	s5 =	simm.s32 $0xFFFFFFFF;
	p2 =	slt.u32 s8, $0xFFFFF086  }
0x1c: {  	p1 =	slt.u32 s9, $0xF7A;
	s5 =	simm.s32 @!p2 $0x0  }
0x1d: {  	s5 =	simm.s32 @p1 $0x1;
	p0 =	seq.s32 s7, s2  }
0x1e: {  	s7 =	smul.u32 @!p0 $0xF7A, s2;
	p2 =	seq.s32 @!p0 s5, $0x0  }
0x1f: {  	s9 =	smul.u32 $0xF7A, s1;
	s8 =	simm.s32 @!p0 $0x1BF5;
	p2 =	por !p2, p0  }
0x20: {  	[sflag:s8] =	ssyncset.s32 @!p0 $0xFFFFF086;
	s6 =	sadd.s32 @!p0 s3, s7;
	s7 =	simm.s32 @!p0 $0x108  }
0x21: {  	s3 =	sadd.s32 s3, s9;
	s6 =	sadd.s32 @!p0 $0x88, s6;
	s7 =	simm.s32 @p2 $0x1082  }
0x22: {  	[simem:s7], [sflag:s8] =	dma.local @!p0 [hbm:s6], $0xF7A  }
0x23: {  	s9 =	sor.u32 $0xD0000000, s2;
	s6 =	simm.s32 $0x108;
	_ =	swait.ge @!p0 [sflag:s8], $0x0  }
0x24: {  	s3 =	sadd.s32 $0x88, s3;
	s6 =	simm.s32 @!p1 $0x1082;
	[sflag:s4] =	ssyncset.s32 $0xFFFFF086  }
0x25: {  	[simem:s6], [sflag:s4] =	dma.local [hbm:s3], $0xF7A  }
0x26: {  	[smem:$0x3F90] =	sst s1;
	(tag) =	ssettag s2;
	_ =	strace s9  }
0x27: {  	s1 =	sld [smem:$0x3FA0]  }
0x28: {  	s2 =	sld [smem:$0x3FA1]  }
0x29: {  	s4 =	sld [smem:$0x3FA3]  }
0x2a: {  	p0 =	seq.s32 s5, $0x0;
	s5 =	sld [smem:$0x3FA4]  }
0x2b: {  	s6 =	sld [smem:$0x3FA5]  }
0x2c: {  	s7 =	sld [smem:$0x3FA6]  }
0x2d: {  	s3 =	simm.s32 $0x108;
	s8 =	sld [smem:$0x3FA7]  }
0x2e: {  	s3 =	simm.s32 @!p0 $0x1082;
	s9 =	sld [smem:$0x3FA8]  }
0x2f: {  	lr =	sadd.s32 s0, s3;
	s0 =	sld [smem:$0x3F9F]  }
0x30: {  	s3 =	sld [smem:$0x3FA2]  }
0x31: {  	[smem:$0x3FAB] =	sst s10  }
0x32: {  	s10 =	sld [smem:$0x3FA9];
	_ =	sdelay $0x3  }
0x33: {  	p0 =	seq.s32 s10, $0x1;
	s10 =	sld [smem:$0x3FAB];
	_ =	sdelay $0x3  }
0x34: {  	[smem:$0x3FAB] =	sst s10  }
0x35: {  	s10 =	sld [smem:$0x3FAA];
	_ =	sdelay $0x3  }
0x36: {  	p1 =	seq.s32 s10, $0x1;
	s10 =	sld [smem:$0x3FAB];
	_ =	sdelay $0x3  }
0x37: {  	[smem:$0x3FAB] =	sst s10  }
0x38: {  	s10 =	sld [smem:$0x3FAC]  }
0x39: {  	_ = 	snop;
	(pc) =	sbr.ind lr, $3  }
0x3a: {  	_ = 	snop  }
0x3b: {  	_ = 	snop  }
0x3c: {  	p2 =	seq.s32 s10, $0x1;
	s10 =	sld [smem:$0x3FAB]  }
0x3d: {  	_ =	shalt  }
0x3e: {  	_ =	shalt  }
0x3f: {  	_ =	shalt  }
0x40: {  	_ =	shalt  }
0x41: {  	_ =	shalt  }
0x42: {  	_ =	shalt  }
0x43: {  	_ =	shalt  }
0x44: {  	_ =	shalt  }
0x45: {  	_ =	shalt  }
0x46: {  	_ =	shalt  }
0x47: {  	_ =	shalt  }
0x48: {  	_ =	shalt  }
0x49: {  	_ =	shalt  }
0x4a: {  	_ =	shalt  }
0x4b: {  	_ =	shalt  }
0x4c: {  	_ =	shalt  }
0x4d: {  	_ =	shalt  }
0x4e: {  	_ =	shalt  }
0x4f: {  	_ =	shalt  }
0x50: {  	_ =	shalt  }
0x51: {  	_ =	shalt  }
0x52: {  	_ =	shalt  }
0x53: {  	_ =	shalt  }
0x54: {  	_ =	shalt  }
0x55: {  	_ =	shalt  }
0x56: {  	_ =	shalt  }
0x57: {  	_ =	shalt  }
0x58: {  	_ =	shalt  }
0x59: {  	_ =	shalt  }
0x5a: {  	_ =	shalt  }
0x5b: {  	_ =	shalt  }
0x5c: {  	_ =	shalt  }
0x5d: {  	_ =	shalt  }
0x5e: {  	_ =	shalt  }
0x5f: {  	_ =	shalt  }
0x60: {  	_ =	shalt  }
0x61: {  	_ =	shalt  }
0x62: {  	_ =	shalt  }
0x63: {  	_ =	shalt  }
0x64: {  	_ =	shalt  }
0x65: {  	_ =	shalt  }
0x66: {  	_ =	shalt  }
0x67: {  	_ =	shalt  }
0x68: {  	_ =	shalt  }
0x69: {  	_ =	shalt  }
0x6a: {  	_ =	shalt  }
0x6b: {  	_ =	shalt  }
0x6c: {  	_ =	shalt  }
0x6d: {  	_ =	shalt  }
0x6e: {  	_ =	shalt  }
0x6f: {  	_ =	shalt  }
0x70: {  	_ =	shalt  }
0x71: {  	_ =	shalt  }
0x72: {  	_ =	shalt  }
0x73: {  	_ =	shalt  }
0x74: {  	_ =	shalt  }
0x75: {  	_ =	shalt  }
0x76: {  	_ =	shalt  }
0x77: {  	_ =	shalt  }
0x78: {  	_ =	shalt  }
0x79: {  	_ =	shalt  }
0x7a: {  	_ =	shalt  }
0x7b: {  	_ =	shalt  }
0x7c: {  	_ =	shalt  }
0x7d: {  	_ =	shalt  }
0x7e: {  	_ =	shalt  }
0x7f: {  	_ =	shalt  }
0x80: {  	_ =	shalt  }
0x81: {  	_ =	shalt  }
0x82: {  	_ =	shalt  }
0x83: {  	_ =	shalt  }
0x84: {  	_ =	shalt  }
0x85: {  	_ =	shalt  }
0x86: {  	_ =	shalt  }
0x87: {  	_ =	shalt  }
.Lfunc_end0:
.L_simem_size_0:
called_computation.2_lowered:
.L_overlay_start_0:
0x88: {  	s2 =	sld [smem:$0x3FD9]  }
0x89: {  	s3 =	sld [smem:$0x3FFE];
	_ =	sdelay $0x1  }
0x8a: {  	s1 =	srdreg.scid  }
0x8b: {  	s0 =	sand.u32 $0x1, s1  }
0x8c: {  	s14 =	sshll.u32 s0, $0xA;
	s2 =	sadd.s32 s3, s2  }
0x8d: {  	s2 =	sadd.s32 s2, s14  }
0x8e: {  	[smem:$0x3FB7] =	sst s2  }
0x8f: {  	_ = 	snop  }
0x90: {  	s2 =	sld [smem:$0x3FD0];
	_ =	sdelay $0x2  }
0x91: {  	s15 =	simm.s32 $0xA;
	s4 =	simm.s32 $0x10  }
0x92: {  	[smem:s4], [sflag:s15] =	dma.local [hbm:s2], $0x1  }
0x93: {  	_ =	swait.eq [sflag:s15], $0x1  }
0x94: {  	[sflag:s15] =	ssyncset.done $0x0  }
0x95: {  	[sflag:s15] =	ssyncadd.s32 $0xFFFFFFFF  }
0x96: {  	s16 =	sld [smem:$0x11];
	(tm) =	ssettm $0x1  }
0x97: {  	s17 =	sld [smem:$0x3FFB];
	_ =	sdelay $0x3  }
0x98: {  	_ =	strace s17  }
0x99: {  	s3 =	sld [smem:$0x3FFC];
	_ =	sdelay $0x3  }
0x9a: {  	_ =	strace s3  }
0x9b: {  	s3 =	sld [smem:$0x3FFD];
	_ =	sdelay $0x3  }
0x9c: {  	_ =	strace s3  }
0x9d: {  	_ =	strace $0x8FFFFFFF  }
0x9e: {  	s18 =	sld [smem:$0x3FDB];
	_ =	sdelay $0x1  }
0x9f: {  	s19 =	simm.s32 $_scs_section_size  }
0xa0: {  	s5 =	simm.s32 $_size__tile_overlayer_lowered;
	s6 =	simm.s32 $_tile_overlayer_lowered  }
0xa1: {  	s22 =	simm.s32 $0x1BFF;
	s21 =	sshll.u32 s6, $0x1;
	s3 =	sadd.s32 s19, s18  }
0xa2: {  	s7 =	simm.s32 $0x0;
	s20 =	sshll.u32 s5, $0x1;
	s5 =	sadd.s32 s21, s3  }
0xa3: {  	[timem:s7], [sflag:s22] =	dma.local [hbm:s5], s20  }
0xa4: {  	_ =	swait.ge [sflag:s22], s20  }
0xa5: {  	s4 =	ssub.s32 $0x0, s20;
	[sflag:s22] =	ssyncset.done $0x0  }
0xa6: {  	[sflag:s22] =	ssyncadd.s32 s4;
	_ =	sdelay $0x1  }
0xa7: {  	s23 =	simm.s32 $0x1B8B  }
0xa8: {  	_ =	swait.ge [sflag:s23], $0x1  }
0xa9: {  	[sflag:s23] =	ssyncset.done $0x0  }
0xaa: {  	s25 =	simm.s32 $0x1B8E;
	s24 =	sld [smem:$0x3FFE];
	[sflag:s23] =	ssyncadd.s32 $0xFFFFFFFF  }
0xab: {  	s26 =	simm.s32 $execute0_lowered;
	[smem:$0x3FD2] =	sst s25  }
0xac: {  	s5 =	sshll.u32 s26, $0x1;
	_ =	strace $0x8000004C;
	[dreg:$0x1] =	wrdreg $0xFFFFFFFF  }
0xad: {  	s28 =	simm.s32 $_size_execute0_lowered;
	s3 =	sadd.s32 s3, s5;
	[dreg:$0x0] =	wrdreg $0x0  }
0xae: {  	s5 =	sshll.u32 s28, $0x1;
	[dreg:$0x2] =	wrdreg s3  }
0xaf: {  	[dreg:$0x3] =	wrdreg s5  }
0xb0: {  	[dreg:$0x4] =	wrdreg $0xC0  }
0xb1: {  	_ =	task [dreg:s7], $0x5FFFF  }
0xb2: {  	[dreg:$0x1] =	wrdreg $0xFFFFFFFF  }
0xb3: {  	[dreg:$0x0] =	wrdreg $0x60  }
0xb4: {  	[dreg:$0x2] =	wrdreg s16  }
0xb5: {  	[dreg:$0x3] =	wrdreg s24  }
0xb6: {  	[dreg:$0x4] =	wrdreg $0x9  }
0xb7: {  	_ =	task.clear_ibuf [dreg:s7], $0x5FFFF;
	_ =	strace $0x9000004C  }
0xb8: {  	s29 =	simm.s32 $0x9;
	_ =	strace $0x8000004E  }
0xb9: {  	_ =	swait.ge [sflag:s29], $0x1  }
0xba: {  	[sflag:s29] =	ssyncadd.s32 $0xFFFFFFFF  }
0xbb: {  	_ =	strace $0x9000004E  }
0xbc: {  	_ =	sfence  }
0xbd: {  	s30 =	sld [smem:$0x0];
	_ =	sdelay $0x2  }
0xbe: {  	s31 =	sshll.u32 s1, $0xD;
	s1 =	sshrl.u32 s1, $0x2  }
0xbf: {  	s3 =	sand.u32 $0x4000, s31;
	s1 =	sadd.s32 s1, s30  }
0xc0: {  	s0 =	sor.u32 s3, s0;
	s1 =	sshll.u32 s1, $0x11  }
0xc1: {  	s0 =	sor.u32 s1, s0  }
0xc2: {  	s0 =	sadd.s32 $0x8F2B, s0  }
0xc3: {  	[sflag:s0] =	ssyncadd.remote.s32 $0x1  }
0xc4: {  	_ =	sfence.sel $0xFFFF  }
0xc5: {  	[dreg:$0x0] =	wrdreg $0xFFFFFFFF;
	(pc) =	sbr.abs _section_cstart, $3  }
0xc6: {  	[dreg:$0x1] =	wrdreg $0xFFFFFFFF  }
0xc7: {  	_ =	task.clear_ibuf [dreg:s7], $0x2FFFF;
	_ =	strace $0x9FFFFFFF  }
0xc8: {  	(tm) =	ssettm $0x7FFFFFFF  }
0xc9: {  	_ =	shalt  }
tec
execute0_lowered:
.L_overlay_start_1:
0x0: {  	(tag) =	ssettag $0x1  }
0x1: {  	s6 =	rddreg [dreg:$0x0]  }
0x2: {  	s7 =	rddreg [dreg:$0x1]  }
0x3: {  	s0 =	rddreg [dreg:$0x2];
	s1 =	simm.s32 $0x0;
	s5 =	srdreg.scid  }
0x4: {  	s2 =	stileid.u32;
	s13 =	simm.s32 $0x14000;
	s14 =	simm.s32 $0x8000  }
0x5: {  	s15 =	simm.s32 $0x0;
	[smem:$0x7FF] =	sst s1;
	s3 =	sadd.s32 $0x9600, s7  }
0x6: {  	s4 =	sadd.s32 $0x5600, s7;
	s8 =	sand.u32 $0x1, s5;
	s5 =	sadd.s32 $0xD600, s7  }
0x7: {  	s9 =	sshll.u32 s2, $0xC;
	_ =	strace $0x8000004D;
	s10 =	ssub.s32 $0x2, s8  }
0x8: {  	s7 =	sadd.s32 s9, s7;
	s12 =	sshll.u32 s8, $0x10;
	s6 =	sadd.s32 s6, s9  }
0x9: {  	s11 =	sshrl.u32 s10, $0x1;
	s31 =	sadd.s32 s12, s7;
	s7 =	sshll.u32 s8, $0xD  }
0xa: {  	s12 =	simm.s32 $0x12000;
	s10 =	ssub.s32 s10, s11;
	s8 =	sadd.s32 $0x11600, s31  }
0xb: {  	v0 =	vimm.f32 $0.0e+00;
	s11 =	simm.s32 $0x10000;
	s9 =	smax.u32 s10, $0x1;
	s10 =	simm.s32 $0x1  }
.LBB2_1:
0xc: {  	[tilespmem:s1], [sflag:$0x1] =	stream.linear.gather [hbm4b:s6+s1], $0x8000, $0x38;
	[tilespmem:$0x16000] =	vst v63  }
0xd: {  	_ =	swait.ge [sflag:s10], $0x8000  }
0xe: {  	[sflag:s10] =	ssyncset.done $0x0  }
0xf: {  	s16 =	simm.s32 $0x8040;
	[sflag:s10] =	ssyncadd.s32 $0xFFFF8000  }
0x10: {  	[tilespmem:s16+$0xFFFFFFC0] =	vst v0  }
0x11: {  	[tilespmem:s16+$0x30] =	vst v0  }
0x12: {  	[tilespmem:s16+$0x20] =	vst v0  }
0x13: {  	[tilespmem:s16+$0x10] =	vst v0  }
0x14: {  	[tilespmem:s16+$0x0] =	vst v0  }
0x15: {  	[tilespmem:s16+$0xFFFFFFF0] =	vst v0  }
0x16: {  	s17 =	simm.s32 $0x0;
	[tilespmem:s16+$0xFFFFFFE0] =	vst v0  }
.LBB2_2:
0x17: {  	s17 =	sadd.s32 $0x8, s17;
	[tilespmem:s16+$0xFFFFFFD0] =	vst v0;
	s16 =	sadd.s32 $0x80, s16  }
0x18: {  	[tilespmem:s16+$0xFFFFFFC0] =	vst v0;
	p0 =	slt.u32 s17, $0x7F8  }
0x19: {  	[tilespmem:s16+$0x30] =	vst v0  }
.Ltmp0:
0x1a: {  	[tilespmem:s16+$0x20] =	vst v0;
	(pc) =	sbr.rel @p0 .LBB2_2-.Ltmp0, $4  }
0x1b: {  	[tilespmem:s16+$0x10] =	vst v0  }
0x1c: {  	[tilespmem:s16+$0x0] =	vst v0  }
0x1d: {  	[tilespmem:s16+$0xFFFFFFF0] =	vst v0  }
0x1e: {  	[tilespmem:s16+$0xFFFFFFE0] =	vst v0  }
0x1f: {  	[tilespmem:s16+$0xFFFFFFD0] =	vst v0;
	s16 =	simm.s32 $0x0  }
.LBB2_4:
0x20: {  	s17 =	sshll.u32 s16, $0xA  }
0x21: {  	s17 =	sadd.s32 s7, s17  }
0x22: {  	s18 =	sadd.s32 s3, s17  }
0x23: {  	[tilespmem:s11], [sflag:$0x1] =	stream.linear.gather [hbm4b:s18+s1], $0x2000, $0x38;
	[tilespmem:$0x16000] =	vst v63  }
0x24: {  	_ =	swait.ge [sflag:s10], $0x2000  }
0x25: {  	[sflag:s10] =	ssyncset.done $0x0  }
0x26: {  	s31 =	sadd.s32 s4, s17;
	[sflag:s10] =	ssyncadd.s32 $0xFFFFE000  }
0x27: {  	[tilespmem:s12], [sflag:$0x1] =	stream.linear.gather [hbm4b:s31+s1], $0x2000, $0x38;
	[tilespmem:$0x16000] =	vst v63  }
0x28: {  	_ =	swait.ge [sflag:s10], $0x2000  }
0x29: {  	[sflag:s10] =	ssyncset.done $0x0  }
0x2a: {  	s17 =	sadd.s32 s5, s17;
	[sflag:s10] =	ssyncadd.s32 $0xFFFFE000  }
0x2b: {  	[tilespmem:s13], [sflag:$0x1] =	stream.linear.gather [hbm4b:s17+s1], $0x2000, $0x38;
	[tilespmem:$0x16000] =	vst v63  }
0x2c: {  	_ =	swait.ge [sflag:s10], $0x2000  }
0x2d: {  	[sflag:s10] =	ssyncset.done $0x0  }
0x2e: {  	s19 =	simm.s32 $0x10020;
	[sflag:s10] =	ssyncadd.s32 $0xFFFFE000  }
0x2f: {  	v5 =	vld [tilespmem:s19+$0x10];
	_ =	sdelay $0x4  }
0x30: {  	s17 =	simm.s32 $0x12020  }
0x31: {  	s18 =	simm.s32 $0x14020;
	v20 =	vld [tilespmem:s17+$0x10]  }
0x32: {  	v4 =	vld [tilespmem:s18+$0x10]  }
0x33: {  	v1 =	vld.idx.msk [tilespmem:v5+s1+$0x0], $0xffff  }
0x34: {  	v6 =	vld [tilespmem:s19+$0xFFFFFFF0]  }
0x35: {  	v7 =	vld [tilespmem:s19+$0xFFFFFFE0]  }
0x36: {  	v2 =	vadd.s32 $0x1000, v5  }
0x37: {  	v10 =	vld [tilespmem:s19+$0x0]  }
0x38: {  	v12 =	vld [tilespmem:s17+$0xFFFFFFE0];
	v1 =	vmul.f32 v1, v4  }
0x39: {  	v21 =	vld [tilespmem:s17+$0xFFFFFFF0]  }
0x3a: {  	[tilespmem:v20+s14+$0x0] =	vst.idx.add.f32.msk $0xffff, v1  }
0x3b: {  	v3 =	vld.idx.msk [tilespmem:v2+s1+$0x0], $0xffff  }
0x3c: {  	v8 =	vld.idx.msk [tilespmem:v6+s1+$0x0], $0xffff  }
0x3d: {  	v11 =	vadd.s32 $0x1000, v20;
	v9 =	vld.idx.msk [tilespmem:v7+s1+$0x0], $0xffff  }
0x3e: {  	v13 =	vadd.s32 $0x2000, v5;
	v1 =	vld [tilespmem:s18+$0xFFFFFFE0]  }
0x3f: {  	v2 =	vld [tilespmem:s18+$0xFFFFFFF0]  }
0x40: {  	v22 =	vld [tilespmem:s17+$0x0];
	v15 =	vmul.f32 v3, v4  }
0x41: {  	v14 =	vld.idx.msk [tilespmem:v10+s1+$0x0], $0xffff  }
0x42: {  	v16 =	vadd.s32 $0x1000, v7;
	[tilespmem:v11+s14+$0x0] =	vst.idx.add.f32.msk $0xffff, v15  }
0x43: {  	v9 =	vmul.f32 v9, v1;
	v11 =	vadd.s32 $0x1000, v6;
	v13 =	vld.idx.msk [tilespmem:v13+s1+$0x0], $0xffff  }
0x44: {  	v3 =	vld [tilespmem:s18+$0x0];
	v8 =	vmul.f32 v8, v2  }
0x45: {  	[tilespmem:v12+s14+$0x0] =	vst.idx.add.f32.msk $0xffff, v9;
	v9 =	vadd.s32 $0x2000, v20  }
0x46: {  	[tilespmem:v21+s14+$0x0] =	vst.idx.add.f32.msk $0xffff, v8;
	v8 =	vadd.s32 $0x3000, v5  }
0x47: {  	v15 =	vld.idx.msk [tilespmem:v16+s1+$0x0], $0xffff  }
0x48: {  	v16 =	vadd.s32 $0x1000, v10;
	v11 =	vld.idx.msk [tilespmem:v11+s1+$0x0], $0xffff;
	v13 =	vmul.f32 v13, v4  }
0x49: {  	v17 =	vadd.s32 $0x1000, v12  }
0x4a: {  	v18 =	vadd.s32 $0x1000, v21;
	v14 =	vmul.f32 v14, v3;
	[tilespmem:v9+s14+$0x0] =	vst.idx.add.f32.msk $0xffff, v13  }
0x4b: {  	v9 =	vadd.s32 $0x2000, v7;
	v8 =	vld.idx.msk [tilespmem:v8+s1+$0x0], $0xffff  }
0x4c: {  	[tilespmem:v22+s14+$0x0] =	vst.idx.add.f32.msk $0xffff, v14;
	v14 =	vmul.f32 v15, v1;
	v13 =	vadd.s32 $0x2000, v6  }
0x4d: {  	v15 =	vld.idx.msk [tilespmem:v16+s1+$0x0], $0xffff;
	v16 =	vadd.s32 $0x3000, v20;
	v11 =	vmul.f32 v11, v2  }
0x4e: {  	[tilespmem:v17+s14+$0x0] =	vst.idx.add.f32.msk $0xffff, v14;
	v14 =	vadd.s32 $0x4000, v5  }
0x4f: {  	[tilespmem:v18+s14+$0x0] =	vst.idx.add.f32.msk $0xffff, v11  }
0x50: {  	v17 =	vadd.s32 $0x1000, v22;
	v9 =	vld.idx.msk [tilespmem:v9+s1+$0x0], $0xffff;
	v8 =	vmul.f32 v8, v4  }
0x51: {  	v11 =	vadd.s32 $0x2000, v10;
	v13 =	vld.idx.msk [tilespmem:v13+s1+$0x0], $0xffff  }
0x52: {  	v18 =	vadd.s32 $0x2000, v12;
	[tilespmem:v16+s14+$0x0] =	vst.idx.add.f32.msk $0xffff, v8  }
0x53: {  	v15 =	vmul.f32 v15, v3;
	v8 =	vadd.s32 $0x2000, v21;
	v14 =	vld.idx.msk [tilespmem:v14+s1+$0x0], $0xffff  }
0x54: {  	v16 =	vadd.s32 $0x3000, v7  }
0x55: {  	[tilespmem:v17+s14+$0x0] =	vst.idx.add.f32.msk $0xffff, v15;
	v15 =	vadd.s32 $0x4000, v20;
	v9 =	vmul.f32 v9, v1  }
0x56: {  	v17 =	vadd.s32 $0x5000, v5;
	v11 =	vld.idx.msk [tilespmem:v11+s1+$0x0], $0xffff;
	v13 =	vmul.f32 v13, v2  }
0x57: {  	[tilespmem:v18+s14+$0x0] =	vst.idx.add.f32.msk $0xffff, v9;
	v9 =	vadd.s32 $0x3000, v6  }
0x58: {  	v19 =	vadd.s32 $0x2000, v22;
	[tilespmem:v8+s14+$0x0] =	vst.idx.add.f32.msk $0xffff, v13;
	v8 =	vmul.f32 v14, v4  }
0x59: {  	v13 =	vadd.s32 $0x3000, v10;
	v14 =	vld.idx.msk [tilespmem:v16+s1+$0x0], $0xffff  }
0x5a: {  	[tilespmem:v15+s14+$0x0] =	vst.idx.add.f32.msk $0xffff, v8  }
0x5b: {  	v11 =	vmul.f32 v11, v3;
	v8 =	vadd.s32 $0x3000, v12;
	v15 =	vld.idx.msk [tilespmem:v17+s1+$0x0], $0xffff  }
0x5c: {  	v16 =	vadd.s32 $0x4000, v7;
	v9 =	vld.idx.msk [tilespmem:v9+s1+$0x0], $0xffff  }
0x5d: {  	[tilespmem:v19+s14+$0x0] =	vst.idx.add.f32.msk $0xffff, v11;
	v11 =	vadd.s32 $0x5000, v20  }
0x5e: {  	v18 =	vadd.s32 $0x3000, v21;
	v13 =	vld.idx.msk [tilespmem:v13+s1+$0x0], $0xffff;
	v14 =	vmul.f32 v14, v1  }
0x5f: {  	v17 =	vadd.s32 $0x6000, v5  }
0x60: {  	v19 =	vadd.s32 $0x3000, v22;
	[tilespmem:v8+s14+$0x0] =	vst.idx.add.f32.msk $0xffff, v14;
	v8 =	vmul.f32 v15, v4  }
0x61: {  	v14 =	vadd.s32 $0x4000, v6;
	v15 =	vld.idx.msk [tilespmem:v16+s1+$0x0], $0xffff;
	v9 =	vmul.f32 v9, v2  }
0x62: {  	v16 =	vadd.s32 $0x4000, v10;
	[tilespmem:v11+s14+$0x0] =	vst.idx.add.f32.msk $0xffff, v8  }
0x63: {  	v8 =	vmul.f32 v13, v3;
	[tilespmem:v18+s14+$0x0] =	vst.idx.add.f32.msk $0xffff, v9  }
0x64: {  	v13 =	vadd.s32 $0x4000, v12;
	v11 =	vld.idx.msk [tilespmem:v17+s1+$0x0], $0xffff  }
0x65: {  	v18 =	vadd.s32 $0x5000, v7;
	[tilespmem:v19+s14+$0x0] =	vst.idx.add.f32.msk $0xffff, v8  }
0x66: {  	v14 =	vld.idx.msk [tilespmem:v14+s1+$0x0], $0xffff;
	v19 =	vadd.s32 $0x6000, v20  }
0x67: {  	v9 =	vmul.f32 v15, v1;
	v15 =	vld.idx.msk [tilespmem:v16+s1+$0x0], $0xffff;
	v16 =	vadd.s32 $0x7000, v5  }
0x68: {  	v0 =	vadd.s32 $0x5000, v6;
	v24 =	vadd.s32 $0x4000, v21;
	v28 =	vadd.s32 $0x7000, v7  }
0x69: {  	v26 =	vadd.s32 $0x5000, v12;
	v5 =	vadd.s32 $0x4000, v22;
	[tilespmem:v13+s14+$0x0] =	vst.idx.add.f32.msk $0xffff, v9;
	v13 =	vmul.f32 v11, v4  }
0x6a: {  	v17 =	vadd.s32 $0x5000, v10;
	v8 =	vadd.s32 $0x6000, v7;
	v7 =	vadd.s32 $0x7000, v10;
	v25 =	vld.idx.msk [tilespmem:v18+s1+$0x0], $0xffff  }
0x6b: {  	v9 =	vadd.s32 $0x6000, v6;
	v11 =	vadd.s32 $0x6000, v10;
	v10 =	vmul.f32 v14, v2;
	[tilespmem:v19+s14+$0x0] =	vst.idx.add.f32.msk $0xffff, v13  }
0x6c: {  	v6 =	vadd.s32 $0x7000, v6;
	v18 =	vadd.s32 $0x5000, v21;
	v29 =	vmul.f32 v15, v3;
	v23 =	vld.idx.msk [tilespmem:v16+s1+$0x0], $0xffff  }
0x6d: {  	v14 =	vadd.s32 $0x6000, v21;
	v15 =	vadd.s32 $0x6000, v12;
	v19 =	vadd.s32 $0x5000, v22;
	[tilespmem:v24+s14+$0x0] =	vst.idx.add.f32.msk $0xffff, v10  }
0x6e: {  	v13 =	vadd.s32 $0x7000, v12;
	v12 =	vadd.s32 $0x7000, v22;
	v16 =	vadd.s32 $0x6000, v22;
	[tilespmem:v5+s14+$0x0] =	vst.idx.add.f32.msk $0xffff, v29  }
0x6f: {  	s20 =	simm.s32 $0x10060;
	s19 =	simm.s32 $0x0;
	v10 =	vadd.s32 $0x7000, v21;
	v22 =	vadd.s32 $0x7000, v20;
	v21 =	vld.idx.msk [tilespmem:v0+s1+$0x0], $0xffff;
	v24 =	vmul.f32 v25, v1  }
.LBB2_5:
0x70: {  	v20 =	vld [tilespmem:s20+$0x10]  }
0x71: {  	v30 =	vld [tilespmem:s20+$0xFFFFFFF0]  }
0x72: {  	v31 =	vld [tilespmem:s20+$0x0]  }
0x73: {  	v32 =	vld [tilespmem:s20+$0xFFFFFFE0]  }
0x74: {  	v37 =	vld.idx.msk [tilespmem:v17+s1+$0x0], $0xffff  }
0x75: {  	s18 =	sadd.s32 $0x40, s18;
	[tilespmem:v26+s14+$0x0] =	vst.idx.add.f32.msk $0xffff, v24  }
0x76: {  	s17 =	sadd.s32 $0x40, s17;
	v39 =	vld [tilespmem:s18+$0xFFFFFFF0]  }
0x77: {  	v53 =	vld [tilespmem:s17+$0xFFFFFFF0]  }
0x78: {  	v54 =	vld [tilespmem:s17+$0x0]  }
0x79: {  	v38 =	vld [tilespmem:s18+$0xFFFFFFE0];
	v4 =	vmul.f32 v23, v4  }
0x7a: {  	v58 =	vld.idx.msk [tilespmem:v8+s1+$0x0], $0xffff  }
0x7b: {  	[tilespmem:v22+s14+$0x0] =	vst.idx.add.f32.msk $0xffff, v4  }
0x7c: {  	v22 =	vld [tilespmem:s17+$0x10]  }
0x7d: {  	v4 =	vld [tilespmem:s18+$0x10]  }
0x7e: {  	v26 =	vld.idx.msk [tilespmem:v20+s1+$0x0], $0xffff  }
0x7f: {  	v44 =	vld.idx.msk [tilespmem:v30+s1+$0x0], $0xffff  }
0x80: {  	v34 =	vmul.f32 v21, v2;
	v40 =	vadd.s32 $0x1000, v30;
	v35 =	vadd.s32 $0x2000, v30;
	v47 =	vld.idx.msk [tilespmem:v31+s1+$0x0], $0xffff  }
0x81: {  	v23 =	vadd.s32 $0x3000, v30;
	v24 =	vadd.s32 $0x4000, v30;
	v51 =	vadd.s32 $0x1000, v20;
	v48 =	vld.idx.msk [tilespmem:v32+s1+$0x0], $0xffff  }
0x82: {  	v0 =	vadd.s32 $0x5000, v30;
	v46 =	vadd.s32 $0x6000, v30;
	v52 =	vadd.s32 $0x7000, v30;
	v30 =	vld [tilespmem:s18+$0x0]  }
0x83: {  	v41 =	vadd.s32 $0x1000, v31;
	v36 =	vadd.s32 $0x2000, v31;
	[tilespmem:v18+s14+$0x0] =	vst.idx.add.f32.msk $0xffff, v34;
	v26 =	vmul.f32 v26, v4  }
0x84: {  	v29 =	vadd.s32 $0x3000, v31;
	v42 =	vadd.s32 $0x1000, v32;
	v43 =	vadd.s32 $0x2000, v32;
	v61 =	vld.idx.msk [tilespmem:v9+s1+$0x0], $0xffff  }
0x85: {  	v33 =	vadd.s32 $0x3000, v32;
	v21 =	vadd.s32 $0x4000, v32;
	v44 =	vmul.f32 v44, v39;
	[tilespmem:v22+s14+$0x0] =	vst.idx.add.f32.msk $0xffff, v26  }
0x86: {  	v17 =	vadd.s32 $0x5000, v31;
	v45 =	vadd.s32 $0x6000, v32;
	v37 =	vmul.f32 v37, v3;
	[tilespmem:$0x1FFF0] =	vst v0;
	v26 =	vld.idx.msk [tilespmem:v51+s1+$0x0], $0xffff  }
0x87: {  	v49 =	vadd.s32 $0x7000, v32;
	v50 =	vadd.s32 $0x6000, v31;
	v0 =	vadd.s32 $0x4000, v31;
	[tilespmem:v53+s14+$0x0] =	vst.idx.add.f32.msk $0xffff, v44  }
0x88: {  	[tilespmem:$0x1FFD0] =	vst v0;
	v0 =	vadd.s32 $0x5000, v32;
	v32 =	vadd.s32 $0x7000, v31;
	v31 =	vadd.s32 $0x1000, v22;
	v51 =	vld [tilespmem:s17+$0xFFFFFFE0]  }
0x89: {  	v55 =	vadd.s32 $0x2000, v20;
	v47 =	vmul.f32 v47, v30;
	v40 =	vld.idx.msk [tilespmem:v40+s1+$0x0], $0xffff  }
0x8a: {  	[tilespmem:v19+s14+$0x0] =	vst.idx.add.f32.msk $0xffff, v37  }
0x8b: {  	v59 =	vadd.s32 $0x1000, v53;
	[tilespmem:v54+s14+$0x0] =	vst.idx.add.f32.msk $0xffff, v47;
	v18 =	vmul.f32 v26, v4  }
0x8c: {  	v41 =	vld.idx.msk [tilespmem:v41+s1+$0x0], $0xffff  }
0x8d: {  	v61 =	vmul.f32 v61, v2;
	[tilespmem:v31+s14+$0x0] =	vst.idx.add.f32.msk $0xffff, v18  }
0x8e: {  	v40 =	vmul.f32 v40, v39;
	v55 =	vld.idx.msk [tilespmem:v55+s1+$0x0], $0xffff  }
0x8f: {  	v48 =	vmul.f32 v48, v38;
	[tilespmem:v14+s14+$0x0] =	vst.idx.add.f32.msk $0xffff, v61  }
0x90: {  	v5 =	vadd.s32 $0x2000, v22;
	[tilespmem:v59+s14+$0x0] =	vst.idx.add.f32.msk $0xffff, v40  }
0x91: {  	v25 =	vadd.s32 $0x3000, v20;
	[tilespmem:v51+s14+$0x0] =	vst.idx.add.f32.msk $0xffff, v48  }
0x92: {  	v42 =	vld.idx.msk [tilespmem:v42+s1+$0x0], $0xffff  }
0x93: {  	v35 =	vld.idx.msk [tilespmem:v35+s1+$0x0], $0xffff;
	v55 =	vmul.f32 v55, v4  }
0x94: {  	v27 =	vld.idx.msk [tilespmem:v11+s1+$0x0], $0xffff;
	v56 =	vadd.s32 $0x1000, v51  }
0x95: {  	v60 =	vadd.s32 $0x2000, v53;
	v58 =	vmul.f32 v58, v1;
	[tilespmem:v5+s14+$0x0] =	vst.idx.add.f32.msk $0xffff, v55  }
0x96: {  	v62 =	vadd.s32 $0x1000, v54;
	v5 =	vld.idx.msk [tilespmem:v25+s1+$0x0], $0xffff  }
0x97: {  	v48 =	vadd.s32 $0x6000, v51;
	[tilespmem:v15+s14+$0x0] =	vst.idx.add.f32.msk $0xffff, v58;
	v25 =	vmul.f32 v42, v38  }
0x98: {  	v15 =	vmov v48;
	v48 =	vadd.s32 $0x3000, v22;
	v58 =	vld.idx.msk [tilespmem:v6+s1+$0x0], $0xffff;
	v35 =	vmul.f32 v35, v39  }
0x99: {  	v11 =	vmov v50;
	v50 =	vadd.s32 $0x4000, v20;
	[tilespmem:v56+s14+$0x0] =	vst.idx.add.f32.msk $0xffff, v25;
	v25 =	vmul.f32 v41, v30  }
0x9a: {  	[tilespmem:v60+s14+$0x0] =	vst.idx.add.f32.msk $0xffff, v35  }
0x9b: {  	[tilespmem:v62+s14+$0x0] =	vst.idx.add.f32.msk $0xffff, v25;
	v5 =	vmul.f32 v5, v4  }
0x9c: {  	v25 =	vld.idx.msk [tilespmem:v43+s1+$0x0], $0xffff  }
0x9d: {  	[tilespmem:v48+s14+$0x0] =	vst.idx.add.f32.msk $0xffff, v5  }
0x9e: {  	v57 =	vadd.s32 $0x2000, v51;
	v27 =	vmul.f32 v27, v3;
	v5 =	vld.idx.msk [tilespmem:v50+s1+$0x0], $0xffff  }
0x9f: {  	v36 =	vld.idx.msk [tilespmem:v36+s1+$0x0], $0xffff  }
0xa0: {  	[tilespmem:v16+s14+$0x0] =	vst.idx.add.f32.msk $0xffff, v27;
	v27 =	vadd.s32 $0x4000, v22  }
0xa1: {  	v23 =	vld.idx.msk [tilespmem:v23+s1+$0x0], $0xffff;
	v56 =	vadd.s32 $0x5000, v20;
	v25 =	vmul.f32 v25, v38  }
0xa2: {  	v63 =	vadd.s32 $0x2000, v54;
	v55 =	vld.idx.msk [tilespmem:v28+s1+$0x0], $0xffff  }
0xa3: {  	[tilespmem:v57+s14+$0x0] =	vst.idx.add.f32.msk $0xffff, v25;
	v5 =	vmul.f32 v5, v4  }
0xa4: {  	v9 =	vmov v46;
	v46 =	vadd.s32 $0x3000, v53;
	v25 =	vld.idx.msk [tilespmem:v33+s1+$0x0], $0xffff  }
0xa5: {  	v59 =	vmul.f32 v36, v30;
	[tilespmem:v27+s14+$0x0] =	vst.idx.add.f32.msk $0xffff, v5  }
0xa6: {  	v60 =	vmul.f32 v58, v2;
	v2 =	vmov v39;
	v5 =	vld.idx.msk [tilespmem:v56+s1+$0x0], $0xffff  }
0xa7: {  	v23 =	vmul.f32 v23, v2;
	[tilespmem:v63+s14+$0x0] =	vst.idx.add.f32.msk $0xffff, v59  }
0xa8: {  	v61 =	vadd.s32 $0x5000, v22;
	v29 =	vld.idx.msk [tilespmem:v29+s1+$0x0], $0xffff  }
0xa9: {  	v8 =	vmov v45;
	v45 =	vadd.s32 $0x3000, v51;
	[tilespmem:v46+s14+$0x0] =	vst.idx.add.f32.msk $0xffff, v23  }
0xaa: {  	[tilespmem:$0x1FFE0] =	vst v0;
	v0 =	vadd.s32 $0x3000, v54;
	v23 =	vld [tilespmem:$0x1FFD0];
	v27 =	vmul.f32 v55, v1  }
0xab: {  	v63 =	vld.idx.msk [tilespmem:v7+s1+$0x0], $0xffff;
	v1 =	vmov v38;
	v5 =	vmul.f32 v5, v4  }
0xac: {  	v25 =	vmul.f32 v25, v1;
	[tilespmem:v13+s14+$0x0] =	vst.idx.add.f32.msk $0xffff, v27  }
0xad: {  	[tilespmem:v61+s14+$0x0] =	vst.idx.add.f32.msk $0xffff, v5;
	v5 =	vmul.f32 v29, v30  }
0xae: {  	[tilespmem:v45+s14+$0x0] =	vst.idx.add.f32.msk $0xffff, v25  }
0xaf: {  	[tilespmem:v0+s14+$0x0] =	vst.idx.add.f32.msk $0xffff, v5  }
0xb0: {  	v62 =	vadd.s32 $0x6000, v20;
	v0 =	vld.idx.msk [tilespmem:v24+s1+$0x0], $0xffff  }
0xb1: {  	v21 =	vld.idx.msk [tilespmem:v21+s1+$0x0], $0xffff  }
0xb2: {  	v31 =	vadd.s32 $0x4000, v53;
	v24 =	vld.idx.msk [tilespmem:v23+s1+$0x0], $0xffff  }
0xb3: {  	v23 =	vld [tilespmem:$0x1FFE0];
	_ =	sdelay $0x1  }
0xb4: {  	v37 =	vadd.s32 $0x4000, v51;
	v25 =	vld.idx.msk [tilespmem:v62+s1+$0x0], $0xffff;
	v0 =	vmul.f32 v0, v2  }
0xb5: {  	[tilespmem:v10+s14+$0x0] =	vst.idx.add.f32.msk $0xffff, v60  }
0xb6: {  	v5 =	vadd.s32 $0x6000, v22;
	[tilespmem:v31+s14+$0x0] =	vst.idx.add.f32.msk $0xffff, v0  }
0xb7: {  	v21 =	vmul.f32 v21, v1;
	v0 =	vld [tilespmem:$0x1FFF0]  }
0xb8: {  	v34 =	vadd.s32 $0x4000, v54  }
0xb9: {  	s19 =	sadd.s32 $0x4, s19;
	v20 =	vadd.s32 $0x7000, v20;
	[tilespmem:v37+s14+$0x0] =	vst.idx.add.f32.msk $0xffff, v21;
	v21 =	vmul.f32 v25, v4  }
0xba: {  	p0 =	slt.u32 s19, $0x1FC;
	v27 =	vmul.f32 v63, v3;
	v3 =	vmov v30;
	v25 =	vld.idx.msk [tilespmem:v23+s1+$0x0], $0xffff  }
.Ltmp1:
0xbb: {  	v19 =	vadd.s32 $0x5000, v54;
	[tilespmem:v5+s14+$0x0] =	vst.idx.add.f32.msk $0xffff, v21;
	v5 =	vmul.f32 v24, v3;
	(pc) =	sbr.rel @p0 .LBB2_5-.Ltmp1, $4  }
0xbc: {  	v44 =	vadd.s32 $0x6000, v53;
	v47 =	vadd.s32 $0x6000, v54;
	v54 =	vadd.s32 $0x7000, v54;
	[tilespmem:v12+s14+$0x0] =	vst.idx.add.f32.msk $0xffff, v27  }
0xbd: {  	v14 =	vmovc v44;
	v26 =	vadd.s32 $0x5000, v51;
	v18 =	vadd.s32 $0x5000, v53;
	v53 =	vadd.s32 $0x7000, v53;
	[tilespmem:v34+s14+$0x0] =	vst.idx.add.f32.msk $0xffff, v5  }
0xbe: {  	v51 =	vadd.s32 $0x7000, v51;
	v6 =	vmovc v52;
	v28 =	vmovc v49;
	v16 =	vmov v47;
	v7 =	vmov v32;
	v23 =	vld.idx.msk [tilespmem:v20+s1+$0x0], $0xffff  }
0xbf: {  	s20 =	sadd.s32 $0x40, s20;
	v13 =	vmovc v51;
	v10 =	vmovc v53;
	v22 =	vadd.s32 $0x7000, v22;
	v12 =	vmov v54;
	v24 =	vmul.f32 v25, v1;
	v21 =	vld.idx.msk [tilespmem:v0+s1+$0x0], $0xffff  }
0xc0: {  	_ =	sdelay $0x3  }
0xc1: {  	v0 =	vld.idx.msk [tilespmem:v17+s1+$0x0], $0xffff;
	_ =	sdelay $0x3  }
0xc2: {  	[tilespmem:v26+s14+$0x0] =	vst.idx.add.f32.msk $0xffff, v24;
	v5 =	vmul.f32 v21, v2  }
0xc3: {  	v57 =	vld.idx.msk [tilespmem:v8+s1+$0x0], $0xffff;
	v0 =	vmul.f32 v0, v3  }
0xc4: {  	[tilespmem:v18+s14+$0x0] =	vst.idx.add.f32.msk $0xffff, v5  }
0xc5: {  	[tilespmem:v19+s14+$0x0] =	vst.idx.add.f32.msk $0xffff, v0  }
0xc6: {  	v5 =	vld.idx.msk [tilespmem:v9+s1+$0x0], $0xffff  }
0xc7: {  	v58 =	vld.idx.msk [tilespmem:v11+s1+$0x0], $0xffff;
	_ =	sdelay $0x1  }
0xc8: {  	v0 =	vmul.f32 v57, v1;
	_ =	sdelay $0x1  }
0xc9: {  	[tilespmem:v15+s14+$0x0] =	vst.idx.add.f32.msk $0xffff, v0;
	v5 =	vmul.f32 v5, v2  }
0xca: {  	v60 =	vld.idx.msk [tilespmem:v28+s1+$0x0], $0xffff;
	v59 =	vmul.f32 v58, v3  }
0xcb: {  	[tilespmem:v14+s14+$0x0] =	vst.idx.add.f32.msk $0xffff, v5  }
0xcc: {  	[tilespmem:v16+s14+$0x0] =	vst.idx.add.f32.msk $0xffff, v59  }
0xcd: {  	v5 =	vld.idx.msk [tilespmem:v6+s1+$0x0], $0xffff  }
0xce: {  	v61 =	vld.idx.msk [tilespmem:v7+s1+$0x0], $0xffff  }
0xcf: {  	s16 =	sadd.s32 $0x1, s16  }
0xd0: {  	p0 =	sne.s32 s16, $0x8;
	v4 =	vmul.f32 v23, v4  }
.Ltmp2:
0xd1: {  	v0 =	vmul.f32 v60, v1;
	(pc) =	sbr.rel @p0 .LBB2_4-.Ltmp2, $4  }
0xd2: {  	[tilespmem:v22+s14+$0x0] =	vst.idx.add.f32.msk $0xffff, v4;
	v62 =	vmul.f32 v5, v2  }
0xd3: {  	[tilespmem:v13+s14+$0x0] =	vst.idx.add.f32.msk $0xffff, v0;
	v63 =	vmul.f32 v61, v3  }
0xd4: {  	[tilespmem:v10+s14+$0x0] =	vst.idx.add.f32.msk $0xffff, v62  }
0xd5: {  	[tilespmem:v12+s14+$0x0] =	vst.idx.add.f32.msk $0xffff, v63  }
0xd6: {  	s15 =	sadd.s32 $0x1, s15  }
0xd7: {  	p0 =	sne.s32 s15, s9  }
.Ltmp3:
0xd8: {  	_ = 	snop;
	(pc) =	sbr.rel @p0 .LBB2_1-.Ltmp3, $4  }
0xd9: {  	[hbm4b:s8+s1] =	stream.linear.scatter [tilespmem:s14], [sflag:$0x1], $0x8000, $0x38;
	[tilespmem:$0x16000] =	vst v63  }
0xda: {  	_ =	swait.ge [sflag:s10], $0x8000  }
0xdb: {  	[sflag:s10] =	ssyncset.done $0x0  }
0xdc: {  	v0 =	vimm.f32 $0.0e+00;
	[sflag:s10] =	ssyncadd.s32 $0xFFFF8000  }
0xdd: {  	_ =	sfence.sel $0x180000  }
0xde: {  	[bflag:$0x0] =	sbarrier.arrive $0xFFFF  }
0xdf: {  	p0 =	sne.s32 s2, $0x0;
	_ =	strace $0x9000004D  }
0xe0: {  	s0 =	sadd.s32 @!p0 $0x100000, s0;
	[bflag:$0x2] =	sbarrier.arrive $0xFFFF  }
0xe1: {  	[sflag:s0] =	ssyncadd.tile.s32 @!p0 $0x1;
	_ =	shalt  }
.Lfunc_end2:
_tile_overlayer_lowered:
.L_overlay_start_2:
0xe2: {  	(tag) =	ssettag $0x2  }
0xe3: {  	s0 =	rddreg [dreg:$0x0];
	s2 =	stileid.u32  }
0xe4: {  	s1 =	rddreg [dreg:$0x1];
	p0 =	sne.s32 s2, $0x0  }
0xe5: {  	s3 =	rddreg [dreg:$0x2];
	[bflag:$0x3] =	sbarrier.arrive $0xFFFF;
	s2 =	simm.s32 @!p0 $0x1C01  }
0xe6: {  	[timem:s3], [sflag:s2] =	dma.local @!p0 [hbm:s0], s1  }
0xe7: {  	s0 =	simm.s32 @!p0 $0x1  }
0xe8: {  	_ =	swait.ge @!p0 [sflag:s0], s1  }
0xe9: {  	s1 =	ssub.s32 @!p0 $0x0, s1;
	[sflag:s0] =	ssyncset.done @!p0 $0x0  }
0xea: {  	[sflag:s0] =	ssyncadd.s32 @!p0 s1  }
0xeb: {  	[bflag:$0x3] =	sbarrier.arrive $0xFFFF  }
0xec: {  	_ =	shalt  }

// kernel: kernel.27.cloned.1.call-start
scs
__scs_entry_jumppad:
0x0: {  	(pc) =	sbr.rel $0x88, $3  }
0x1: {  	(tag) =	ssettag $0x0;
	lr =	simm.s32 $0x1  }
0x2: {  	[smem:$0x3F90] =	sst lr;
	_ =	strace $0xD0000000  }
0x3: {  	_ = 	snop  }
0x4: {  	_ = 	snop  }
0x5: {  	_ = 	snop  }
0x6: {  	_ = 	snop  }
0x7: {  	_ = 	snop  }
__scs_overlays_trampoline_lowered:
0x8: {  	[smem:$0x3F9F] =	sst s0  }
0x9: {  	[smem:$0x3FA0] =	sst s1  }
0xa: {  	[smem:$0x3FA1] =	sst s2  }
0xb: {  	[smem:$0x3FA2] =	sst s3  }
0xc: {  	[smem:$0x3FA3] =	sst s4  }
0xd: {  	[smem:$0x3FA4] =	sst s5  }
0xe: {  	[smem:$0x3FA5] =	sst s6  }
0xf: {  	[smem:$0x3FA6] =	sst s7  }
0x10: {  	[smem:$0x3FA7] =	sst s8  }
0x11: {  	[smem:$0x3FA8] =	sst s9;
	s0 =	simm.s32 @!p0 $0x0  }
0x12: {  	s1 =	sld [smem:$0x3F8E];
	s0 =	simm.s32 @p0 $0x1  }
0x13: {  	[smem:$0x3FA9] =	sst s0;
	s0 =	simm.s32 @!p1 $0x0  }
0x14: {  	s2 =	sld [smem:$0x3F8D];
	s0 =	simm.s32 @p1 $0x1  }
0x15: {  	[smem:$0x3FAA] =	sst s0;
	s0 =	simm.s32 @!p2 $0x0  }
0x16: {  	s3 =	sld [smem:$0x3FDB];
	s0 =	simm.s32 @p2 $0x1  }
0x17: {  	s4 =	simm.s32 $0x1BF5;
	[smem:$0x3FAC] =	sst s0  }
0x18: {  	s0 =	sld [smem:$0x3F8F];
	_ =	swait.ge [sflag:s4], $0x0  }
0x19: {  	s7 =	sld [smem:$0x3F90]  }
0x1a: {  	s8 =	sadd.s32 $0xFFFFE003, lr  }
0x1b: {  	s9 =	sadd.s32 $0xFFFFFEF7, lr;
	s5 =	simm.s32 $0xFFFFFFFF;
	p2 =	slt.u32 s8, $0xFFFFF086  }
0x1c: {  	p1 =	slt.u32 s9, $0xF7A;
	s5 =	simm.s32 @!p2 $0x0  }
0x1d: {  	s5 =	simm.s32 @p1 $0x1;
	p0 =	seq.s32 s7, s2  }
0x1e: {  	s7 =	smul.u32 @!p0 $0xF7A, s2;
	p2 =	seq.s32 @!p0 s5, $0x0  }
0x1f: {  	s9 =	smul.u32 $0xF7A, s1;
	s8 =	simm.s32 @!p0 $0x1BF5;
	p2 =	por !p2, p0  }
0x20: {  	[sflag:s8] =	ssyncset.s32 @!p0 $0xFFFFF086;
	s6 =	sadd.s32 @!p0 s3, s7;
	s7 =	simm.s32 @!p0 $0x108  }
0x21: {  	s3 =	sadd.s32 s3, s9;
	s6 =	sadd.s32 @!p0 $0x88, s6;
	s7 =	simm.s32 @p2 $0x1082  }
0x22: {  	[simem:s7], [sflag:s8] =	dma.local @!p0 [hbm:s6], $0xF7A  }
0x23: {  	s9 =	sor.u32 $0xD0000000, s2;
	s6 =	simm.s32 $0x108;
	_ =	swait.ge @!p0 [sflag:s8], $0x0  }
0x24: {  	s3 =	sadd.s32 $0x88, s3;
	s6 =	simm.s32 @!p1 $0x1082;
	[sflag:s4] =	ssyncset.s32 $0xFFFFF086  }
0x25: {  	[simem:s6], [sflag:s4] =	dma.local [hbm:s3], $0xF7A  }
0x26: {  	[smem:$0x3F90] =	sst s1;
	(tag) =	ssettag s2;
	_ =	strace s9  }
0x27: {  	s1 =	sld [smem:$0x3FA0]  }
0x28: {  	s2 =	sld [smem:$0x3FA1]  }
0x29: {  	s4 =	sld [smem:$0x3FA3]  }
0x2a: {  	p0 =	seq.s32 s5, $0x0;
	s5 =	sld [smem:$0x3FA4]  }
0x2b: {  	s6 =	sld [smem:$0x3FA5]  }
0x2c: {  	s7 =	sld [smem:$0x3FA6]  }
0x2d: {  	s3 =	simm.s32 $0x108;
	s8 =	sld [smem:$0x3FA7]  }
0x2e: {  	s3 =	simm.s32 @!p0 $0x1082;
	s9 =	sld [smem:$0x3FA8]  }
0x2f: {  	lr =	sadd.s32 s0, s3;
	s0 =	sld [smem:$0x3F9F]  }
0x30: {  	s3 =	sld [smem:$0x3FA2]  }
0x31: {  	[smem:$0x3FAB] =	sst s10  }
0x32: {  	s10 =	sld [smem:$0x3FA9];
	_ =	sdelay $0x3  }
0x33: {  	p0 =	seq.s32 s10, $0x1;
	s10 =	sld [smem:$0x3FAB];
	_ =	sdelay $0x3  }
0x34: {  	[smem:$0x3FAB] =	sst s10  }
0x35: {  	s10 =	sld [smem:$0x3FAA];
	_ =	sdelay $0x3  }
0x36: {  	p1 =	seq.s32 s10, $0x1;
	s10 =	sld [smem:$0x3FAB];
	_ =	sdelay $0x3  }
0x37: {  	[smem:$0x3FAB] =	sst s10  }
0x38: {  	s10 =	sld [smem:$0x3FAC]  }
0x39: {  	_ = 	snop;
	(pc) =	sbr.ind lr, $3  }
0x3a: {  	_ = 	snop  }
0x3b: {  	_ = 	snop  }
0x3c: {  	p2 =	seq.s32 s10, $0x1;
	s10 =	sld [smem:$0x3FAB]  }
0x3d: {  	_ =	shalt  }
0x3e: {  	_ =	shalt  }
0x3f: {  	_ =	shalt  }
0x40: {  	_ =	shalt  }
0x41: {  	_ =	shalt  }
0x42: {  	_ =	shalt  }
0x43: {  	_ =	shalt  }
0x44: {  	_ =	shalt  }
0x45: {  	_ =	shalt  }
0x46: {  	_ =	shalt  }
0x47: {  	_ =	shalt  }
0x48: {  	_ =	shalt  }
0x49: {  	_ =	shalt  }
0x4a: {  	_ =	shalt  }
0x4b: {  	_ =	shalt  }
0x4c: {  	_ =	shalt  }
0x4d: {  	_ =	shalt  }
0x4e: {  	_ =	shalt  }
0x4f: {  	_ =	shalt  }
0x50: {  	_ =	shalt  }
0x51: {  	_ =	shalt  }
0x52: {  	_ =	shalt  }
0x53: {  	_ =	shalt  }
0x54: {  	_ =	shalt  }
0x55: {  	_ =	shalt  }
0x56: {  	_ =	shalt  }
0x57: {  	_ =	shalt  }
0x58: {  	_ =	shalt  }
0x59: {  	_ =	shalt  }
0x5a: {  	_ =	shalt  }
0x5b: {  	_ =	shalt  }
0x5c: {  	_ =	shalt  }
0x5d: {  	_ =	shalt  }
0x5e: {  	_ =	shalt  }
0x5f: {  	_ =	shalt  }
0x60: {  	_ =	shalt  }
0x61: {  	_ =	shalt  }
0x62: {  	_ =	shalt  }
0x63: {  	_ =	shalt  }
0x64: {  	_ =	shalt  }
0x65: {  	_ =	shalt  }
0x66: {  	_ =	shalt  }
0x67: {  	_ =	shalt  }
0x68: {  	_ =	shalt  }
0x69: {  	_ =	shalt  }
0x6a: {  	_ =	shalt  }
0x6b: {  	_ =	shalt  }
0x6c: {  	_ =	shalt  }
0x6d: {  	_ =	shalt  }
0x6e: {  	_ =	shalt  }
0x6f: {  	_ =	shalt  }
0x70: {  	_ =	shalt  }
0x71: {  	_ =	shalt  }
0x72: {  	_ =	shalt  }
0x73: {  	_ =	shalt  }
0x74: {  	_ =	shalt  }
0x75: {  	_ =	shalt  }
0x76: {  	_ =	shalt  }
0x77: {  	_ =	shalt  }
0x78: {  	_ =	shalt  }
0x79: {  	_ =	shalt  }
0x7a: {  	_ =	shalt  }
0x7b: {  	_ =	shalt  }
0x7c: {  	_ =	shalt  }
0x7d: {  	_ =	shalt  }
0x7e: {  	_ =	shalt  }
0x7f: {  	_ =	shalt  }
0x80: {  	_ =	shalt  }
0x81: {  	_ =	shalt  }
0x82: {  	_ =	shalt  }
0x83: {  	_ =	shalt  }
0x84: {  	_ =	shalt  }
0x85: {  	_ =	shalt  }
0x86: {  	_ =	shalt  }
0x87: {  	_ =	shalt  }
.Lfunc_end0:
.L_simem_size_0:
called_computation.3_lowered:
.L_overlay_start_0:
0x88: {  	s2 =	sld [smem:$0x3FD9]  }
0x89: {  	s3 =	sld [smem:$0x3FFE];
	_ =	sdelay $0x1  }
0x8a: {  	s1 =	srdreg.scid  }
0x8b: {  	s0 =	sand.u32 $0x1, s1  }
0x8c: {  	s14 =	sshll.u32 s0, $0xA;
	s2 =	sadd.s32 s3, s2  }
0x8d: {  	s2 =	sadd.s32 s2, s14  }
0x8e: {  	[smem:$0x3FB7] =	sst s2  }
0x8f: {  	_ = 	snop  }
0x90: {  	s2 =	sld [smem:$0x3FD0];
	_ =	sdelay $0x2  }
0x91: {  	s15 =	simm.s32 $0xA;
	s4 =	simm.s32 $0x10  }
0x92: {  	[smem:s4], [sflag:s15] =	dma.local [hbm:s2], $0x1  }
0x93: {  	_ =	swait.eq [sflag:s15], $0x1  }
0x94: {  	[sflag:s15] =	ssyncset.done $0x0  }
0x95: {  	[sflag:s15] =	ssyncadd.s32 $0xFFFFFFFF  }
0x96: {  	s16 =	sld [smem:$0x11];
	(tm) =	ssettm $0x1  }
0x97: {  	s17 =	sld [smem:$0x3FFB];
	_ =	sdelay $0x3  }
0x98: {  	_ =	strace s17  }
0x99: {  	s3 =	sld [smem:$0x3FFC];
	_ =	sdelay $0x3  }
0x9a: {  	_ =	strace s3  }
0x9b: {  	s3 =	sld [smem:$0x3FFD];
	_ =	sdelay $0x3  }
0x9c: {  	_ =	strace s3  }
0x9d: {  	_ =	strace $0x8FFFFFFF  }
0x9e: {  	s18 =	sld [smem:$0x3FDB];
	_ =	sdelay $0x1  }
0x9f: {  	s19 =	simm.s32 $_scs_section_size  }
0xa0: {  	s5 =	simm.s32 $_size__tile_overlayer_lowered;
	s6 =	simm.s32 $_tile_overlayer_lowered  }
0xa1: {  	s22 =	simm.s32 $0x1BFF;
	s21 =	sshll.u32 s6, $0x1;
	s3 =	sadd.s32 s19, s18  }
0xa2: {  	s7 =	simm.s32 $0x0;
	s20 =	sshll.u32 s5, $0x1;
	s5 =	sadd.s32 s21, s3  }
0xa3: {  	[timem:s7], [sflag:s22] =	dma.local [hbm:s5], s20  }
0xa4: {  	_ =	swait.ge [sflag:s22], s20  }
0xa5: {  	s4 =	ssub.s32 $0x0, s20;
	[sflag:s22] =	ssyncset.done $0x0  }
0xa6: {  	[sflag:s22] =	ssyncadd.s32 s4;
	_ =	sdelay $0x1  }
0xa7: {  	s23 =	simm.s32 $0x1B8B  }
0xa8: {  	_ =	swait.ge [sflag:s23], $0x1  }
0xa9: {  	[sflag:s23] =	ssyncset.done $0x0  }
0xaa: {  	s25 =	simm.s32 $0x1B8E;
	s24 =	sld [smem:$0x3FFE];
	[sflag:s23] =	ssyncadd.s32 $0xFFFFFFFF  }
0xab: {  	s26 =	simm.s32 $execute0_lowered;
	[smem:$0x3FD2] =	sst s25  }
0xac: {  	s5 =	sshll.u32 s26, $0x1;
	_ =	strace $0x8000004F;
	[dreg:$0x1] =	wrdreg $0xFFFFFFFF  }
0xad: {  	s28 =	simm.s32 $_size_execute0_lowered;
	s3 =	sadd.s32 s3, s5;
	[dreg:$0x0] =	wrdreg $0x0  }
0xae: {  	s5 =	sshll.u32 s28, $0x1;
	[dreg:$0x2] =	wrdreg s3  }
0xaf: {  	[dreg:$0x3] =	wrdreg s5  }
0xb0: {  	[dreg:$0x4] =	wrdreg $0xC0  }
0xb1: {  	_ =	task [dreg:s7], $0x5FFFF  }
0xb2: {  	[dreg:$0x1] =	wrdreg $0xFFFFFFFF  }
0xb3: {  	[dreg:$0x0] =	wrdreg $0x60  }
0xb4: {  	[dreg:$0x2] =	wrdreg s16  }
0xb5: {  	[dreg:$0x3] =	wrdreg s24  }
0xb6: {  	[dreg:$0x4] =	wrdreg $0x9  }
0xb7: {  	_ =	task.clear_ibuf [dreg:s7], $0x5FFFF;
	_ =	strace $0x9000004F  }
0xb8: {  	s29 =	simm.s32 $0x9;
	_ =	strace $0x80000051  }
0xb9: {  	_ =	swait.ge [sflag:s29], $0x1  }
0xba: {  	[sflag:s29] =	ssyncadd.s32 $0xFFFFFFFF  }
0xbb: {  	_ =	strace $0x90000051  }
0xbc: {  	_ =	sfence  }
0xbd: {  	s30 =	sld [smem:$0x0];
	_ =	sdelay $0x2  }
0xbe: {  	s31 =	sshll.u32 s1, $0xD;
	s1 =	sshrl.u32 s1, $0x2  }
0xbf: {  	s3 =	sand.u32 $0x4000, s31;
	s1 =	sadd.s32 s1, s30  }
0xc0: {  	s0 =	sor.u32 s3, s0;
	s1 =	sshll.u32 s1, $0x11  }
0xc1: {  	s0 =	sor.u32 s1, s0  }
0xc2: {  	s0 =	sadd.s32 $0x8F2B, s0  }
0xc3: {  	[sflag:s0] =	ssyncadd.remote.s32 $0x1  }
0xc4: {  	_ =	sfence.sel $0xFFFF  }
0xc5: {  	[dreg:$0x0] =	wrdreg $0xFFFFFFFF;
	(pc) =	sbr.abs _section_cstart, $3  }
0xc6: {  	[dreg:$0x1] =	wrdreg $0xFFFFFFFF  }
0xc7: {  	_ =	task.clear_ibuf [dreg:s7], $0x2FFFF;
	_ =	strace $0x9FFFFFFF  }
0xc8: {  	(tm) =	ssettm $0x7FFFFFFF  }
0xc9: {  	_ =	shalt  }
tec
execute0_lowered:
.L_overlay_start_1:
0x0: {  	(tag) =	ssettag $0x1  }
0x1: {  	s6 =	rddreg [dreg:$0x0]  }
0x2: {  	s7 =	rddreg [dreg:$0x1]  }
0x3: {  	s0 =	rddreg [dreg:$0x2];
	s1 =	simm.s32 $0x0;
	s5 =	srdreg.scid  }
0x4: {  	s2 =	stileid.u32;
	s13 =	simm.s32 $0x14000;
	s14 =	simm.s32 $0x8000  }
0x5: {  	s15 =	simm.s32 $0x0;
	[smem:$0x7FF] =	sst s1;
	s3 =	sadd.s32 $0x9600, s7  }
0x6: {  	s4 =	sadd.s32 $0x5600, s7;
	s8 =	sand.u32 $0x1, s5;
	s5 =	sadd.s32 $0xD600, s7  }
0x7: {  	s9 =	sshll.u32 s2, $0xC;
	_ =	strace $0x80000050;
	s10 =	ssub.s32 $0x2, s8  }
0x8: {  	s7 =	sadd.s32 s9, s7;
	s12 =	sshll.u32 s8, $0x10;
	s6 =	sadd.s32 s6, s9  }
0x9: {  	s11 =	sshrl.u32 s10, $0x1;
	s31 =	sadd.s32 s12, s7;
	s7 =	sshll.u32 s8, $0xD  }
0xa: {  	s12 =	simm.s32 $0x12000;
	s10 =	ssub.s32 s10, s11;
	s8 =	sadd.s32 $0x11600, s31  }
0xb: {  	v0 =	vimm.f32 $0.0e+00;
	s11 =	simm.s32 $0x10000;
	s9 =	smax.u32 s10, $0x1;
	s10 =	simm.s32 $0x1  }
.LBB2_1:
0xc: {  	[tilespmem:s1], [sflag:$0x1] =	stream.linear.gather [hbm4b:s6+s1], $0x8000, $0x38;
	[tilespmem:$0x16000] =	vst v63  }
0xd: {  	_ =	swait.ge [sflag:s10], $0x8000  }
0xe: {  	[sflag:s10] =	ssyncset.done $0x0  }
0xf: {  	s16 =	simm.s32 $0x8040;
	[sflag:s10] =	ssyncadd.s32 $0xFFFF8000  }
0x10: {  	[tilespmem:s16+$0xFFFFFFC0] =	vst v0  }
0x11: {  	[tilespmem:s16+$0x30] =	vst v0  }
0x12: {  	[tilespmem:s16+$0x20] =	vst v0  }
0x13: {  	[tilespmem:s16+$0x10] =	vst v0  }
0x14: {  	[tilespmem:s16+$0x0] =	vst v0  }
0x15: {  	[tilespmem:s16+$0xFFFFFFF0] =	vst v0  }
0x16: {  	s17 =	simm.s32 $0x0;
	[tilespmem:s16+$0xFFFFFFE0] =	vst v0  }
.LBB2_2:
0x17: {  	s17 =	sadd.s32 $0x8, s17;
	[tilespmem:s16+$0xFFFFFFD0] =	vst v0;
	s16 =	sadd.s32 $0x80, s16  }
0x18: {  	[tilespmem:s16+$0xFFFFFFC0] =	vst v0;
	p0 =	slt.u32 s17, $0x7F8  }
0x19: {  	[tilespmem:s16+$0x30] =	vst v0  }
.Ltmp0:
0x1a: {  	[tilespmem:s16+$0x20] =	vst v0;
	(pc) =	sbr.rel @p0 .LBB2_2-.Ltmp0, $4  }
0x1b: {  	[tilespmem:s16+$0x10] =	vst v0  }
0x1c: {  	[tilespmem:s16+$0x0] =	vst v0  }
0x1d: {  	[tilespmem:s16+$0xFFFFFFF0] =	vst v0  }
0x1e: {  	[tilespmem:s16+$0xFFFFFFE0] =	vst v0  }
0x1f: {  	[tilespmem:s16+$0xFFFFFFD0] =	vst v0;
	s16 =	simm.s32 $0x0  }
.LBB2_4:
0x20: {  	s17 =	sshll.u32 s16, $0xA  }
0x21: {  	s17 =	sadd.s32 s7, s17  }
0x22: {  	s18 =	sadd.s32 s3, s17  }
0x23: {  	[tilespmem:s11], [sflag:$0x1] =	stream.linear.gather [hbm4b:s18+s1], $0x2000, $0x38;
	[tilespmem:$0x16000] =	vst v63  }
0x24: {  	_ =	swait.ge [sflag:s10], $0x2000  }
0x25: {  	[sflag:s10] =	ssyncset.done $0x0  }
0x26: {  	s31 =	sadd.s32 s4, s17;
	[sflag:s10] =	ssyncadd.s32 $0xFFFFE000  }
0x27: {  	[tilespmem:s12], [sflag:$0x1] =	stream.linear.gather [hbm4b:s31+s1], $0x2000, $0x38;
	[tilespmem:$0x16000] =	vst v63  }
0x28: {  	_ =	swait.ge [sflag:s10], $0x2000  }
0x29: {  	[sflag:s10] =	ssyncset.done $0x0  }
0x2a: {  	s17 =	sadd.s32 s5, s17;
	[sflag:s10] =	ssyncadd.s32 $0xFFFFE000  }
0x2b: {  	[tilespmem:s13], [sflag:$0x1] =	stream.linear.gather [hbm4b:s17+s1], $0x2000, $0x38;
	[tilespmem:$0x16000] =	vst v63  }
0x2c: {  	_ =	swait.ge [sflag:s10], $0x2000  }
0x2d: {  	[sflag:s10] =	ssyncset.done $0x0  }
0x2e: {  	s19 =	simm.s32 $0x10020;
	[sflag:s10] =	ssyncadd.s32 $0xFFFFE000  }
0x2f: {  	v5 =	vld [tilespmem:s19+$0x10];
	_ =	sdelay $0x4  }
0x30: {  	s17 =	simm.s32 $0x12020  }
0x31: {  	s18 =	simm.s32 $0x14020;
	v20 =	vld [tilespmem:s17+$0x10]  }
0x32: {  	v4 =	vld [tilespmem:s18+$0x10]  }
0x33: {  	v1 =	vld.idx.msk [tilespmem:v5+s1+$0x0], $0xffff  }
0x34: {  	v6 =	vld [tilespmem:s19+$0xFFFFFFF0]  }
0x35: {  	v7 =	vld [tilespmem:s19+$0xFFFFFFE0]  }
0x36: {  	v2 =	vadd.s32 $0x1000, v5  }
0x37: {  	v10 =	vld [tilespmem:s19+$0x0]  }
0x38: {  	v12 =	vld [tilespmem:s17+$0xFFFFFFE0];
	v1 =	vmul.f32 v1, v4  }
0x39: {  	v21 =	vld [tilespmem:s17+$0xFFFFFFF0]  }
0x3a: {  	[tilespmem:v20+s14+$0x0] =	vst.idx.add.f32.msk $0xffff, v1  }
0x3b: {  	v3 =	vld.idx.msk [tilespmem:v2+s1+$0x0], $0xffff  }
0x3c: {  	v8 =	vld.idx.msk [tilespmem:v6+s1+$0x0], $0xffff  }
0x3d: {  	v11 =	vadd.s32 $0x1000, v20;
	v9 =	vld.idx.msk [tilespmem:v7+s1+$0x0], $0xffff  }
0x3e: {  	v13 =	vadd.s32 $0x2000, v5;
	v1 =	vld [tilespmem:s18+$0xFFFFFFE0]  }
0x3f: {  	v2 =	vld [tilespmem:s18+$0xFFFFFFF0]  }
0x40: {  	v22 =	vld [tilespmem:s17+$0x0];
	v15 =	vmul.f32 v3, v4  }
0x41: {  	v14 =	vld.idx.msk [tilespmem:v10+s1+$0x0], $0xffff  }
0x42: {  	v16 =	vadd.s32 $0x1000, v7;
	[tilespmem:v11+s14+$0x0] =	vst.idx.add.f32.msk $0xffff, v15  }
0x43: {  	v9 =	vmul.f32 v9, v1;
	v11 =	vadd.s32 $0x1000, v6;
	v13 =	vld.idx.msk [tilespmem:v13+s1+$0x0], $0xffff  }
0x44: {  	v3 =	vld [tilespmem:s18+$0x0];
	v8 =	vmul.f32 v8, v2  }
0x45: {  	[tilespmem:v12+s14+$0x0] =	vst.idx.add.f32.msk $0xffff, v9;
	v9 =	vadd.s32 $0x2000, v20  }
0x46: {  	[tilespmem:v21+s14+$0x0] =	vst.idx.add.f32.msk $0xffff, v8;
	v8 =	vadd.s32 $0x3000, v5  }
0x47: {  	v15 =	vld.idx.msk [tilespmem:v16+s1+$0x0], $0xffff  }
0x48: {  	v16 =	vadd.s32 $0x1000, v10;
	v11 =	vld.idx.msk [tilespmem:v11+s1+$0x0], $0xffff;
	v13 =	vmul.f32 v13, v4  }
0x49: {  	v17 =	vadd.s32 $0x1000, v12  }
0x4a: {  	v18 =	vadd.s32 $0x1000, v21;
	v14 =	vmul.f32 v14, v3;
	[tilespmem:v9+s14+$0x0] =	vst.idx.add.f32.msk $0xffff, v13  }
0x4b: {  	v9 =	vadd.s32 $0x2000, v7;
	v8 =	vld.idx.msk [tilespmem:v8+s1+$0x0], $0xffff  }
0x4c: {  	[tilespmem:v22+s14+$0x0] =	vst.idx.add.f32.msk $0xffff, v14;
	v14 =	vmul.f32 v15, v1;
	v13 =	vadd.s32 $0x2000, v6  }
0x4d: {  	v15 =	vld.idx.msk [tilespmem:v16+s1+$0x0], $0xffff;
	v16 =	vadd.s32 $0x3000, v20;
	v11 =	vmul.f32 v11, v2  }
0x4e: {  	[tilespmem:v17+s14+$0x0] =	vst.idx.add.f32.msk $0xffff, v14;
	v14 =	vadd.s32 $0x4000, v5  }
0x4f: {  	[tilespmem:v18+s14+$0x0] =	vst.idx.add.f32.msk $0xffff, v11  }
0x50: {  	v17 =	vadd.s32 $0x1000, v22;
	v9 =	vld.idx.msk [tilespmem:v9+s1+$0x0], $0xffff;
	v8 =	vmul.f32 v8, v4  }
0x51: {  	v11 =	vadd.s32 $0x2000, v10;
	v13 =	vld.idx.msk [tilespmem:v13+s1+$0x0], $0xffff  }
0x52: {  	v18 =	vadd.s32 $0x2000, v12;
	[tilespmem:v16+s14+$0x0] =	vst.idx.add.f32.msk $0xffff, v8  }
0x53: {  	v15 =	vmul.f32 v15, v3;
	v8 =	vadd.s32 $0x2000, v21;
	v14 =	vld.idx.msk [tilespmem:v14+s1+$0x0], $0xffff  }
0x54: {  	v16 =	vadd.s32 $0x3000, v7  }
0x55: {  	[tilespmem:v17+s14+$0x0] =	vst.idx.add.f32.msk $0xffff, v15;
	v15 =	vadd.s32 $0x4000, v20;
	v9 =	vmul.f32 v9, v1  }
0x56: {  	v17 =	vadd.s32 $0x5000, v5;
	v11 =	vld.idx.msk [tilespmem:v11+s1+$0x0], $0xffff;
	v13 =	vmul.f32 v13, v2  }
0x57: {  	[tilespmem:v18+s14+$0x0] =	vst.idx.add.f32.msk $0xffff, v9;
	v9 =	vadd.s32 $0x3000, v6  }
0x58: {  	v19 =	vadd.s32 $0x2000, v22;
	[tilespmem:v8+s14+$0x0] =	vst.idx.add.f32.msk $0xffff, v13;
	v8 =	vmul.f32 v14, v4  }
0x59: {  	v13 =	vadd.s32 $0x3000, v10;
	v14 =	vld.idx.msk [tilespmem:v16+s1+$0x0], $0xffff  }
0x5a: {  	[tilespmem:v15+s14+$0x0] =	vst.idx.add.f32.msk $0xffff, v8  }
0x5b: {  	v11 =	vmul.f32 v11, v3;
	v8 =	vadd.s32 $0x3000, v12;
	v15 =	vld.idx.msk [tilespmem:v17+s1+$0x0], $0xffff  }
0x5c: {  	v16 =	vadd.s32 $0x4000, v7;
	v9 =	vld.idx.msk [tilespmem:v9+s1+$0x0], $0xffff  }
0x5d: {  	[tilespmem:v19+s14+$0x0] =	vst.idx.add.f32.msk $0xffff, v11;
	v11 =	vadd.s32 $0x5000, v20  }
0x5e: {  	v18 =	vadd.s32 $0x3000, v21;
	v13 =	vld.idx.msk [tilespmem:v13+s1+$0x0], $0xffff;
	v14 =	vmul.f32 v14, v1  }
0x5f: {  	v17 =	vadd.s32 $0x6000, v5  }
0x60: {  	v19 =	vadd.s32 $0x3000, v22;
	[tilespmem:v8+s14+$0x0] =	vst.idx.add.f32.msk $0xffff, v14;
	v8 =	vmul.f32 v15, v4  }
0x61: {  	v14 =	vadd.s32 $0x4000, v6;
	v15 =	vld.idx.msk [tilespmem:v16+s1+$0x0], $0xffff;
	v9 =	vmul.f32 v9, v2  }
0x62: {  	v16 =	vadd.s32 $0x4000, v10;
	[tilespmem:v11+s14+$0x0] =	vst.idx.add.f32.msk $0xffff, v8  }
0x63: {  	v8 =	vmul.f32 v13, v3;
	[tilespmem:v18+s14+$0x0] =	vst.idx.add.f32.msk $0xffff, v9  }
0x64: {  	v13 =	vadd.s32 $0x4000, v12;
	v11 =	vld.idx.msk [tilespmem:v17+s1+$0x0], $0xffff  }
0x65: {  	v18 =	vadd.s32 $0x5000, v7;
	[tilespmem:v19+s14+$0x0] =	vst.idx.add.f32.msk $0xffff, v8  }
0x66: {  	v14 =	vld.idx.msk [tilespmem:v14+s1+$0x0], $0xffff;
	v19 =	vadd.s32 $0x6000, v20  }
0x67: {  	v9 =	vmul.f32 v15, v1;
	v15 =	vld.idx.msk [tilespmem:v16+s1+$0x0], $0xffff;
	v16 =	vadd.s32 $0x7000, v5  }
0x68: {  	v0 =	vadd.s32 $0x5000, v6;
	v24 =	vadd.s32 $0x4000, v21;
	v28 =	vadd.s32 $0x7000, v7  }
0x69: {  	v26 =	vadd.s32 $0x5000, v12;
	v5 =	vadd.s32 $0x4000, v22;
	[tilespmem:v13+s14+$0x0] =	vst.idx.add.f32.msk $0xffff, v9;
	v13 =	vmul.f32 v11, v4  }
0x6a: {  	v17 =	vadd.s32 $0x5000, v10;
	v8 =	vadd.s32 $0x6000, v7;
	v7 =	vadd.s32 $0x7000, v10;
	v25 =	vld.idx.msk [tilespmem:v18+s1+$0x0], $0xffff  }
0x6b: {  	v9 =	vadd.s32 $0x6000, v6;
	v11 =	vadd.s32 $0x6000, v10;
	v10 =	vmul.f32 v14, v2;
	[tilespmem:v19+s14+$0x0] =	vst.idx.add.f32.msk $0xffff, v13  }
0x6c: {  	v6 =	vadd.s32 $0x7000, v6;
	v18 =	vadd.s32 $0x5000, v21;
	v29 =	vmul.f32 v15, v3;
	v23 =	vld.idx.msk [tilespmem:v16+s1+$0x0], $0xffff  }
0x6d: {  	v14 =	vadd.s32 $0x6000, v21;
	v15 =	vadd.s32 $0x6000, v12;
	v19 =	vadd.s32 $0x5000, v22;
	[tilespmem:v24+s14+$0x0] =	vst.idx.add.f32.msk $0xffff, v10  }
0x6e: {  	v13 =	vadd.s32 $0x7000, v12;
	v12 =	vadd.s32 $0x7000, v22;
	v16 =	vadd.s32 $0x6000, v22;
	[tilespmem:v5+s14+$0x0] =	vst.idx.add.f32.msk $0xffff, v29  }
0x6f: {  	s20 =	simm.s32 $0x10060;
	s19 =	simm.s32 $0x0;
	v10 =	vadd.s32 $0x7000, v21;
	v22 =	vadd.s32 $0x7000, v20;
	v21 =	vld.idx.msk [tilespmem:v0+s1+$0x0], $0xffff;
	v24 =	vmul.f32 v25, v1  }
.LBB2_5:
0x70: {  	v20 =	vld [tilespmem:s20+$0x10]  }
0x71: {  	v30 =	vld [tilespmem:s20+$0xFFFFFFF0]  }
0x72: {  	v31 =	vld [tilespmem:s20+$0x0]  }
0x73: {  	v32 =	vld [tilespmem:s20+$0xFFFFFFE0]  }
0x74: {  	v37 =	vld.idx.msk [tilespmem:v17+s1+$0x0], $0xffff  }
0x75: {  	s18 =	sadd.s32 $0x40, s18;
	[tilespmem:v26+s14+$0x0] =	vst.idx.add.f32.msk $0xffff, v24  }
0x76: {  	s17 =	sadd.s32 $0x40, s17;
	v39 =	vld [tilespmem:s18+$0xFFFFFFF0]  }
0x77: {  	v53 =	vld [tilespmem:s17+$0xFFFFFFF0]  }
0x78: {  	v54 =	vld [tilespmem:s17+$0x0]  }
0x79: {  	v38 =	vld [tilespmem:s18+$0xFFFFFFE0];
	v4 =	vmul.f32 v23, v4  }
0x7a: {  	v58 =	vld.idx.msk [tilespmem:v8+s1+$0x0], $0xffff  }
0x7b: {  	[tilespmem:v22+s14+$0x0] =	vst.idx.add.f32.msk $0xffff, v4  }
0x7c: {  	v22 =	vld [tilespmem:s17+$0x10]  }
0x7d: {  	v4 =	vld [tilespmem:s18+$0x10]  }
0x7e: {  	v26 =	vld.idx.msk [tilespmem:v20+s1+$0x0], $0xffff  }
0x7f: {  	v44 =	vld.idx.msk [tilespmem:v30+s1+$0x0], $0xffff  }
0x80: {  	v34 =	vmul.f32 v21, v2;
	v40 =	vadd.s32 $0x1000, v30;
	v35 =	vadd.s32 $0x2000, v30;
	v47 =	vld.idx.msk [tilespmem:v31+s1+$0x0], $0xffff  }
0x81: {  	v23 =	vadd.s32 $0x3000, v30;
	v24 =	vadd.s32 $0x4000, v30;
	v51 =	vadd.s32 $0x1000, v20;
	v48 =	vld.idx.msk [tilespmem:v32+s1+$0x0], $0xffff  }
0x82: {  	v0 =	vadd.s32 $0x5000, v30;
	v46 =	vadd.s32 $0x6000, v30;
	v52 =	vadd.s32 $0x7000, v30;
	v30 =	vld [tilespmem:s18+$0x0]  }
0x83: {  	v41 =	vadd.s32 $0x1000, v31;
	v36 =	vadd.s32 $0x2000, v31;
	[tilespmem:v18+s14+$0x0] =	vst.idx.add.f32.msk $0xffff, v34;
	v26 =	vmul.f32 v26, v4  }
0x84: {  	v29 =	vadd.s32 $0x3000, v31;
	v42 =	vadd.s32 $0x1000, v32;
	v43 =	vadd.s32 $0x2000, v32;
	v61 =	vld.idx.msk [tilespmem:v9+s1+$0x0], $0xffff  }
0x85: {  	v33 =	vadd.s32 $0x3000, v32;
	v21 =	vadd.s32 $0x4000, v32;
	v44 =	vmul.f32 v44, v39;
	[tilespmem:v22+s14+$0x0] =	vst.idx.add.f32.msk $0xffff, v26  }
0x86: {  	v17 =	vadd.s32 $0x5000, v31;
	v45 =	vadd.s32 $0x6000, v32;
	v37 =	vmul.f32 v37, v3;
	[tilespmem:$0x1FFF0] =	vst v0;
	v26 =	vld.idx.msk [tilespmem:v51+s1+$0x0], $0xffff  }
0x87: {  	v49 =	vadd.s32 $0x7000, v32;
	v50 =	vadd.s32 $0x6000, v31;
	v0 =	vadd.s32 $0x4000, v31;
	[tilespmem:v53+s14+$0x0] =	vst.idx.add.f32.msk $0xffff, v44  }
0x88: {  	[tilespmem:$0x1FFD0] =	vst v0;
	v0 =	vadd.s32 $0x5000, v32;
	v32 =	vadd.s32 $0x7000, v31;
	v31 =	vadd.s32 $0x1000, v22;
	v51 =	vld [tilespmem:s17+$0xFFFFFFE0]  }
0x89: {  	v55 =	vadd.s32 $0x2000, v20;
	v47 =	vmul.f32 v47, v30;
	v40 =	vld.idx.msk [tilespmem:v40+s1+$0x0], $0xffff  }
0x8a: {  	[tilespmem:v19+s14+$0x0] =	vst.idx.add.f32.msk $0xffff, v37  }
0x8b: {  	v59 =	vadd.s32 $0x1000, v53;
	[tilespmem:v54+s14+$0x0] =	vst.idx.add.f32.msk $0xffff, v47;
	v18 =	vmul.f32 v26, v4  }
0x8c: {  	v41 =	vld.idx.msk [tilespmem:v41+s1+$0x0], $0xffff  }
0x8d: {  	v61 =	vmul.f32 v61, v2;
	[tilespmem:v31+s14+$0x0] =	vst.idx.add.f32.msk $0xffff, v18  }
0x8e: {  	v40 =	vmul.f32 v40, v39;
	v55 =	vld.idx.msk [tilespmem:v55+s1+$0x0], $0xffff  }
0x8f: {  	v48 =	vmul.f32 v48, v38;
	[tilespmem:v14+s14+$0x0] =	vst.idx.add.f32.msk $0xffff, v61  }
0x90: {  	v5 =	vadd.s32 $0x2000, v22;
	[tilespmem:v59+s14+$0x0] =	vst.idx.add.f32.msk $0xffff, v40  }
0x91: {  	v25 =	vadd.s32 $0x3000, v20;
	[tilespmem:v51+s14+$0x0] =	vst.idx.add.f32.msk $0xffff, v48  }
0x92: {  	v42 =	vld.idx.msk [tilespmem:v42+s1+$0x0], $0xffff  }
0x93: {  	v35 =	vld.idx.msk [tilespmem:v35+s1+$0x0], $0xffff;
	v55 =	vmul.f32 v55, v4  }
0x94: {  	v27 =	vld.idx.msk [tilespmem:v11+s1+$0x0], $0xffff;
	v56 =	vadd.s32 $0x1000, v51  }
0x95: {  	v60 =	vadd.s32 $0x2000, v53;
	v58 =	vmul.f32 v58, v1;
	[tilespmem:v5+s14+$0x0] =	vst.idx.add.f32.msk $0xffff, v55  }
0x96: {  	v62 =	vadd.s32 $0x1000, v54;
	v5 =	vld.idx.msk [tilespmem:v25+s1+$0x0], $0xffff  }
0x97: {  	v48 =	vadd.s32 $0x6000, v51;
	[tilespmem:v15+s14+$0x0] =	vst.idx.add.f32.msk $0xffff, v58;
	v25 =	vmul.f32 v42, v38  }
0x98: {  	v15 =	vmov v48;
	v48 =	vadd.s32 $0x3000, v22;
	v58 =	vld.idx.msk [tilespmem:v6+s1+$0x0], $0xffff;
	v35 =	vmul.f32 v35, v39  }
0x99: {  	v11 =	vmov v50;
	v50 =	vadd.s32 $0x4000, v20;
	[tilespmem:v56+s14+$0x0] =	vst.idx.add.f32.msk $0xffff, v25;
	v25 =	vmul.f32 v41, v30  }
0x9a: {  	[tilespmem:v60+s14+$0x0] =	vst.idx.add.f32.msk $0xffff, v35  }
0x9b: {  	[tilespmem:v62+s14+$0x0] =	vst.idx.add.f32.msk $0xffff, v25;
	v5 =	vmul.f32 v5, v4  }
0x9c: {  	v25 =	vld.idx.msk [tilespmem:v43+s1+$0x0], $0xffff  }
0x9d: {  	[tilespmem:v48+s14+$0x0] =	vst.idx.add.f32.msk $0xffff, v5  }
0x9e: {  	v57 =	vadd.s32 $0x2000, v51;
	v27 =	vmul.f32 v27, v3;
	v5 =	vld.idx.msk [tilespmem:v50+s1+$0x0], $0xffff  }
0x9f: {  	v36 =	vld.idx.msk [tilespmem:v36+s1+$0x0], $0xffff  }
0xa0: {  	[tilespmem:v16+s14+$0x0] =	vst.idx.add.f32.msk $0xffff, v27;
	v27 =	vadd.s32 $0x4000, v22  }
0xa1: {  	v23 =	vld.idx.msk [tilespmem:v23+s1+$0x0], $0xffff;
	v56 =	vadd.s32 $0x5000, v20;
	v25 =	vmul.f32 v25, v38  }
0xa2: {  	v63 =	vadd.s32 $0x2000, v54;
	v55 =	vld.idx.msk [tilespmem:v28+s1+$0x0], $0xffff  }
0xa3: {  	[tilespmem:v57+s14+$0x0] =	vst.idx.add.f32.msk $0xffff, v25;
	v5 =	vmul.f32 v5, v4  }
0xa4: {  	v9 =	vmov v46;
	v46 =	vadd.s32 $0x3000, v53;
	v25 =	vld.idx.msk [tilespmem:v33+s1+$0x0], $0xffff  }
0xa5: {  	v59 =	vmul.f32 v36, v30;
	[tilespmem:v27+s14+$0x0] =	vst.idx.add.f32.msk $0xffff, v5  }
0xa6: {  	v60 =	vmul.f32 v58, v2;
	v2 =	vmov v39;
	v5 =	vld.idx.msk [tilespmem:v56+s1+$0x0], $0xffff  }
0xa7: {  	v23 =	vmul.f32 v23, v2;
	[tilespmem:v63+s14+$0x0] =	vst.idx.add.f32.msk $0xffff, v59  }
0xa8: {  	v61 =	vadd.s32 $0x5000, v22;
	v29 =	vld.idx.msk [tilespmem:v29+s1+$0x0], $0xffff  }
0xa9: {  	v8 =	vmov v45;
	v45 =	vadd.s32 $0x3000, v51;
	[tilespmem:v46+s14+$0x0] =	vst.idx.add.f32.msk $0xffff, v23  }
0xaa: {  	[tilespmem:$0x1FFE0] =	vst v0;
	v0 =	vadd.s32 $0x3000, v54;
	v23 =	vld [tilespmem:$0x1FFD0];
	v27 =	vmul.f32 v55, v1  }
0xab: {  	v63 =	vld.idx.msk [tilespmem:v7+s1+$0x0], $0xffff;
	v1 =	vmov v38;
	v5 =	vmul.f32 v5, v4  }
0xac: {  	v25 =	vmul.f32 v25, v1;
	[tilespmem:v13+s14+$0x0] =	vst.idx.add.f32.msk $0xffff, v27  }
0xad: {  	[tilespmem:v61+s14+$0x0] =	vst.idx.add.f32.msk $0xffff, v5;
	v5 =	vmul.f32 v29, v30  }
0xae: {  	[tilespmem:v45+s14+$0x0] =	vst.idx.add.f32.msk $0xffff, v25  }
0xaf: {  	[tilespmem:v0+s14+$0x0] =	vst.idx.add.f32.msk $0xffff, v5  }
0xb0: {  	v62 =	vadd.s32 $0x6000, v20;
	v0 =	vld.idx.msk [tilespmem:v24+s1+$0x0], $0xffff  }
0xb1: {  	v21 =	vld.idx.msk [tilespmem:v21+s1+$0x0], $0xffff  }
0xb2: {  	v31 =	vadd.s32 $0x4000, v53;
	v24 =	vld.idx.msk [tilespmem:v23+s1+$0x0], $0xffff  }
0xb3: {  	v23 =	vld [tilespmem:$0x1FFE0];
	_ =	sdelay $0x1  }
0xb4: {  	v37 =	vadd.s32 $0x4000, v51;
	v25 =	vld.idx.msk [tilespmem:v62+s1+$0x0], $0xffff;
	v0 =	vmul.f32 v0, v2  }
0xb5: {  	[tilespmem:v10+s14+$0x0] =	vst.idx.add.f32.msk $0xffff, v60  }
0xb6: {  	v5 =	vadd.s32 $0x6000, v22;
	[tilespmem:v31+s14+$0x0] =	vst.idx.add.f32.msk $0xffff, v0  }
0xb7: {  	v21 =	vmul.f32 v21, v1;
	v0 =	vld [tilespmem:$0x1FFF0]  }
0xb8: {  	v34 =	vadd.s32 $0x4000, v54  }
0xb9: {  	s19 =	sadd.s32 $0x4, s19;
	v20 =	vadd.s32 $0x7000, v20;
	[tilespmem:v37+s14+$0x0] =	vst.idx.add.f32.msk $0xffff, v21;
	v21 =	vmul.f32 v25, v4  }
0xba: {  	p0 =	slt.u32 s19, $0x1FC;
	v27 =	vmul.f32 v63, v3;
	v3 =	vmov v30;
	v25 =	vld.idx.msk [tilespmem:v23+s1+$0x0], $0xffff  }
.Ltmp1:
0xbb: {  	v19 =	vadd.s32 $0x5000, v54;
	[tilespmem:v5+s14+$0x0] =	vst.idx.add.f32.msk $0xffff, v21;
	v5 =	vmul.f32 v24, v3;
	(pc) =	sbr.rel @p0 .LBB2_5-.Ltmp1, $4  }
0xbc: {  	v44 =	vadd.s32 $0x6000, v53;
	v47 =	vadd.s32 $0x6000, v54;
	v54 =	vadd.s32 $0x7000, v54;
	[tilespmem:v12+s14+$0x0] =	vst.idx.add.f32.msk $0xffff, v27  }
0xbd: {  	v14 =	vmovc v44;
	v26 =	vadd.s32 $0x5000, v51;
	v18 =	vadd.s32 $0x5000, v53;
	v53 =	vadd.s32 $0x7000, v53;
	[tilespmem:v34+s14+$0x0] =	vst.idx.add.f32.msk $0xffff, v5  }
0xbe: {  	v51 =	vadd.s32 $0x7000, v51;
	v6 =	vmovc v52;
	v28 =	vmovc v49;
	v16 =	vmov v47;
	v7 =	vmov v32;
	v23 =	vld.idx.msk [tilespmem:v20+s1+$0x0], $0xffff  }
0xbf: {  	s20 =	sadd.s32 $0x40, s20;
	v13 =	vmovc v51;
	v10 =	vmovc v53;
	v22 =	vadd.s32 $0x7000, v22;
	v12 =	vmov v54;
	v24 =	vmul.f32 v25, v1;
	v21 =	vld.idx.msk [tilespmem:v0+s1+$0x0], $0xffff  }
0xc0: {  	_ =	sdelay $0x3  }
0xc1: {  	v0 =	vld.idx.msk [tilespmem:v17+s1+$0x0], $0xffff;
	_ =	sdelay $0x3  }
0xc2: {  	[tilespmem:v26+s14+$0x0] =	vst.idx.add.f32.msk $0xffff, v24;
	v5 =	vmul.f32 v21, v2  }
0xc3: {  	v57 =	vld.idx.msk [tilespmem:v8+s1+$0x0], $0xffff;
	v0 =	vmul.f32 v0, v3  }
0xc4: {  	[tilespmem:v18+s14+$0x0] =	vst.idx.add.f32.msk $0xffff, v5  }
0xc5: {  	[tilespmem:v19+s14+$0x0] =	vst.idx.add.f32.msk $0xffff, v0  }
0xc6: {  	v5 =	vld.idx.msk [tilespmem:v9+s1+$0x0], $0xffff  }
0xc7: {  	v58 =	vld.idx.msk [tilespmem:v11+s1+$0x0], $0xffff;
	_ =	sdelay $0x1  }
0xc8: {  	v0 =	vmul.f32 v57, v1;
	_ =	sdelay $0x1  }
0xc9: {  	[tilespmem:v15+s14+$0x0] =	vst.idx.add.f32.msk $0xffff, v0;
	v5 =	vmul.f32 v5, v2  }
0xca: {  	v60 =	vld.idx.msk [tilespmem:v28+s1+$0x0], $0xffff;
	v59 =	vmul.f32 v58, v3  }
0xcb: {  	[tilespmem:v14+s14+$0x0] =	vst.idx.add.f32.msk $0xffff, v5  }
0xcc: {  	[tilespmem:v16+s14+$0x0] =	vst.idx.add.f32.msk $0xffff, v59  }
0xcd: {  	v5 =	vld.idx.msk [tilespmem:v6+s1+$0x0], $0xffff  }
0xce: {  	v61 =	vld.idx.msk [tilespmem:v7+s1+$0x0], $0xffff  }
0xcf: {  	s16 =	sadd.s32 $0x1, s16  }
0xd0: {  	p0 =	sne.s32 s16, $0x8;
	v4 =	vmul.f32 v23, v4  }
.Ltmp2:
0xd1: {  	v0 =	vmul.f32 v60, v1;
	(pc) =	sbr.rel @p0 .LBB2_4-.Ltmp2, $4  }
0xd2: {  	[tilespmem:v22+s14+$0x0] =	vst.idx.add.f32.msk $0xffff, v4;
	v62 =	vmul.f32 v5, v2  }
0xd3: {  	[tilespmem:v13+s14+$0x0] =	vst.idx.add.f32.msk $0xffff, v0;
	v63 =	vmul.f32 v61, v3  }
0xd4: {  	[tilespmem:v10+s14+$0x0] =	vst.idx.add.f32.msk $0xffff, v62  }
0xd5: {  	[tilespmem:v12+s14+$0x0] =	vst.idx.add.f32.msk $0xffff, v63  }
0xd6: {  	s15 =	sadd.s32 $0x1, s15  }
0xd7: {  	p0 =	sne.s32 s15, s9  }
.Ltmp3:
0xd8: {  	_ = 	snop;
	(pc) =	sbr.rel @p0 .LBB2_1-.Ltmp3, $4  }
0xd9: {  	[hbm4b:s8+s1] =	stream.linear.scatter [tilespmem:s14], [sflag:$0x1], $0x8000, $0x38;
	[tilespmem:$0x16000] =	vst v63  }
0xda: {  	_ =	swait.ge [sflag:s10], $0x8000  }
0xdb: {  	[sflag:s10] =	ssyncset.done $0x0  }
0xdc: {  	v0 =	vimm.f32 $0.0e+00;
	[sflag:s10] =	ssyncadd.s32 $0xFFFF8000  }
0xdd: {  	_ =	sfence.sel $0x180000  }
0xde: {  	[bflag:$0x0] =	sbarrier.arrive $0xFFFF  }
0xdf: {  	p0 =	sne.s32 s2, $0x0;
	_ =	strace $0x90000050  }
0xe0: {  	s0 =	sadd.s32 @!p0 $0x100000, s0;
	[bflag:$0x2] =	sbarrier.arrive $0xFFFF  }
0xe1: {  	[sflag:s0] =	ssyncadd.tile.s32 @!p0 $0x1;
	_ =	shalt  }
.Lfunc_end2:
_tile_overlayer_lowered:
.L_overlay_start_2:
0xe2: {  	(tag) =	ssettag $0x2  }
0xe3: {  	s0 =	rddreg [dreg:$0x0];
	s2 =	stileid.u32  }
0xe4: {  	s1 =	rddreg [dreg:$0x1];
	p0 =	sne.s32 s2, $0x0  }
0xe5: {  	s3 =	rddreg [dreg:$0x2];
	[bflag:$0x3] =	sbarrier.arrive $0xFFFF;
	s2 =	simm.s32 @!p0 $0x1C01  }
0xe6: {  	[timem:s3], [sflag:s2] =	dma.local @!p0 [hbm:s0], s1  }
0xe7: {  	s0 =	simm.s32 @!p0 $0x1  }
0xe8: {  	_ =	swait.ge @!p0 [sflag:s0], s1  }
0xe9: {  	s1 =	ssub.s32 @!p0 $0x0, s1;
	[sflag:s0] =	ssyncset.done @!p0 $0x0  }
0xea: {  	[sflag:s0] =	ssyncadd.s32 @!p0 s1  }
0xeb: {  	[bflag:$0x3] =	sbarrier.arrive $0xFFFF  }
0xec: {  	_ =	shalt  }

</sc_bundles>
